<compile_context>
chip_gen: v7x
topology: tpu7x:2x2x1
jax: 0.10.2.dev20260603
libtpu: 0.0.44.dev20260713+nightly
codegen_flags: <defaults>
</compile_context>

<pallas_src>
import functools

import jax
import jax.numpy as jnp
from jax import lax
from jax.experimental import pallas as pl
from jax.experimental.pallas import tpu as pltpu
from jax.experimental.pallas import tpu_sc as plsc

_B = 4 * 8192
_D = 1024
_INFO = plsc.get_sparse_core_info()
_NC = _INFO.num_cores
_NS = _INFO.num_subcores
_NW = _NC * _NS
_BPW = _B // _NW
_CHUNK = 8
_NB = 8
_N = _BPW // _CHUNK
_G = _N // _NB


@functools.partial(
    pl.kernel,
    mesh=plsc.VectorSubcoreMesh(core_axis_name="c", subcore_axis_name="s"),
    out_type=jax.ShapeDtypeStruct((_B, _D), jnp.float32),
    scratch_types=[
        pltpu.VMEM((_N, _CHUNK), jnp.int32),
        pltpu.VMEM((_NB, _CHUNK, _D), jnp.float32),
        pltpu.SemaphoreType.DMA((_NB,)),
        pltpu.SemaphoreType.DMA((_NB,)),
    ],
)
def _gather_rows(idx_hbm, table_hbm, out_hbm, idx_v, buf_v, gsem, ssem):
    wid = lax.axis_index("s") * _NC + lax.axis_index("c")
    base = wid * _BPW
    pltpu.sync_copy(idx_hbm.at[wid], idx_v)

    def start_gather(g, slot):
        pltpu.async_copy(table_hbm.at[idx_v.at[g]], buf_v.at[slot],
                         gsem.at[slot])

    def wait_gather(slot):
        pltpu.make_async_copy(table_hbm.at[idx_v.at[0]], buf_v.at[slot],
                              gsem.at[slot]).wait()

    def start_scatter(g, slot):
        pltpu.async_copy(buf_v.at[slot],
                         out_hbm.at[pl.ds(base + g * _CHUNK, _CHUNK)],
                         ssem.at[slot])

    def wait_scatter(slot):
        pltpu.make_async_copy(buf_v.at[slot],
                              out_hbm.at[pl.ds(base, _CHUNK)],
                              ssem.at[slot]).wait()

    def chunk_body(g, b, first, refill):
        prev = (b - 1) % _NB
        wait_gather(b)
        start_scatter(g, b)
        if not first:
            wait_scatter(prev)
        if refill:
            start_gather(g + _NB - 1, prev)

    for b in range(_NB - 1):
        start_gather(b, b)

    for b in range(_NB):
        chunk_body(b, b, first=(b == 0), refill=True)

    def group(i, carry):
        for b in range(_NB):
            chunk_body(i * _NB + b, b, first=False, refill=True)
        return carry

    lax.fori_loop(1, _G - 1, group, 0)

    for b in range(_NB):
        chunk_body(_N - _NB + b, b, first=False, refill=(b == 0))

    wait_scatter(_NB - 1)


def kernel(t, pos_emb):
    idx = t.reshape(_NW, _N, _CHUNK).astype(jnp.int32)
    out = _gather_rows(idx, pos_emb)
    return out.reshape(t.shape[0], t.shape[1], _D)

# --- scband reference (transcript-rebuilt; emitter-appended) ---
"""Pipeline reference for scband-positional-encoding-16965120819842 (READ-ONLY COPY).

The authoritative reference and input builder live on the scoring server;
editing this copy changes nothing except your own understanding.
"""

import jax, jax.numpy as jnp
import numpy as np
import math

N_DIM = 1024
N_STEP = 32768

def build_pos_emb(n_dim, n_step):
    position = jnp.arange(n_step, dtype=jnp.float32)
    div_term = jnp.exp(jnp.arange(0, n_dim, 2, dtype=jnp.float32) * (-math.log(10000.0) / n_dim))
    # div_term: [n_dim//2], position: [n_step]
    angles = div_term[:, None] * position[None, :]  # [n_dim//2, n_step]
    pos_emb = jnp.zeros((n_step, n_dim), dtype=jnp.float32)
    pos_emb = pos_emb.at[:, 0::2].set(jnp.sin(angles).T)
    pos_emb = pos_emb.at[:, 1::2].set(jnp.cos(angles).T)
    return pos_emb

def setup_inputs(seed: int = 0) -> dict:
    key = jax.random.key(seed)
    t = jax.random.randint(key, (4, 8192), 0, N_STEP, dtype=jnp.int64 if jax.config.jax_enable_x64 else jnp.int32)
    pos_emb = build_pos_emb(N_DIM, N_STEP)
    return {"t": t, "pos_emb": pos_emb}

def reference(t, pos_emb):
    # Faithful translation of: return self.pos_emb[t, :]
    return jnp.take(pos_emb, t, axis=0)

if __name__ == "__main__":
    import jax
    _d = setup_inputs()
    print(jax.jit(kernel)(*tuple(_d.values())))

</pallas_src>

<mosaic_0001>
#map = affine_map<(d0, d1) -> (0, 0, 0)>
#map1 = affine_map<(d0, d1) -> (0, 0)>
module attributes {stable_mosaic.version = 14 : i64} {
  func.func @_gather_rows(%arg0: i32, %arg1: i32, %arg2: memref<32x128x8xi32, #tpu.memory_space<hbm>>, %arg3: memref<32768x1024xf32, #tpu.memory_space<hbm>>, %arg4: memref<32768x1024xf32, #tpu.memory_space<hbm>>, %arg5: memref<128x8xi32, #tpu.memory_space<vmem>>, %arg6: memref<8x8x1024xf32, #tpu.memory_space<vmem>>, %arg7: memref<8x!tpu.dma_semaphore, #tpu.memory_space<semaphore_mem>>, %arg8: memref<8x!tpu.dma_semaphore, #tpu.memory_space<semaphore_mem>>) attributes {dimension_semantics = [#tpu.dimension_semantics<core_parallel>, #tpu.dimension_semantics<subcore_parallel>], iteration_bounds = array<i64: 2, 16>, scalar_prefetch = 0 : i64, scratch_operands = 4 : i64, tpu.core_type = #tpu.core_type<sc_vector_subcore>, window_params = [{transform_indices = #map}, {transform_indices = #map1}, {transform_indices = #map1}]} {
    %mul3A = arith.constant 2 : i32
    %mul3A_0 = arith.muli %arg1, %mul3A : i32
    %add3A = arith.addi %mul3A_0, %arg0 : i32
    %mul3A_1 = arith.constant 1024 : i32
    %mul3A_2 = arith.muli %add3A, %mul3A_1 : i32
    "tpu.region"() ({
      %run_scoped3A = tpu.sem_alloc : memref<!tpu.dma_semaphore, #tpu.memory_space<semaphore_mem>>
      %dma_start3A_1030 = arith.constant 0 : i32
      %dma_start3A_1031 = arith.constant 0 : i32
      %dma_start3A_1032 = tpu.memref_slice %arg2[%add3A, %dma_start3A_1030, %dma_start3A_1031] : memref<32x128x8xi32, #tpu.memory_space<hbm>> -> memref<1x128x8xi32, #tpu.memory_space<hbm>>
      %dma_start3A_1033 = tpu.memref_squeeze %dma_start3A_1032 : memref<1x128x8xi32, #tpu.memory_space<hbm>> -> memref<128x8xi32, #tpu.memory_space<hbm>>
      %dma_start3A_1034 = arith.constant 0 : i32
      %dma_start3A_1035 = arith.constant 0 : i32
      %dma_start3A_1036 = tpu.memref_slice %arg2[%add3A, %dma_start3A_1034, %dma_start3A_1035] : memref<32x128x8xi32, #tpu.memory_space<hbm>> -> memref<1x128x8xi32, #tpu.memory_space<hbm>>
      %dma_start3A_1037 = tpu.memref_squeeze %dma_start3A_1036 : memref<1x128x8xi32, #tpu.memory_space<hbm>> -> memref<128x8xi32, #tpu.memory_space<hbm>>
      tpu.enqueue_dma source(%dma_start3A_1037 : memref<128x8xi32, #tpu.memory_space<hbm>>) target(%arg5 : memref<128x8xi32, #tpu.memory_space<vmem>>) target_semaphore(%run_scoped3A : memref<!tpu.dma_semaphore, #tpu.memory_space<semaphore_mem>>)
      %dma_wait3A_1038 = arith.constant 0 : i32
      %dma_wait3A_1039 = arith.constant 0 : i32
      %dma_wait3A_1040 = tpu.memref_slice %arg2[%add3A, %dma_wait3A_1038, %dma_wait3A_1039] : memref<32x128x8xi32, #tpu.memory_space<hbm>> -> memref<1x128x8xi32, #tpu.memory_space<hbm>>
      %dma_wait3A_1041 = tpu.memref_squeeze %dma_wait3A_1040 : memref<1x128x8xi32, #tpu.memory_space<hbm>> -> memref<128x8xi32, #tpu.memory_space<hbm>>
      %dma_wait3A_1042 = arith.constant 0 : i32
      %dma_wait3A_1043 = arith.constant 0 : i32
      %dma_wait3A_1044 = tpu.memref_slice %arg2[%add3A, %dma_wait3A_1042, %dma_wait3A_1043] : memref<32x128x8xi32, #tpu.memory_space<hbm>> -> memref<1x128x8xi32, #tpu.memory_space<hbm>>
      %dma_wait3A_1045 = tpu.memref_squeeze %dma_wait3A_1044 : memref<1x128x8xi32, #tpu.memory_space<hbm>> -> memref<128x8xi32, #tpu.memory_space<hbm>>
      tpu.wait_dma2 semaphore(%run_scoped3A : memref<!tpu.dma_semaphore, #tpu.memory_space<semaphore_mem>>) src(%dma_wait3A_1045 : memref<128x8xi32, #tpu.memory_space<hbm>>) dst(%arg5 : memref<128x8xi32, #tpu.memory_space<vmem>>)
      tpu.yield
    }) : () -> ()
    %dma_start3A = arith.constant 0 : i32
    %dma_start3A_3 = arith.constant 0 : i32
    %dma_start3A_4 = arith.constant 0 : i32
    %dma_start3A_5 = arith.constant 0 : i32
    %dma_start3A_6 = arith.constant 0 : i32
    %dma_start3A_7 = tpu.memref_slice %arg6[%dma_start3A_3, %dma_start3A_5, %dma_start3A_6] : memref<8x8x1024xf32, #tpu.memory_space<vmem>> -> memref<1x8x1024xf32, #tpu.memory_space<vmem>>
    %dma_start3A_8 = tpu.memref_squeeze %dma_start3A_7 : memref<1x8x1024xf32, #tpu.memory_space<vmem>> -> memref<8x1024xf32, #tpu.memory_space<vmem>>
    %dma_start3A_9 = arith.constant 0 : i32
    %dma_start3A_10 = tpu.memref_slice %arg5[%dma_start3A, %dma_start3A_9] : memref<128x8xi32, #tpu.memory_space<vmem>> -> memref<1x8xi32, #tpu.memory_space<vmem>>
    %dma_start3A_11 = tpu.memref_squeeze %dma_start3A_10 : memref<1x8xi32, #tpu.memory_space<vmem>> -> memref<8xi32, #tpu.memory_space<vmem>>
    %dma_start3A_12 = arith.constant 0 : i32
    %dma_start3A_13 = arith.constant 0 : i32
    %dma_start3A_14 = tpu.memref_slice %arg3[%dma_start3A_12, %dma_start3A_13] : memref<32768x1024xf32, #tpu.memory_space<hbm>> -> memref<32768x1024xf32, #tpu.memory_space<hbm>>
    %dma_start3A_15 = tpu.memref_slice %arg7[%dma_start3A_4] : memref<8x!tpu.dma_semaphore, #tpu.memory_space<semaphore_mem>> -> memref<1x!tpu.dma_semaphore, #tpu.memory_space<semaphore_mem>>
    %dma_start3A_16 = tpu.memref_squeeze %dma_start3A_15 : memref<1x!tpu.dma_semaphore, #tpu.memory_space<semaphore_mem>> -> memref<!tpu.dma_semaphore, #tpu.memory_space<semaphore_mem>>
    tpu.enqueue_indirect_dma source(%dma_start3A_14 : memref<32768x1024xf32, #tpu.memory_space<hbm>>) target(%dma_start3A_8 : memref<8x1024xf32, #tpu.memory_space<vmem>>) offsets(%dma_start3A_11 : memref<8xi32, #tpu.memory_space<vmem>>) semaphore(%dma_start3A_16 : memref<!tpu.dma_semaphore, #tpu.memory_space<semaphore_mem>>)
    %dma_start3A_17 = arith.constant 1 : i32
    %dma_start3A_18 = arith.constant 1 : i32
    %dma_start3A_19 = arith.constant 1 : i32
    %dma_start3A_20 = arith.constant 0 : i32
    %dma_start3A_21 = arith.constant 0 : i32
    %dma_start3A_22 = tpu.memref_slice %arg6[%dma_start3A_18, %dma_start3A_20, %dma_start3A_21] : memref<8x8x1024xf32, #tpu.memory_space<vmem>> -> memref<1x8x1024xf32, #tpu.memory_space<vmem>>
    %dma_start3A_23 = tpu.memref_squeeze %dma_start3A_22 : memref<1x8x1024xf32, #tpu.memory_space<vmem>> -> memref<8x1024xf32, #tpu.memory_space<vmem>>
    %dma_start3A_24 = arith.constant 0 : i32
    %dma_start3A_25 = tpu.memref_slice %arg5[%dma_start3A_17, %dma_start3A_24] : memref<128x8xi32, #tpu.memory_space<vmem>> -> memref<1x8xi32, #tpu.memory_space<vmem>>
    %dma_start3A_26 = tpu.memref_squeeze %dma_start3A_25 : memref<1x8xi32, #tpu.memory_space<vmem>> -> memref<8xi32, #tpu.memory_space<vmem>>
    %dma_start3A_27 = arith.constant 0 : i32
    %dma_start3A_28 = arith.constant 0 : i32
    %dma_start3A_29 = tpu.memref_slice %arg3[%dma_start3A_27, %dma_start3A_28] : memref<32768x1024xf32, #tpu.memory_space<hbm>> -> memref<32768x1024xf32, #tpu.memory_space<hbm>>
    %dma_start3A_30 = tpu.memref_slice %arg7[%dma_start3A_19] : memref<8x!tpu.dma_semaphore, #tpu.memory_space<semaphore_mem>> -> memref<1x!tpu.dma_semaphore, #tpu.memory_space<semaphore_mem>>
    %dma_start3A_31 = tpu.memref_squeeze %dma_start3A_30 : memref<1x!tpu.dma_semaphore, #tpu.memory_space<semaphore_mem>> -> memref<!tpu.dma_semaphore, #tpu.memory_space<semaphore_mem>>
    tpu.enqueue_indirect_dma source(%dma_start3A_29 : memref<32768x1024xf32, #tpu.memory_space<hbm>>) target(%dma_start3A_23 : memref<8x1024xf32, #tpu.memory_space<vmem>>) offsets(%dma_start3A_26 : memref<8xi32, #tpu.memory_space<vmem>>) semaphore(%dma_start3A_31 : memref<!tpu.dma_semaphore, #tpu.memory_space<semaphore_mem>>)
    %dma_start3A_32 = arith.constant 2 : i32
    %dma_start3A_33 = arith.constant 2 : i32
    %dma_start3A_34 = arith.constant 2 : i32
    %dma_start3A_35 = arith.constant 0 : i32
    %dma_start3A_36 = arith.constant 0 : i32
    %dma_start3A_37 = tpu.memref_slice %arg6[%dma_start3A_33, %dma_start3A_35, %dma_start3A_36] : memref<8x8x1024xf32, #tpu.memory_space<vmem>> -> memref<1x8x1024xf32, #tpu.memory_space<vmem>>
    %dma_start3A_38 = tpu.memref_squeeze %dma_start3A_37 : memref<1x8x1024xf32, #tpu.memory_space<vmem>> -> memref<8x1024xf32, #tpu.memory_space<vmem>>
    %dma_start3A_39 = arith.constant 0 : i32
    %dma_start3A_40 = tpu.memref_slice %arg5[%dma_start3A_32, %dma_start3A_39] : memref<128x8xi32, #tpu.memory_space<vmem>> -> memref<1x8xi32, #tpu.memory_space<vmem>>
    %dma_start3A_41 = tpu.memref_squeeze %dma_start3A_40 : memref<1x8xi32, #tpu.memory_space<vmem>> -> memref<8xi32, #tpu.memory_space<vmem>>
    %dma_start3A_42 = arith.constant 0 : i32
    %dma_start3A_43 = arith.constant 0 : i32
    %dma_start3A_44 = tpu.memref_slice %arg3[%dma_start3A_42, %dma_start3A_43] : memref<32768x1024xf32, #tpu.memory_space<hbm>> -> memref<32768x1024xf32, #tpu.memory_space<hbm>>
    %dma_start3A_45 = tpu.memref_slice %arg7[%dma_start3A_34] : memref<8x!tpu.dma_semaphore, #tpu.memory_space<semaphore_mem>> -> memref<1x!tpu.dma_semaphore, #tpu.memory_space<semaphore_mem>>
    %dma_start3A_46 = tpu.memref_squeeze %dma_start3A_45 : memref<1x!tpu.dma_semaphore, #tpu.memory_space<semaphore_mem>> -> memref<!tpu.dma_semaphore, #tpu.memory_space<semaphore_mem>>
    tpu.enqueue_indirect_dma source(%dma_start3A_44 : memref<32768x1024xf32, #tpu.memory_space<hbm>>) target(%dma_start3A_38 : memref<8x1024xf32, #tpu.memory_space<vmem>>) offsets(%dma_start3A_41 : memref<8xi32, #tpu.memory_space<vmem>>) semaphore(%dma_start3A_46 : memref<!tpu.dma_semaphore, #tpu.memory_space<semaphore_mem>>)
    %dma_start3A_47 = arith.constant 3 : i32
    %dma_start3A_48 = arith.constant 3 : i32
    %dma_start3A_49 = arith.constant 3 : i32
    %dma_start3A_50 = arith.constant 0 : i32
    %dma_start3A_51 = arith.constant 0 : i32
    %dma_start3A_52 = tpu.memref_slice %arg6[%dma_start3A_48, %dma_start3A_50, %dma_start3A_51] : memref<8x8x1024xf32, #tpu.memory_space<vmem>> -> memref<1x8x1024xf32, #tpu.memory_space<vmem>>
    %dma_start3A_53 = tpu.memref_squeeze %dma_start3A_52 : memref<1x8x1024xf32, #tpu.memory_space<vmem>> -> memref<8x1024xf32, #tpu.memory_space<vmem>>
    %dma_start3A_54 = arith.constant 0 : i32
    %dma_start3A_55 = tpu.memref_slice %arg5[%dma_start3A_47, %dma_start3A_54] : memref<128x8xi32, #tpu.memory_space<vmem>> -> memref<1x8xi32, #tpu.memory_space<vmem>>
    %dma_start3A_56 = tpu.memref_squeeze %dma_start3A_55 : memref<1x8xi32, #tpu.memory_space<vmem>> -> memref<8xi32, #tpu.memory_space<vmem>>
    %dma_start3A_57 = arith.constant 0 : i32
    %dma_start3A_58 = arith.constant 0 : i32
    %dma_start3A_59 = tpu.memref_slice %arg3[%dma_start3A_57, %dma_start3A_58] : memref<32768x1024xf32, #tpu.memory_space<hbm>> -> memref<32768x1024xf32, #tpu.memory_space<hbm>>
    %dma_start3A_60 = tpu.memref_slice %arg7[%dma_start3A_49] : memref<8x!tpu.dma_semaphore, #tpu.memory_space<semaphore_mem>> -> memref<1x!tpu.dma_semaphore, #tpu.memory_space<semaphore_mem>>
    %dma_start3A_61 = tpu.memref_squeeze %dma_start3A_60 : memref<1x!tpu.dma_semaphore, #tpu.memory_space<semaphore_mem>> -> memref<!tpu.dma_semaphore, #tpu.memory_space<semaphore_mem>>
    tpu.enqueue_indirect_dma source(%dma_start3A_59 : memref<32768x1024xf32, #tpu.memory_space<hbm>>) target(%dma_start3A_53 : memref<8x1024xf32, #tpu.memory_space<vmem>>) offsets(%dma_start3A_56 : memref<8xi32, #tpu.memory_space<vmem>>) semaphore(%dma_start3A_61 : memref<!tpu.dma_semaphore, #tpu.memory_space<semaphore_mem>>)
    %dma_start3A_62 = arith.constant 4 : i32
    %dma_start3A_63 = arith.constant 4 : i32
    %dma_start3A_64 = arith.constant 4 : i32
    %dma_start3A_65 = arith.constant 0 : i32
    %dma_start3A_66 = arith.constant 0 : i32
    %dma_start3A_67 = tpu.memref_slice %arg6[%dma_start3A_63, %dma_start3A_65, %dma_start3A_66] : memref<8x8x1024xf32, #tpu.memory_space<vmem>> -> memref<1x8x1024xf32, #tpu.memory_space<vmem>>
    %dma_start3A_68 = tpu.memref_squeeze %dma_start3A_67 : memref<1x8x1024xf32, #tpu.memory_space<vmem>> -> memref<8x1024xf32, #tpu.memory_space<vmem>>
    %dma_start3A_69 = arith.constant 0 : i32
    %dma_start3A_70 = tpu.memref_slice %arg5[%dma_start3A_62, %dma_start3A_69] : memref<128x8xi32, #tpu.memory_space<vmem>> -> memref<1x8xi32, #tpu.memory_space<vmem>>
    %dma_start3A_71 = tpu.memref_squeeze %dma_start3A_70 : memref<1x8xi32, #tpu.memory_space<vmem>> -> memref<8xi32, #tpu.memory_space<vmem>>
    %dma_start3A_72 = arith.constant 0 : i32
    %dma_start3A_73 = arith.constant 0 : i32
    %dma_start3A_74 = tpu.memref_slice %arg3[%dma_start3A_72, %dma_start3A_73] : memref<32768x1024xf32, #tpu.memory_space<hbm>> -> memref<32768x1024xf32, #tpu.memory_space<hbm>>
    %dma_start3A_75 = tpu.memref_slice %arg7[%dma_start3A_64] : memref<8x!tpu.dma_semaphore, #tpu.memory_space<semaphore_mem>> -> memref<1x!tpu.dma_semaphore, #tpu.memory_space<semaphore_mem>>
    %dma_start3A_76 = tpu.memref_squeeze %dma_start3A_75 : memref<1x!tpu.dma_semaphore, #tpu.memory_space<semaphore_mem>> -> memref<!tpu.dma_semaphore, #tpu.memory_space<semaphore_mem>>
    tpu.enqueue_indirect_dma source(%dma_start3A_74 : memref<32768x1024xf32, #tpu.memory_space<hbm>>) target(%dma_start3A_68 : memref<8x1024xf32, #tpu.memory_space<vmem>>) offsets(%dma_start3A_71 : memref<8xi32, #tpu.memory_space<vmem>>) semaphore(%dma_start3A_76 : memref<!tpu.dma_semaphore, #tpu.memory_space<semaphore_mem>>)
    %dma_start3A_77 = arith.constant 5 : i32
    %dma_start3A_78 = arith.constant 5 : i32
    %dma_start3A_79 = arith.constant 5 : i32
    %dma_start3A_80 = arith.constant 0 : i32
    %dma_start3A_81 = arith.constant 0 : i32
    %dma_start3A_82 = tpu.memref_slice %arg6[%dma_start3A_78, %dma_start3A_80, %dma_start3A_81] : memref<8x8x1024xf32, #tpu.memory_space<vmem>> -> memref<1x8x1024xf32, #tpu.memory_space<vmem>>
    %dma_start3A_83 = tpu.memref_squeeze %dma_start3A_82 : memref<1x8x1024xf32, #tpu.memory_space<vmem>> -> memref<8x1024xf32, #tpu.memory_space<vmem>>
    %dma_start3A_84 = arith.constant 0 : i32
    %dma_start3A_85 = tpu.memref_slice %arg5[%dma_start3A_77, %dma_start3A_84] : memref<128x8xi32, #tpu.memory_space<vmem>> -> memref<1x8xi32, #tpu.memory_space<vmem>>
    %dma_start3A_86 = tpu.memref_squeeze %dma_start3A_85 : memref<1x8xi32, #tpu.memory_space<vmem>> -> memref<8xi32, #tpu.memory_space<vmem>>
    %dma_start3A_87 = arith.constant 0 : i32
    %dma_start3A_88 = arith.constant 0 : i32
    %dma_start3A_89 = tpu.memref_slice %arg3[%dma_start3A_87, %dma_start3A_88] : memref<32768x1024xf32, #tpu.memory_space<hbm>> -> memref<32768x1024xf32, #tpu.memory_space<hbm>>
    %dma_start3A_90 = tpu.memref_slice %arg7[%dma_start3A_79] : memref<8x!tpu.dma_semaphore, #tpu.memory_space<semaphore_mem>> -> memref<1x!tpu.dma_semaphore, #tpu.memory_space<semaphore_mem>>
    %dma_start3A_91 = tpu.memref_squeeze %dma_start3A_90 : memref<1x!tpu.dma_semaphore, #tpu.memory_space<semaphore_mem>> -> memref<!tpu.dma_semaphore, #tpu.memory_space<semaphore_mem>>
    tpu.enqueue_indirect_dma source(%dma_start3A_89 : memref<32768x1024xf32, #tpu.memory_space<hbm>>) target(%dma_start3A_83 : memref<8x1024xf32, #tpu.memory_space<vmem>>) offsets(%dma_start3A_86 : memref<8xi32, #tpu.memory_space<vmem>>) semaphore(%dma_start3A_91 : memref<!tpu.dma_semaphore, #tpu.memory_space<semaphore_mem>>)
    %dma_start3A_92 = arith.constant 6 : i32
    %dma_start3A_93 = arith.constant 6 : i32
    %dma_start3A_94 = arith.constant 6 : i32
    %dma_start3A_95 = arith.constant 0 : i32
    %dma_start3A_96 = arith.constant 0 : i32
    %dma_start3A_97 = tpu.memref_slice %arg6[%dma_start3A_93, %dma_start3A_95, %dma_start3A_96] : memref<8x8x1024xf32, #tpu.memory_space<vmem>> -> memref<1x8x1024xf32, #tpu.memory_space<vmem>>
    %dma_start3A_98 = tpu.memref_squeeze %dma_start3A_97 : memref<1x8x1024xf32, #tpu.memory_space<vmem>> -> memref<8x1024xf32, #tpu.memory_space<vmem>>
    %dma_start3A_99 = arith.constant 0 : i32
    %dma_start3A_100 = tpu.memref_slice %arg5[%dma_start3A_92, %dma_start3A_99] : memref<128x8xi32, #tpu.memory_space<vmem>> -> memref<1x8xi32, #tpu.memory_space<vmem>>
    %dma_start3A_101 = tpu.memref_squeeze %dma_start3A_100 : memref<1x8xi32, #tpu.memory_space<vmem>> -> memref<8xi32, #tpu.memory_space<vmem>>
    %dma_start3A_102 = arith.constant 0 : i32
    %dma_start3A_103 = arith.constant 0 : i32
    %dma_start3A_104 = tpu.memref_slice %arg3[%dma_start3A_102, %dma_start3A_103] : memref<32768x1024xf32, #tpu.memory_space<hbm>> -> memref<32768x1024xf32, #tpu.memory_space<hbm>>
    %dma_start3A_105 = tpu.memref_slice %arg7[%dma_start3A_94] : memref<8x!tpu.dma_semaphore, #tpu.memory_space<semaphore_mem>> -> memref<1x!tpu.dma_semaphore, #tpu.memory_space<semaphore_mem>>
    %dma_start3A_106 = tpu.memref_squeeze %dma_start3A_105 : memref<1x!tpu.dma_semaphore, #tpu.memory_space<semaphore_mem>> -> memref<!tpu.dma_semaphore, #tpu.memory_space<semaphore_mem>>
    tpu.enqueue_indirect_dma source(%dma_start3A_104 : memref<32768x1024xf32, #tpu.memory_space<hbm>>) target(%dma_start3A_98 : memref<8x1024xf32, #tpu.memory_space<vmem>>) offsets(%dma_start3A_101 : memref<8xi32, #tpu.memory_space<vmem>>) semaphore(%dma_start3A_106 : memref<!tpu.dma_semaphore, #tpu.memory_space<semaphore_mem>>)
    %dma_wait3A = arith.constant 0 : i32
    %dma_wait3A_107 = arith.constant 0 : i32
    %dma_wait3A_108 = arith.constant 0 : i32
    %dma_wait3A_109 = arith.constant 0 : i32
    %dma_wait3A_110 = arith.constant 0 : i32
    %dma_wait3A_111 = tpu.memref_slice %arg6[%dma_wait3A_107, %dma_wait3A_109, %dma_wait3A_110] : memref<8x8x1024xf32, #tpu.memory_space<vmem>> -> memref<1x8x1024xf32, #tpu.memory_space<vmem>>
    %dma_wait3A_112 = tpu.memref_squeeze %dma_wait3A_111 : memref<1x8x1024xf32, #tpu.memory_space<vmem>> -> memref<8x1024xf32, #tpu.memory_space<vmem>>
    %dma_wait3A_113 = arith.constant 0 : i32
    %dma_wait3A_114 = tpu.memref_slice %arg5[%dma_wait3A, %dma_wait3A_113] : memref<128x8xi32, #tpu.memory_space<vmem>> -> memref<1x8xi32, #tpu.memory_space<vmem>>
    %dma_wait3A_115 = tpu.memref_squeeze %dma_wait3A_114 : memref<1x8xi32, #tpu.memory_space<vmem>> -> memref<8xi32, #tpu.memory_space<vmem>>
    %dma_wait3A_116 = arith.constant 0 : i32
    %dma_wait3A_117 = arith.constant 0 : i32
    %dma_wait3A_118 = tpu.memref_slice %arg3[%dma_wait3A_116, %dma_wait3A_117] : memref<32768x1024xf32, #tpu.memory_space<hbm>> -> memref<32768x1024xf32, #tpu.memory_space<hbm>>
    %dma_wait3A_119 = tpu.memref_slice %arg7[%dma_wait3A_108] : memref<8x!tpu.dma_semaphore, #tpu.memory_space<semaphore_mem>> -> memref<1x!tpu.dma_semaphore, #tpu.memory_space<semaphore_mem>>
    %dma_wait3A_120 = tpu.memref_squeeze %dma_wait3A_119 : memref<1x!tpu.dma_semaphore, #tpu.memory_space<semaphore_mem>> -> memref<!tpu.dma_semaphore, #tpu.memory_space<semaphore_mem>>
    tpu.wait_indirect_dma semaphore(%dma_wait3A_120 : memref<!tpu.dma_semaphore, #tpu.memory_space<semaphore_mem>>) src(%dma_wait3A_118 : memref<32768x1024xf32, #tpu.memory_space<hbm>>) dst(%dma_wait3A_112 : memref<8x1024xf32, #tpu.memory_space<vmem>>)
    %add3A_121 = arith.constant 0 : i32
    %add3A_122 = arith.addi %mul3A_2, %add3A_121 : i32
    %dma_start3A_123 = arith.constant 0 : i32
    %dma_start3A_124 = arith.constant 0 : i32
    %dma_start3A_125 = arith.constant 0 : i32
    %dma_start3A_126 = arith.constant 0 : i32
    %dma_start3A_127 = tpu.memref_slice %arg6[%dma_start3A_123, %dma_start3A_125, %dma_start3A_126] : memref<8x8x1024xf32, #tpu.memory_space<vmem>> -> memref<1x8x1024xf32, #tpu.memory_space<vmem>>
    %dma_start3A_128 = tpu.memref_squeeze %dma_start3A_127 : memref<1x8x1024xf32, #tpu.memory_space<vmem>> -> memref<8x1024xf32, #tpu.memory_space<vmem>>
    %dma_start3A_129 = arith.constant 0 : i32
    %dma_start3A_130 = tpu.memref_slice %arg4[%add3A_122, %dma_start3A_129] : memref<32768x1024xf32, #tpu.memory_space<hbm>> -> memref<8x1024xf32, #tpu.memory_space<hbm>>
    %dma_start3A_131 = tpu.memref_slice %arg8[%dma_start3A_124] : memref<8x!tpu.dma_semaphore, #tpu.memory_space<semaphore_mem>> -> memref<1x!tpu.dma_semaphore, #tpu.memory_space<semaphore_mem>>
    %dma_start3A_132 = tpu.memref_squeeze %dma_start3A_131 : memref<1x!tpu.dma_semaphore, #tpu.memory_space<semaphore_mem>> -> memref<!tpu.dma_semaphore, #tpu.memory_space<semaphore_mem>>
    %dma_start3A_133 = arith.constant 0 : i32
    %dma_start3A_134 = tpu.memref_slice %arg4[%add3A_122, %dma_start3A_133] : memref<32768x1024xf32, #tpu.memory_space<hbm>> -> memref<8x1024xf32, #tpu.memory_space<hbm>>
    %dma_start3A_135 = arith.constant 0 : i32
    %dma_start3A_136 = arith.constant 0 : i32
    %dma_start3A_137 = tpu.memref_slice %arg6[%dma_start3A_123, %dma_start3A_135, %dma_start3A_136] : memref<8x8x1024xf32, #tpu.memory_space<vmem>> -> memref<1x8x1024xf32, #tpu.memory_space<vmem>>
    %dma_start3A_138 = tpu.memref_squeeze %dma_start3A_137 : memref<1x8x1024xf32, #tpu.memory_space<vmem>> -> memref<8x1024xf32, #tpu.memory_space<vmem>>
    tpu.enqueue_dma source(%dma_start3A_138 : memref<8x1024xf32, #tpu.memory_space<vmem>>) target(%dma_start3A_134 : memref<8x1024xf32, #tpu.memory_space<hbm>>) target_semaphore(%dma_start3A_132 : memref<!tpu.dma_semaphore, #tpu.memory_space<semaphore_mem>>)
    %dma_start3A_139 = arith.constant 7 : i32
    %dma_start3A_140 = arith.constant 7 : i32
    %dma_start3A_141 = arith.constant 7 : i32
    %dma_start3A_142 = arith.constant 0 : i32
    %dma_start3A_143 = arith.constant 0 : i32
    %dma_start3A_144 = tpu.memref_slice %arg6[%dma_start3A_140, %dma_start3A_142, %dma_start3A_143] : memref<8x8x1024xf32, #tpu.memory_space<vmem>> -> memref<1x8x1024xf32, #tpu.memory_space<vmem>>
    %dma_start3A_145 = tpu.memref_squeeze %dma_start3A_144 : memref<1x8x1024xf32, #tpu.memory_space<vmem>> -> memref<8x1024xf32, #tpu.memory_space<vmem>>
    %dma_start3A_146 = arith.constant 0 : i32
    %dma_start3A_147 = tpu.memref_slice %arg5[%dma_start3A_139, %dma_start3A_146] : memref<128x8xi32, #tpu.memory_space<vmem>> -> memref<1x8xi32, #tpu.memory_space<vmem>>
    %dma_start3A_148 = tpu.memref_squeeze %dma_start3A_147 : memref<1x8xi32, #tpu.memory_space<vmem>> -> memref<8xi32, #tpu.memory_space<vmem>>
    %dma_start3A_149 = arith.constant 0 : i32
    %dma_start3A_150 = arith.constant 0 : i32
    %dma_start3A_151 = tpu.memref_slice %arg3[%dma_start3A_149, %dma_start3A_150] : memref<32768x1024xf32, #tpu.memory_space<hbm>> -> memref<32768x1024xf32, #tpu.memory_space<hbm>>
    %dma_start3A_152 = tpu.memref_slice %arg7[%dma_start3A_141] : memref<8x!tpu.dma_semaphore, #tpu.memory_space<semaphore_mem>> -> memref<1x!tpu.dma_semaphore, #tpu.memory_space<semaphore_mem>>
    %dma_start3A_153 = tpu.memref_squeeze %dma_start3A_152 : memref<1x!tpu.dma_semaphore, #tpu.memory_space<semaphore_mem>> -> memref<!tpu.dma_semaphore, #tpu.memory_space<semaphore_mem>>
    tpu.enqueue_indirect_dma source(%dma_start3A_151 : memref<32768x1024xf32, #tpu.memory_space<hbm>>) target(%dma_start3A_145 : memref<8x1024xf32, #tpu.memory_space<vmem>>) offsets(%dma_start3A_148 : memref<8xi32, #tpu.memory_space<vmem>>) semaphore(%dma_start3A_153 : memref<!tpu.dma_semaphore, #tpu.memory_space<semaphore_mem>>)
    %dma_wait3A_154 = arith.constant 0 : i32
    %dma_wait3A_155 = arith.constant 1 : i32
    %dma_wait3A_156 = arith.constant 1 : i32
    %dma_wait3A_157 = arith.constant 0 : i32
    %dma_wait3A_158 = arith.constant 0 : i32
    %dma_wait3A_159 = tpu.memref_slice %arg6[%dma_wait3A_155, %dma_wait3A_157, %dma_wait3A_158] : memref<8x8x1024xf32, #tpu.memory_space<vmem>> -> memref<1x8x1024xf32, #tpu.memory_space<vmem>>
    %dma_wait3A_160 = tpu.memref_squeeze %dma_wait3A_159 : memref<1x8x1024xf32, #tpu.memory_space<vmem>> -> memref<8x1024xf32, #tpu.memory_space<vmem>>
    %dma_wait3A_161 = arith.constant 0 : i32
    %dma_wait3A_162 = tpu.memref_slice %arg5[%dma_wait3A_154, %dma_wait3A_161] : memref<128x8xi32, #tpu.memory_space<vmem>> -> memref<1x8xi32, #tpu.memory_space<vmem>>
    %dma_wait3A_163 = tpu.memref_squeeze %dma_wait3A_162 : memref<1x8xi32, #tpu.memory_space<vmem>> -> memref<8xi32, #tpu.memory_space<vmem>>
    %dma_wait3A_164 = arith.constant 0 : i32
    %dma_wait3A_165 = arith.constant 0 : i32
    %dma_wait3A_166 = tpu.memref_slice %arg3[%dma_wait3A_164, %dma_wait3A_165] : memref<32768x1024xf32, #tpu.memory_space<hbm>> -> memref<32768x1024xf32, #tpu.memory_space<hbm>>
    %dma_wait3A_167 = tpu.memref_slice %arg7[%dma_wait3A_156] : memref<8x!tpu.dma_semaphore, #tpu.memory_space<semaphore_mem>> -> memref<1x!tpu.dma_semaphore, #tpu.memory_space<semaphore_mem>>
    %dma_wait3A_168 = tpu.memref_squeeze %dma_wait3A_167 : memref<1x!tpu.dma_semaphore, #tpu.memory_space<semaphore_mem>> -> memref<!tpu.dma_semaphore, #tpu.memory_space<semaphore_mem>>
    tpu.wait_indirect_dma semaphore(%dma_wait3A_168 : memref<!tpu.dma_semaphore, #tpu.memory_space<semaphore_mem>>) src(%dma_wait3A_166 : memref<32768x1024xf32, #tpu.memory_space<hbm>>) dst(%dma_wait3A_160 : memref<8x1024xf32, #tpu.memory_space<vmem>>)
    %add3A_169 = arith.constant 8 : i32
    %add3A_170 = arith.addi %mul3A_2, %add3A_169 : i32
    %dma_start3A_171 = arith.constant 1 : i32
    %dma_start3A_172 = arith.constant 1 : i32
    %dma_start3A_173 = arith.constant 0 : i32
    %dma_start3A_174 = arith.constant 0 : i32
    %dma_start3A_175 = tpu.memref_slice %arg6[%dma_start3A_171, %dma_start3A_173, %dma_start3A_174] : memref<8x8x1024xf32, #tpu.memory_space<vmem>> -> memref<1x8x1024xf32, #tpu.memory_space<vmem>>
    %dma_start3A_176 = tpu.memref_squeeze %dma_start3A_175 : memref<1x8x1024xf32, #tpu.memory_space<vmem>> -> memref<8x1024xf32, #tpu.memory_space<vmem>>
    %dma_start3A_177 = arith.constant 0 : i32
    %dma_start3A_178 = tpu.memref_slice %arg4[%add3A_170, %dma_start3A_177] : memref<32768x1024xf32, #tpu.memory_space<hbm>> -> memref<8x1024xf32, #tpu.memory_space<hbm>>
    %dma_start3A_179 = tpu.memref_slice %arg8[%dma_start3A_172] : memref<8x!tpu.dma_semaphore, #tpu.memory_space<semaphore_mem>> -> memref<1x!tpu.dma_semaphore, #tpu.memory_space<semaphore_mem>>
    %dma_start3A_180 = tpu.memref_squeeze %dma_start3A_179 : memref<1x!tpu.dma_semaphore, #tpu.memory_space<semaphore_mem>> -> memref<!tpu.dma_semaphore, #tpu.memory_space<semaphore_mem>>
    %dma_start3A_181 = arith.constant 0 : i32
    %dma_start3A_182 = tpu.memref_slice %arg4[%add3A_170, %dma_start3A_181] : memref<32768x1024xf32, #tpu.memory_space<hbm>> -> memref<8x1024xf32, #tpu.memory_space<hbm>>
    %dma_start3A_183 = arith.constant 0 : i32
    %dma_start3A_184 = arith.constant 0 : i32
    %dma_start3A_185 = tpu.memref_slice %arg6[%dma_start3A_171, %dma_start3A_183, %dma_start3A_184] : memref<8x8x1024xf32, #tpu.memory_space<vmem>> -> memref<1x8x1024xf32, #tpu.memory_space<vmem>>
    %dma_start3A_186 = tpu.memref_squeeze %dma_start3A_185 : memref<1x8x1024xf32, #tpu.memory_space<vmem>> -> memref<8x1024xf32, #tpu.memory_space<vmem>>
    tpu.enqueue_dma source(%dma_start3A_186 : memref<8x1024xf32, #tpu.memory_space<vmem>>) target(%dma_start3A_182 : memref<8x1024xf32, #tpu.memory_space<hbm>>) target_semaphore(%dma_start3A_180 : memref<!tpu.dma_semaphore, #tpu.memory_space<semaphore_mem>>)
    %dma_wait3A_187 = arith.constant 0 : i32
    %dma_wait3A_188 = arith.constant 0 : i32
    %dma_wait3A_189 = arith.constant 0 : i32
    %dma_wait3A_190 = arith.constant 0 : i32
    %dma_wait3A_191 = tpu.memref_slice %arg6[%dma_wait3A_187, %dma_wait3A_189, %dma_wait3A_190] : memref<8x8x1024xf32, #tpu.memory_space<vmem>> -> memref<1x8x1024xf32, #tpu.memory_space<vmem>>
    %dma_wait3A_192 = tpu.memref_squeeze %dma_wait3A_191 : memref<1x8x1024xf32, #tpu.memory_space<vmem>> -> memref<8x1024xf32, #tpu.memory_space<vmem>>
    %dma_wait3A_193 = arith.constant 0 : i32
    %dma_wait3A_194 = tpu.memref_slice %arg4[%mul3A_2, %dma_wait3A_193] : memref<32768x1024xf32, #tpu.memory_space<hbm>> -> memref<8x1024xf32, #tpu.memory_space<hbm>>
    %dma_wait3A_195 = tpu.memref_slice %arg8[%dma_wait3A_188] : memref<8x!tpu.dma_semaphore, #tpu.memory_space<semaphore_mem>> -> memref<1x!tpu.dma_semaphore, #tpu.memory_space<semaphore_mem>>
    %dma_wait3A_196 = tpu.memref_squeeze %dma_wait3A_195 : memref<1x!tpu.dma_semaphore, #tpu.memory_space<semaphore_mem>> -> memref<!tpu.dma_semaphore, #tpu.memory_space<semaphore_mem>>
    %dma_wait3A_197 = arith.constant 0 : i32
    %dma_wait3A_198 = tpu.memref_slice %arg4[%mul3A_2, %dma_wait3A_197] : memref<32768x1024xf32, #tpu.memory_space<hbm>> -> memref<8x1024xf32, #tpu.memory_space<hbm>>
    %dma_wait3A_199 = arith.constant 0 : i32
    %dma_wait3A_200 = arith.constant 0 : i32
    %dma_wait3A_201 = tpu.memref_slice %arg6[%dma_wait3A_187, %dma_wait3A_199, %dma_wait3A_200] : memref<8x8x1024xf32, #tpu.memory_space<vmem>> -> memref<1x8x1024xf32, #tpu.memory_space<vmem>>
    %dma_wait3A_202 = tpu.memref_squeeze %dma_wait3A_201 : memref<1x8x1024xf32, #tpu.memory_space<vmem>> -> memref<8x1024xf32, #tpu.memory_space<vmem>>
    tpu.wait_dma2 semaphore(%dma_wait3A_196 : memref<!tpu.dma_semaphore, #tpu.memory_space<semaphore_mem>>) src(%dma_wait3A_202 : memref<8x1024xf32, #tpu.memory_space<vmem>>) dst(%dma_wait3A_198 : memref<8x1024xf32, #tpu.memory_space<hbm>>)
    %dma_start3A_203 = arith.constant 8 : i32
    %dma_start3A_204 = arith.constant 0 : i32
    %dma_start3A_205 = arith.constant 0 : i32
    %dma_start3A_206 = arith.constant 0 : i32
    %dma_start3A_207 = arith.constant 0 : i32
    %dma_start3A_208 = tpu.memref_slice %arg6[%dma_start3A_204, %dma_start3A_206, %dma_start3A_207] : memref<8x8x1024xf32, #tpu.memory_space<vmem>> -> memref<1x8x1024xf32, #tpu.memory_space<vmem>>
    %dma_start3A_209 = tpu.memref_squeeze %dma_start3A_208 : memref<1x8x1024xf32, #tpu.memory_space<vmem>> -> memref<8x1024xf32, #tpu.memory_space<vmem>>
    %dma_start3A_210 = arith.constant 0 : i32
    %dma_start3A_211 = tpu.memref_slice %arg5[%dma_start3A_203, %dma_start3A_210] : memref<128x8xi32, #tpu.memory_space<vmem>> -> memref<1x8xi32, #tpu.memory_space<vmem>>
    %dma_start3A_212 = tpu.memref_squeeze %dma_start3A_211 : memref<1x8xi32, #tpu.memory_space<vmem>> -> memref<8xi32, #tpu.memory_space<vmem>>
    %dma_start3A_213 = arith.constant 0 : i32
    %dma_start3A_214 = arith.constant 0 : i32
    %dma_start3A_215 = tpu.memref_slice %arg3[%dma_start3A_213, %dma_start3A_214] : memref<32768x1024xf32, #tpu.memory_space<hbm>> -> memref<32768x1024xf32, #tpu.memory_space<hbm>>
    %dma_start3A_216 = tpu.memref_slice %arg7[%dma_start3A_205] : memref<8x!tpu.dma_semaphore, #tpu.memory_space<semaphore_mem>> -> memref<1x!tpu.dma_semaphore, #tpu.memory_space<semaphore_mem>>
    %dma_start3A_217 = tpu.memref_squeeze %dma_start3A_216 : memref<1x!tpu.dma_semaphore, #tpu.memory_space<semaphore_mem>> -> memref<!tpu.dma_semaphore, #tpu.memory_space<semaphore_mem>>
    tpu.enqueue_indirect_dma source(%dma_start3A_215 : memref<32768x1024xf32, #tpu.memory_space<hbm>>) target(%dma_start3A_209 : memref<8x1024xf32, #tpu.memory_space<vmem>>) offsets(%dma_start3A_212 : memref<8xi32, #tpu.memory_space<vmem>>) semaphore(%dma_start3A_217 : memref<!tpu.dma_semaphore, #tpu.memory_space<semaphore_mem>>)
    %dma_wait3A_218 = arith.constant 0 : i32
    %dma_wait3A_219 = arith.constant 2 : i32
    %dma_wait3A_220 = arith.constant 2 : i32
    %dma_wait3A_221 = arith.constant 0 : i32
    %dma_wait3A_222 = arith.constant 0 : i32
    %dma_wait3A_223 = tpu.memref_slice %arg6[%dma_wait3A_219, %dma_wait3A_221, %dma_wait3A_222] : memref<8x8x1024xf32, #tpu.memory_space<vmem>> -> memref<1x8x1024xf32, #tpu.memory_space<vmem>>
    %dma_wait3A_224 = tpu.memref_squeeze %dma_wait3A_223 : memref<1x8x1024xf32, #tpu.memory_space<vmem>> -> memref<8x1024xf32, #tpu.memory_space<vmem>>
    %dma_wait3A_225 = arith.constant 0 : i32
    %dma_wait3A_226 = tpu.memref_slice %arg5[%dma_wait3A_218, %dma_wait3A_225] : memref<128x8xi32, #tpu.memory_space<vmem>> -> memref<1x8xi32, #tpu.memory_space<vmem>>
    %dma_wait3A_227 = tpu.memref_squeeze %dma_wait3A_226 : memref<1x8xi32, #tpu.memory_space<vmem>> -> memref<8xi32, #tpu.memory_space<vmem>>
    %dma_wait3A_228 = arith.constant 0 : i32
    %dma_wait3A_229 = arith.constant 0 : i32
    %dma_wait3A_230 = tpu.memref_slice %arg3[%dma_wait3A_228, %dma_wait3A_229] : memref<32768x1024xf32, #tpu.memory_space<hbm>> -> memref<32768x1024xf32, #tpu.memory_space<hbm>>
    %dma_wait3A_231 = tpu.memref_slice %arg7[%dma_wait3A_220] : memref<8x!tpu.dma_semaphore, #tpu.memory_space<semaphore_mem>> -> memref<1x!tpu.dma_semaphore, #tpu.memory_space<semaphore_mem>>
    %dma_wait3A_232 = tpu.memref_squeeze %dma_wait3A_231 : memref<1x!tpu.dma_semaphore, #tpu.memory_space<semaphore_mem>> -> memref<!tpu.dma_semaphore, #tpu.memory_space<semaphore_mem>>
    tpu.wait_indirect_dma semaphore(%dma_wait3A_232 : memref<!tpu.dma_semaphore, #tpu.memory_space<semaphore_mem>>) src(%dma_wait3A_230 : memref<32768x1024xf32, #tpu.memory_space<hbm>>) dst(%dma_wait3A_224 : memref<8x1024xf32, #tpu.memory_space<vmem>>)
    %add3A_233 = arith.constant 16 : i32
    %add3A_234 = arith.addi %mul3A_2, %add3A_233 : i32
    %dma_start3A_235 = arith.constant 2 : i32
    %dma_start3A_236 = arith.constant 2 : i32
    %dma_start3A_237 = arith.constant 0 : i32
    %dma_start3A_238 = arith.constant 0 : i32
    %dma_start3A_239 = tpu.memref_slice %arg6[%dma_start3A_235, %dma_start3A_237, %dma_start3A_238] : memref<8x8x1024xf32, #tpu.memory_space<vmem>> -> memref<1x8x1024xf32, #tpu.memory_space<vmem>>
    %dma_start3A_240 = tpu.memref_squeeze %dma_start3A_239 : memref<1x8x1024xf32, #tpu.memory_space<vmem>> -> memref<8x1024xf32, #tpu.memory_space<vmem>>
    %dma_start3A_241 = arith.constant 0 : i32
    %dma_start3A_242 = tpu.memref_slice %arg4[%add3A_234, %dma_start3A_241] : memref<32768x1024xf32, #tpu.memory_space<hbm>> -> memref<8x1024xf32, #tpu.memory_space<hbm>>
    %dma_start3A_243 = tpu.memref_slice %arg8[%dma_start3A_236] : memref<8x!tpu.dma_semaphore, #tpu.memory_space<semaphore_mem>> -> memref<1x!tpu.dma_semaphore, #tpu.memory_space<semaphore_mem>>
    %dma_start3A_244 = tpu.memref_squeeze %dma_start3A_243 : memref<1x!tpu.dma_semaphore, #tpu.memory_space<semaphore_mem>> -> memref<!tpu.dma_semaphore, #tpu.memory_space<semaphore_mem>>
    %dma_start3A_245 = arith.constant 0 : i32
    %dma_start3A_246 = tpu.memref_slice %arg4[%add3A_234, %dma_start3A_245] : memref<32768x1024xf32, #tpu.memory_space<hbm>> -> memref<8x1024xf32, #tpu.memory_space<hbm>>
    %dma_start3A_247 = arith.constant 0 : i32
    %dma_start3A_248 = arith.constant 0 : i32
    %dma_start3A_249 = tpu.memref_slice %arg6[%dma_start3A_235, %dma_start3A_247, %dma_start3A_248] : memref<8x8x1024xf32, #tpu.memory_space<vmem>> -> memref<1x8x1024xf32, #tpu.memory_space<vmem>>
    %dma_start3A_250 = tpu.memref_squeeze %dma_start3A_249 : memref<1x8x1024xf32, #tpu.memory_space<vmem>> -> memref<8x1024xf32, #tpu.memory_space<vmem>>
    tpu.enqueue_dma source(%dma_start3A_250 : memref<8x1024xf32, #tpu.memory_space<vmem>>) target(%dma_start3A_246 : memref<8x1024xf32, #tpu.memory_space<hbm>>) target_semaphore(%dma_start3A_244 : memref<!tpu.dma_semaphore, #tpu.memory_space<semaphore_mem>>)
    %dma_wait3A_251 = arith.constant 1 : i32
    %dma_wait3A_252 = arith.constant 1 : i32
    %dma_wait3A_253 = arith.constant 0 : i32
    %dma_wait3A_254 = arith.constant 0 : i32
    %dma_wait3A_255 = tpu.memref_slice %arg6[%dma_wait3A_251, %dma_wait3A_253, %dma_wait3A_254] : memref<8x8x1024xf32, #tpu.memory_space<vmem>> -> memref<1x8x1024xf32, #tpu.memory_space<vmem>>
    %dma_wait3A_256 = tpu.memref_squeeze %dma_wait3A_255 : memref<1x8x1024xf32, #tpu.memory_space<vmem>> -> memref<8x1024xf32, #tpu.memory_space<vmem>>
    %dma_wait3A_257 = arith.constant 0 : i32
    %dma_wait3A_258 = tpu.memref_slice %arg4[%mul3A_2, %dma_wait3A_257] : memref<32768x1024xf32, #tpu.memory_space<hbm>> -> memref<8x1024xf32, #tpu.memory_space<hbm>>
    %dma_wait3A_259 = tpu.memref_slice %arg8[%dma_wait3A_252] : memref<8x!tpu.dma_semaphore, #tpu.memory_space<semaphore_mem>> -> memref<1x!tpu.dma_semaphore, #tpu.memory_space<semaphore_mem>>
    %dma_wait3A_260 = tpu.memref_squeeze %dma_wait3A_259 : memref<1x!tpu.dma_semaphore, #tpu.memory_space<semaphore_mem>> -> memref<!tpu.dma_semaphore, #tpu.memory_space<semaphore_mem>>
    %dma_wait3A_261 = arith.constant 0 : i32
    %dma_wait3A_262 = tpu.memref_slice %arg4[%mul3A_2, %dma_wait3A_261] : memref<32768x1024xf32, #tpu.memory_space<hbm>> -> memref<8x1024xf32, #tpu.memory_space<hbm>>
    %dma_wait3A_263 = arith.constant 0 : i32
    %dma_wait3A_264 = arith.constant 0 : i32
    %dma_wait3A_265 = tpu.memref_slice %arg6[%dma_wait3A_251, %dma_wait3A_263, %dma_wait3A_264] : memref<8x8x1024xf32, #tpu.memory_space<vmem>> -> memref<1x8x1024xf32, #tpu.memory_space<vmem>>
    %dma_wait3A_266 = tpu.memref_squeeze %dma_wait3A_265 : memref<1x8x1024xf32, #tpu.memory_space<vmem>> -> memref<8x1024xf32, #tpu.memory_space<vmem>>
    tpu.wait_dma2 semaphore(%dma_wait3A_260 : memref<!tpu.dma_semaphore, #tpu.memory_space<semaphore_mem>>) src(%dma_wait3A_266 : memref<8x1024xf32, #tpu.memory_space<vmem>>) dst(%dma_wait3A_262 : memref<8x1024xf32, #tpu.memory_space<hbm>>)
    %dma_start3A_267 = arith.constant 9 : i32
    %dma_start3A_268 = arith.constant 1 : i32
    %dma_start3A_269 = arith.constant 1 : i32
    %dma_start3A_270 = arith.constant 0 : i32
    %dma_start3A_271 = arith.constant 0 : i32
    %dma_start3A_272 = tpu.memref_slice %arg6[%dma_start3A_268, %dma_start3A_270, %dma_start3A_271] : memref<8x8x1024xf32, #tpu.memory_space<vmem>> -> memref<1x8x1024xf32, #tpu.memory_space<vmem>>
    %dma_start3A_273 = tpu.memref_squeeze %dma_start3A_272 : memref<1x8x1024xf32, #tpu.memory_space<vmem>> -> memref<8x1024xf32, #tpu.memory_space<vmem>>
    %dma_start3A_274 = arith.constant 0 : i32
    %dma_start3A_275 = tpu.memref_slice %arg5[%dma_start3A_267, %dma_start3A_274] : memref<128x8xi32, #tpu.memory_space<vmem>> -> memref<1x8xi32, #tpu.memory_space<vmem>>
    %dma_start3A_276 = tpu.memref_squeeze %dma_start3A_275 : memref<1x8xi32, #tpu.memory_space<vmem>> -> memref<8xi32, #tpu.memory_space<vmem>>
    %dma_start3A_277 = arith.constant 0 : i32
    %dma_start3A_278 = arith.constant 0 : i32
    %dma_start3A_279 = tpu.memref_slice %arg3[%dma_start3A_277, %dma_start3A_278] : memref<32768x1024xf32, #tpu.memory_space<hbm>> -> memref<32768x1024xf32, #tpu.memory_space<hbm>>
    %dma_start3A_280 = tpu.memref_slice %arg7[%dma_start3A_269] : memref<8x!tpu.dma_semaphore, #tpu.memory_space<semaphore_mem>> -> memref<1x!tpu.dma_semaphore, #tpu.memory_space<semaphore_mem>>
    %dma_start3A_281 = tpu.memref_squeeze %dma_start3A_280 : memref<1x!tpu.dma_semaphore, #tpu.memory_space<semaphore_mem>> -> memref<!tpu.dma_semaphore, #tpu.memory_space<semaphore_mem>>
    tpu.enqueue_indirect_dma source(%dma_start3A_279 : memref<32768x1024xf32, #tpu.memory_space<hbm>>) target(%dma_start3A_273 : memref<8x1024xf32, #tpu.memory_space<vmem>>) offsets(%dma_start3A_276 : memref<8xi32, #tpu.memory_space<vmem>>) semaphore(%dma_start3A_281 : memref<!tpu.dma_semaphore, #tpu.memory_space<semaphore_mem>>)
    %dma_wait3A_282 = arith.constant 0 : i32
    %dma_wait3A_283 = arith.constant 3 : i32
    %dma_wait3A_284 = arith.constant 3 : i32
    %dma_wait3A_285 = arith.constant 0 : i32
    %dma_wait3A_286 = arith.constant 0 : i32
    %dma_wait3A_287 = tpu.memref_slice %arg6[%dma_wait3A_283, %dma_wait3A_285, %dma_wait3A_286] : memref<8x8x1024xf32, #tpu.memory_space<vmem>> -> memref<1x8x1024xf32, #tpu.memory_space<vmem>>
    %dma_wait3A_288 = tpu.memref_squeeze %dma_wait3A_287 : memref<1x8x1024xf32, #tpu.memory_space<vmem>> -> memref<8x1024xf32, #tpu.memory_space<vmem>>
    %dma_wait3A_289 = arith.constant 0 : i32
    %dma_wait3A_290 = tpu.memref_slice %arg5[%dma_wait3A_282, %dma_wait3A_289] : memref<128x8xi32, #tpu.memory_space<vmem>> -> memref<1x8xi32, #tpu.memory_space<vmem>>
    %dma_wait3A_291 = tpu.memref_squeeze %dma_wait3A_290 : memref<1x8xi32, #tpu.memory_space<vmem>> -> memref<8xi32, #tpu.memory_space<vmem>>
    %dma_wait3A_292 = arith.constant 0 : i32
    %dma_wait3A_293 = arith.constant 0 : i32
    %dma_wait3A_294 = tpu.memref_slice %arg3[%dma_wait3A_292, %dma_wait3A_293] : memref<32768x1024xf32, #tpu.memory_space<hbm>> -> memref<32768x1024xf32, #tpu.memory_space<hbm>>
    %dma_wait3A_295 = tpu.memref_slice %arg7[%dma_wait3A_284] : memref<8x!tpu.dma_semaphore, #tpu.memory_space<semaphore_mem>> -> memref<1x!tpu.dma_semaphore, #tpu.memory_space<semaphore_mem>>
    %dma_wait3A_296 = tpu.memref_squeeze %dma_wait3A_295 : memref<1x!tpu.dma_semaphore, #tpu.memory_space<semaphore_mem>> -> memref<!tpu.dma_semaphore, #tpu.memory_space<semaphore_mem>>
    tpu.wait_indirect_dma semaphore(%dma_wait3A_296 : memref<!tpu.dma_semaphore, #tpu.memory_space<semaphore_mem>>) src(%dma_wait3A_294 : memref<32768x1024xf32, #tpu.memory_space<hbm>>) dst(%dma_wait3A_288 : memref<8x1024xf32, #tpu.memory_space<vmem>>)
    %add3A_297 = arith.constant 24 : i32
    %add3A_298 = arith.addi %mul3A_2, %add3A_297 : i32
    %dma_start3A_299 = arith.constant 3 : i32
    %dma_start3A_300 = arith.constant 3 : i32
    %dma_start3A_301 = arith.constant 0 : i32
    %dma_start3A_302 = arith.constant 0 : i32
    %dma_start3A_303 = tpu.memref_slice %arg6[%dma_start3A_299, %dma_start3A_301, %dma_start3A_302] : memref<8x8x1024xf32, #tpu.memory_space<vmem>> -> memref<1x8x1024xf32, #tpu.memory_space<vmem>>
    %dma_start3A_304 = tpu.memref_squeeze %dma_start3A_303 : memref<1x8x1024xf32, #tpu.memory_space<vmem>> -> memref<8x1024xf32, #tpu.memory_space<vmem>>
    %dma_start3A_305 = arith.constant 0 : i32
    %dma_start3A_306 = tpu.memref_slice %arg4[%add3A_298, %dma_start3A_305] : memref<32768x1024xf32, #tpu.memory_space<hbm>> -> memref<8x1024xf32, #tpu.memory_space<hbm>>
    %dma_start3A_307 = tpu.memref_slice %arg8[%dma_start3A_300] : memref<8x!tpu.dma_semaphore, #tpu.memory_space<semaphore_mem>> -> memref<1x!tpu.dma_semaphore, #tpu.memory_space<semaphore_mem>>
    %dma_start3A_308 = tpu.memref_squeeze %dma_start3A_307 : memref<1x!tpu.dma_semaphore, #tpu.memory_space<semaphore_mem>> -> memref<!tpu.dma_semaphore, #tpu.memory_space<semaphore_mem>>
    %dma_start3A_309 = arith.constant 0 : i32
    %dma_start3A_310 = tpu.memref_slice %arg4[%add3A_298, %dma_start3A_309] : memref<32768x1024xf32, #tpu.memory_space<hbm>> -> memref<8x1024xf32, #tpu.memory_space<hbm>>
    %dma_start3A_311 = arith.constant 0 : i32
    %dma_start3A_312 = arith.constant 0 : i32
    %dma_start3A_313 = tpu.memref_slice %arg6[%dma_start3A_299, %dma_start3A_311, %dma_start3A_312] : memref<8x8x1024xf32, #tpu.memory_space<vmem>> -> memref<1x8x1024xf32, #tpu.memory_space<vmem>>
    %dma_start3A_314 = tpu.memref_squeeze %dma_start3A_313 : memref<1x8x1024xf32, #tpu.memory_space<vmem>> -> memref<8x1024xf32, #tpu.memory_space<vmem>>
    tpu.enqueue_dma source(%dma_start3A_314 : memref<8x1024xf32, #tpu.memory_space<vmem>>) target(%dma_start3A_310 : memref<8x1024xf32, #tpu.memory_space<hbm>>) target_semaphore(%dma_start3A_308 : memref<!tpu.dma_semaphore, #tpu.memory_space<semaphore_mem>>)
    %dma_wait3A_315 = arith.constant 2 : i32
    %dma_wait3A_316 = arith.constant 2 : i32
    %dma_wait3A_317 = arith.constant 0 : i32
    %dma_wait3A_318 = arith.constant 0 : i32
    %dma_wait3A_319 = tpu.memref_slice %arg6[%dma_wait3A_315, %dma_wait3A_317, %dma_wait3A_318] : memref<8x8x1024xf32, #tpu.memory_space<vmem>> -> memref<1x8x1024xf32, #tpu.memory_space<vmem>>
    %dma_wait3A_320 = tpu.memref_squeeze %dma_wait3A_319 : memref<1x8x1024xf32, #tpu.memory_space<vmem>> -> memref<8x1024xf32, #tpu.memory_space<vmem>>
    %dma_wait3A_321 = arith.constant 0 : i32
    %dma_wait3A_322 = tpu.memref_slice %arg4[%mul3A_2, %dma_wait3A_321] : memref<32768x1024xf32, #tpu.memory_space<hbm>> -> memref<8x1024xf32, #tpu.memory_space<hbm>>
    %dma_wait3A_323 = tpu.memref_slice %arg8[%dma_wait3A_316] : memref<8x!tpu.dma_semaphore, #tpu.memory_space<semaphore_mem>> -> memref<1x!tpu.dma_semaphore, #tpu.memory_space<semaphore_mem>>
    %dma_wait3A_324 = tpu.memref_squeeze %dma_wait3A_323 : memref<1x!tpu.dma_semaphore, #tpu.memory_space<semaphore_mem>> -> memref<!tpu.dma_semaphore, #tpu.memory_space<semaphore_mem>>
    %dma_wait3A_325 = arith.constant 0 : i32
    %dma_wait3A_326 = tpu.memref_slice %arg4[%mul3A_2, %dma_wait3A_325] : memref<32768x1024xf32, #tpu.memory_space<hbm>> -> memref<8x1024xf32, #tpu.memory_space<hbm>>
    %dma_wait3A_327 = arith.constant 0 : i32
    %dma_wait3A_328 = arith.constant 0 : i32
    %dma_wait3A_329 = tpu.memref_slice %arg6[%dma_wait3A_315, %dma_wait3A_327, %dma_wait3A_328] : memref<8x8x1024xf32, #tpu.memory_space<vmem>> -> memref<1x8x1024xf32, #tpu.memory_space<vmem>>
    %dma_wait3A_330 = tpu.memref_squeeze %dma_wait3A_329 : memref<1x8x1024xf32, #tpu.memory_space<vmem>> -> memref<8x1024xf32, #tpu.memory_space<vmem>>
    tpu.wait_dma2 semaphore(%dma_wait3A_324 : memref<!tpu.dma_semaphore, #tpu.memory_space<semaphore_mem>>) src(%dma_wait3A_330 : memref<8x1024xf32, #tpu.memory_space<vmem>>) dst(%dma_wait3A_326 : memref<8x1024xf32, #tpu.memory_space<hbm>>)
    %dma_start3A_331 = arith.constant 10 : i32
    %dma_start3A_332 = arith.constant 2 : i32
    %dma_start3A_333 = arith.constant 2 : i32
    %dma_start3A_334 = arith.constant 0 : i32
    %dma_start3A_335 = arith.constant 0 : i32
    %dma_start3A_336 = tpu.memref_slice %arg6[%dma_start3A_332, %dma_start3A_334, %dma_start3A_335] : memref<8x8x1024xf32, #tpu.memory_space<vmem>> -> memref<1x8x1024xf32, #tpu.memory_space<vmem>>
    %dma_start3A_337 = tpu.memref_squeeze %dma_start3A_336 : memref<1x8x1024xf32, #tpu.memory_space<vmem>> -> memref<8x1024xf32, #tpu.memory_space<vmem>>
    %dma_start3A_338 = arith.constant 0 : i32
    %dma_start3A_339 = tpu.memref_slice %arg5[%dma_start3A_331, %dma_start3A_338] : memref<128x8xi32, #tpu.memory_space<vmem>> -> memref<1x8xi32, #tpu.memory_space<vmem>>
    %dma_start3A_340 = tpu.memref_squeeze %dma_start3A_339 : memref<1x8xi32, #tpu.memory_space<vmem>> -> memref<8xi32, #tpu.memory_space<vmem>>
    %dma_start3A_341 = arith.constant 0 : i32
    %dma_start3A_342 = arith.constant 0 : i32
    %dma_start3A_343 = tpu.memref_slice %arg3[%dma_start3A_341, %dma_start3A_342] : memref<32768x1024xf32, #tpu.memory_space<hbm>> -> memref<32768x1024xf32, #tpu.memory_space<hbm>>
    %dma_start3A_344 = tpu.memref_slice %arg7[%dma_start3A_333] : memref<8x!tpu.dma_semaphore, #tpu.memory_space<semaphore_mem>> -> memref<1x!tpu.dma_semaphore, #tpu.memory_space<semaphore_mem>>
    %dma_start3A_345 = tpu.memref_squeeze %dma_start3A_344 : memref<1x!tpu.dma_semaphore, #tpu.memory_space<semaphore_mem>> -> memref<!tpu.dma_semaphore, #tpu.memory_space<semaphore_mem>>
    tpu.enqueue_indirect_dma source(%dma_start3A_343 : memref<32768x1024xf32, #tpu.memory_space<hbm>>) target(%dma_start3A_337 : memref<8x1024xf32, #tpu.memory_space<vmem>>) offsets(%dma_start3A_340 : memref<8xi32, #tpu.memory_space<vmem>>) semaphore(%dma_start3A_345 : memref<!tpu.dma_semaphore, #tpu.memory_space<semaphore_mem>>)
    %dma_wait3A_346 = arith.constant 0 : i32
    %dma_wait3A_347 = arith.constant 4 : i32
    %dma_wait3A_348 = arith.constant 4 : i32
    %dma_wait3A_349 = arith.constant 0 : i32
    %dma_wait3A_350 = arith.constant 0 : i32
    %dma_wait3A_351 = tpu.memref_slice %arg6[%dma_wait3A_347, %dma_wait3A_349, %dma_wait3A_350] : memref<8x8x1024xf32, #tpu.memory_space<vmem>> -> memref<1x8x1024xf32, #tpu.memory_space<vmem>>
    %dma_wait3A_352 = tpu.memref_squeeze %dma_wait3A_351 : memref<1x8x1024xf32, #tpu.memory_space<vmem>> -> memref<8x1024xf32, #tpu.memory_space<vmem>>
    %dma_wait3A_353 = arith.constant 0 : i32
    %dma_wait3A_354 = tpu.memref_slice %arg5[%dma_wait3A_346, %dma_wait3A_353] : memref<128x8xi32, #tpu.memory_space<vmem>> -> memref<1x8xi32, #tpu.memory_space<vmem>>
    %dma_wait3A_355 = tpu.memref_squeeze %dma_wait3A_354 : memref<1x8xi32, #tpu.memory_space<vmem>> -> memref<8xi32, #tpu.memory_space<vmem>>
    %dma_wait3A_356 = arith.constant 0 : i32
    %dma_wait3A_357 = arith.constant 0 : i32
    %dma_wait3A_358 = tpu.memref_slice %arg3[%dma_wait3A_356, %dma_wait3A_357] : memref<32768x1024xf32, #tpu.memory_space<hbm>> -> memref<32768x1024xf32, #tpu.memory_space<hbm>>
    %dma_wait3A_359 = tpu.memref_slice %arg7[%dma_wait3A_348] : memref<8x!tpu.dma_semaphore, #tpu.memory_space<semaphore_mem>> -> memref<1x!tpu.dma_semaphore, #tpu.memory_space<semaphore_mem>>
    %dma_wait3A_360 = tpu.memref_squeeze %dma_wait3A_359 : memref<1x!tpu.dma_semaphore, #tpu.memory_space<semaphore_mem>> -> memref<!tpu.dma_semaphore, #tpu.memory_space<semaphore_mem>>
    tpu.wait_indirect_dma semaphore(%dma_wait3A_360 : memref<!tpu.dma_semaphore, #tpu.memory_space<semaphore_mem>>) src(%dma_wait3A_358 : memref<32768x1024xf32, #tpu.memory_space<hbm>>) dst(%dma_wait3A_352 : memref<8x1024xf32, #tpu.memory_space<vmem>>)
    %add3A_361 = arith.constant 32 : i32
    %add3A_362 = arith.addi %mul3A_2, %add3A_361 : i32
    %dma_start3A_363 = arith.constant 4 : i32
    %dma_start3A_364 = arith.constant 4 : i32
    %dma_start3A_365 = arith.constant 0 : i32
    %dma_start3A_366 = arith.constant 0 : i32
    %dma_start3A_367 = tpu.memref_slice %arg6[%dma_start3A_363, %dma_start3A_365, %dma_start3A_366] : memref<8x8x1024xf32, #tpu.memory_space<vmem>> -> memref<1x8x1024xf32, #tpu.memory_space<vmem>>
    %dma_start3A_368 = tpu.memref_squeeze %dma_start3A_367 : memref<1x8x1024xf32, #tpu.memory_space<vmem>> -> memref<8x1024xf32, #tpu.memory_space<vmem>>
    %dma_start3A_369 = arith.constant 0 : i32
    %dma_start3A_370 = tpu.memref_slice %arg4[%add3A_362, %dma_start3A_369] : memref<32768x1024xf32, #tpu.memory_space<hbm>> -> memref<8x1024xf32, #tpu.memory_space<hbm>>
    %dma_start3A_371 = tpu.memref_slice %arg8[%dma_start3A_364] : memref<8x!tpu.dma_semaphore, #tpu.memory_space<semaphore_mem>> -> memref<1x!tpu.dma_semaphore, #tpu.memory_space<semaphore_mem>>
    %dma_start3A_372 = tpu.memref_squeeze %dma_start3A_371 : memref<1x!tpu.dma_semaphore, #tpu.memory_space<semaphore_mem>> -> memref<!tpu.dma_semaphore, #tpu.memory_space<semaphore_mem>>
    %dma_start3A_373 = arith.constant 0 : i32
    %dma_start3A_374 = tpu.memref_slice %arg4[%add3A_362, %dma_start3A_373] : memref<32768x1024xf32, #tpu.memory_space<hbm>> -> memref<8x1024xf32, #tpu.memory_space<hbm>>
    %dma_start3A_375 = arith.constant 0 : i32
    %dma_start3A_376 = arith.constant 0 : i32
    %dma_start3A_377 = tpu.memref_slice %arg6[%dma_start3A_363, %dma_start3A_375, %dma_start3A_376] : memref<8x8x1024xf32, #tpu.memory_space<vmem>> -> memref<1x8x1024xf32, #tpu.memory_space<vmem>>
    %dma_start3A_378 = tpu.memref_squeeze %dma_start3A_377 : memref<1x8x1024xf32, #tpu.memory_space<vmem>> -> memref<8x1024xf32, #tpu.memory_space<vmem>>
    tpu.enqueue_dma source(%dma_start3A_378 : memref<8x1024xf32, #tpu.memory_space<vmem>>) target(%dma_start3A_374 : memref<8x1024xf32, #tpu.memory_space<hbm>>) target_semaphore(%dma_start3A_372 : memref<!tpu.dma_semaphore, #tpu.memory_space<semaphore_mem>>)
    %dma_wait3A_379 = arith.constant 3 : i32
    %dma_wait3A_380 = arith.constant 3 : i32
    %dma_wait3A_381 = arith.constant 0 : i32
    %dma_wait3A_382 = arith.constant 0 : i32
    %dma_wait3A_383 = tpu.memref_slice %arg6[%dma_wait3A_379, %dma_wait3A_381, %dma_wait3A_382] : memref<8x8x1024xf32, #tpu.memory_space<vmem>> -> memref<1x8x1024xf32, #tpu.memory_space<vmem>>
    %dma_wait3A_384 = tpu.memref_squeeze %dma_wait3A_383 : memref<1x8x1024xf32, #tpu.memory_space<vmem>> -> memref<8x1024xf32, #tpu.memory_space<vmem>>
    %dma_wait3A_385 = arith.constant 0 : i32
    %dma_wait3A_386 = tpu.memref_slice %arg4[%mul3A_2, %dma_wait3A_385] : memref<32768x1024xf32, #tpu.memory_space<hbm>> -> memref<8x1024xf32, #tpu.memory_space<hbm>>
    %dma_wait3A_387 = tpu.memref_slice %arg8[%dma_wait3A_380] : memref<8x!tpu.dma_semaphore, #tpu.memory_space<semaphore_mem>> -> memref<1x!tpu.dma_semaphore, #tpu.memory_space<semaphore_mem>>
    %dma_wait3A_388 = tpu.memref_squeeze %dma_wait3A_387 : memref<1x!tpu.dma_semaphore, #tpu.memory_space<semaphore_mem>> -> memref<!tpu.dma_semaphore, #tpu.memory_space<semaphore_mem>>
    %dma_wait3A_389 = arith.constant 0 : i32
    %dma_wait3A_390 = tpu.memref_slice %arg4[%mul3A_2, %dma_wait3A_389] : memref<32768x1024xf32, #tpu.memory_space<hbm>> -> memref<8x1024xf32, #tpu.memory_space<hbm>>
    %dma_wait3A_391 = arith.constant 0 : i32
    %dma_wait3A_392 = arith.constant 0 : i32
    %dma_wait3A_393 = tpu.memref_slice %arg6[%dma_wait3A_379, %dma_wait3A_391, %dma_wait3A_392] : memref<8x8x1024xf32, #tpu.memory_space<vmem>> -> memref<1x8x1024xf32, #tpu.memory_space<vmem>>
    %dma_wait3A_394 = tpu.memref_squeeze %dma_wait3A_393 : memref<1x8x1024xf32, #tpu.memory_space<vmem>> -> memref<8x1024xf32, #tpu.memory_space<vmem>>
    tpu.wait_dma2 semaphore(%dma_wait3A_388 : memref<!tpu.dma_semaphore, #tpu.memory_space<semaphore_mem>>) src(%dma_wait3A_394 : memref<8x1024xf32, #tpu.memory_space<vmem>>) dst(%dma_wait3A_390 : memref<8x1024xf32, #tpu.memory_space<hbm>>)
    %dma_start3A_395 = arith.constant 11 : i32
    %dma_start3A_396 = arith.constant 3 : i32
    %dma_start3A_397 = arith.constant 3 : i32
    %dma_start3A_398 = arith.constant 0 : i32
    %dma_start3A_399 = arith.constant 0 : i32
    %dma_start3A_400 = tpu.memref_slice %arg6[%dma_start3A_396, %dma_start3A_398, %dma_start3A_399] : memref<8x8x1024xf32, #tpu.memory_space<vmem>> -> memref<1x8x1024xf32, #tpu.memory_space<vmem>>
    %dma_start3A_401 = tpu.memref_squeeze %dma_start3A_400 : memref<1x8x1024xf32, #tpu.memory_space<vmem>> -> memref<8x1024xf32, #tpu.memory_space<vmem>>
    %dma_start3A_402 = arith.constant 0 : i32
    %dma_start3A_403 = tpu.memref_slice %arg5[%dma_start3A_395, %dma_start3A_402] : memref<128x8xi32, #tpu.memory_space<vmem>> -> memref<1x8xi32, #tpu.memory_space<vmem>>
    %dma_start3A_404 = tpu.memref_squeeze %dma_start3A_403 : memref<1x8xi32, #tpu.memory_space<vmem>> -> memref<8xi32, #tpu.memory_space<vmem>>
    %dma_start3A_405 = arith.constant 0 : i32
    %dma_start3A_406 = arith.constant 0 : i32
    %dma_start3A_407 = tpu.memref_slice %arg3[%dma_start3A_405, %dma_start3A_406] : memref<32768x1024xf32, #tpu.memory_space<hbm>> -> memref<32768x1024xf32, #tpu.memory_space<hbm>>
    %dma_start3A_408 = tpu.memref_slice %arg7[%dma_start3A_397] : memref<8x!tpu.dma_semaphore, #tpu.memory_space<semaphore_mem>> -> memref<1x!tpu.dma_semaphore, #tpu.memory_space<semaphore_mem>>
    %dma_start3A_409 = tpu.memref_squeeze %dma_start3A_408 : memref<1x!tpu.dma_semaphore, #tpu.memory_space<semaphore_mem>> -> memref<!tpu.dma_semaphore, #tpu.memory_space<semaphore_mem>>
    tpu.enqueue_indirect_dma source(%dma_start3A_407 : memref<32768x1024xf32, #tpu.memory_space<hbm>>) target(%dma_start3A_401 : memref<8x1024xf32, #tpu.memory_space<vmem>>) offsets(%dma_start3A_404 : memref<8xi32, #tpu.memory_space<vmem>>) semaphore(%dma_start3A_409 : memref<!tpu.dma_semaphore, #tpu.memory_space<semaphore_mem>>)
    %dma_wait3A_410 = arith.constant 0 : i32
    %dma_wait3A_411 = arith.constant 5 : i32
    %dma_wait3A_412 = arith.constant 5 : i32
    %dma_wait3A_413 = arith.constant 0 : i32
    %dma_wait3A_414 = arith.constant 0 : i32
    %dma_wait3A_415 = tpu.memref_slice %arg6[%dma_wait3A_411, %dma_wait3A_413, %dma_wait3A_414] : memref<8x8x1024xf32, #tpu.memory_space<vmem>> -> memref<1x8x1024xf32, #tpu.memory_space<vmem>>
    %dma_wait3A_416 = tpu.memref_squeeze %dma_wait3A_415 : memref<1x8x1024xf32, #tpu.memory_space<vmem>> -> memref<8x1024xf32, #tpu.memory_space<vmem>>
    %dma_wait3A_417 = arith.constant 0 : i32
    %dma_wait3A_418 = tpu.memref_slice %arg5[%dma_wait3A_410, %dma_wait3A_417] : memref<128x8xi32, #tpu.memory_space<vmem>> -> memref<1x8xi32, #tpu.memory_space<vmem>>
    %dma_wait3A_419 = tpu.memref_squeeze %dma_wait3A_418 : memref<1x8xi32, #tpu.memory_space<vmem>> -> memref<8xi32, #tpu.memory_space<vmem>>
    %dma_wait3A_420 = arith.constant 0 : i32
    %dma_wait3A_421 = arith.constant 0 : i32
    %dma_wait3A_422 = tpu.memref_slice %arg3[%dma_wait3A_420, %dma_wait3A_421] : memref<32768x1024xf32, #tpu.memory_space<hbm>> -> memref<32768x1024xf32, #tpu.memory_space<hbm>>
    %dma_wait3A_423 = tpu.memref_slice %arg7[%dma_wait3A_412] : memref<8x!tpu.dma_semaphore, #tpu.memory_space<semaphore_mem>> -> memref<1x!tpu.dma_semaphore, #tpu.memory_space<semaphore_mem>>
    %dma_wait3A_424 = tpu.memref_squeeze %dma_wait3A_423 : memref<1x!tpu.dma_semaphore, #tpu.memory_space<semaphore_mem>> -> memref<!tpu.dma_semaphore, #tpu.memory_space<semaphore_mem>>
    tpu.wait_indirect_dma semaphore(%dma_wait3A_424 : memref<!tpu.dma_semaphore, #tpu.memory_space<semaphore_mem>>) src(%dma_wait3A_422 : memref<32768x1024xf32, #tpu.memory_space<hbm>>) dst(%dma_wait3A_416 : memref<8x1024xf32, #tpu.memory_space<vmem>>)
    %add3A_425 = arith.constant 40 : i32
    %add3A_426 = arith.addi %mul3A_2, %add3A_425 : i32
    %dma_start3A_427 = arith.constant 5 : i32
    %dma_start3A_428 = arith.constant 5 : i32
    %dma_start3A_429 = arith.constant 0 : i32
    %dma_start3A_430 = arith.constant 0 : i32
    %dma_start3A_431 = tpu.memref_slice %arg6[%dma_start3A_427, %dma_start3A_429, %dma_start3A_430] : memref<8x8x1024xf32, #tpu.memory_space<vmem>> -> memref<1x8x1024xf32, #tpu.memory_space<vmem>>
    %dma_start3A_432 = tpu.memref_squeeze %dma_start3A_431 : memref<1x8x1024xf32, #tpu.memory_space<vmem>> -> memref<8x1024xf32, #tpu.memory_space<vmem>>
    %dma_start3A_433 = arith.constant 0 : i32
    %dma_start3A_434 = tpu.memref_slice %arg4[%add3A_426, %dma_start3A_433] : memref<32768x1024xf32, #tpu.memory_space<hbm>> -> memref<8x1024xf32, #tpu.memory_space<hbm>>
    %dma_start3A_435 = tpu.memref_slice %arg8[%dma_start3A_428] : memref<8x!tpu.dma_semaphore, #tpu.memory_space<semaphore_mem>> -> memref<1x!tpu.dma_semaphore, #tpu.memory_space<semaphore_mem>>
    %dma_start3A_436 = tpu.memref_squeeze %dma_start3A_435 : memref<1x!tpu.dma_semaphore, #tpu.memory_space<semaphore_mem>> -> memref<!tpu.dma_semaphore, #tpu.memory_space<semaphore_mem>>
    %dma_start3A_437 = arith.constant 0 : i32
    %dma_start3A_438 = tpu.memref_slice %arg4[%add3A_426, %dma_start3A_437] : memref<32768x1024xf32, #tpu.memory_space<hbm>> -> memref<8x1024xf32, #tpu.memory_space<hbm>>
    %dma_start3A_439 = arith.constant 0 : i32
    %dma_start3A_440 = arith.constant 0 : i32
    %dma_start3A_441 = tpu.memref_slice %arg6[%dma_start3A_427, %dma_start3A_439, %dma_start3A_440] : memref<8x8x1024xf32, #tpu.memory_space<vmem>> -> memref<1x8x1024xf32, #tpu.memory_space<vmem>>
    %dma_start3A_442 = tpu.memref_squeeze %dma_start3A_441 : memref<1x8x1024xf32, #tpu.memory_space<vmem>> -> memref<8x1024xf32, #tpu.memory_space<vmem>>
    tpu.enqueue_dma source(%dma_start3A_442 : memref<8x1024xf32, #tpu.memory_space<vmem>>) target(%dma_start3A_438 : memref<8x1024xf32, #tpu.memory_space<hbm>>) target_semaphore(%dma_start3A_436 : memref<!tpu.dma_semaphore, #tpu.memory_space<semaphore_mem>>)
    %dma_wait3A_443 = arith.constant 4 : i32
    %dma_wait3A_444 = arith.constant 4 : i32
    %dma_wait3A_445 = arith.constant 0 : i32
    %dma_wait3A_446 = arith.constant 0 : i32
    %dma_wait3A_447 = tpu.memref_slice %arg6[%dma_wait3A_443, %dma_wait3A_445, %dma_wait3A_446] : memref<8x8x1024xf32, #tpu.memory_space<vmem>> -> memref<1x8x1024xf32, #tpu.memory_space<vmem>>
    %dma_wait3A_448 = tpu.memref_squeeze %dma_wait3A_447 : memref<1x8x1024xf32, #tpu.memory_space<vmem>> -> memref<8x1024xf32, #tpu.memory_space<vmem>>
    %dma_wait3A_449 = arith.constant 0 : i32
    %dma_wait3A_450 = tpu.memref_slice %arg4[%mul3A_2, %dma_wait3A_449] : memref<32768x1024xf32, #tpu.memory_space<hbm>> -> memref<8x1024xf32, #tpu.memory_space<hbm>>
    %dma_wait3A_451 = tpu.memref_slice %arg8[%dma_wait3A_444] : memref<8x!tpu.dma_semaphore, #tpu.memory_space<semaphore_mem>> -> memref<1x!tpu.dma_semaphore, #tpu.memory_space<semaphore_mem>>
    %dma_wait3A_452 = tpu.memref_squeeze %dma_wait3A_451 : memref<1x!tpu.dma_semaphore, #tpu.memory_space<semaphore_mem>> -> memref<!tpu.dma_semaphore, #tpu.memory_space<semaphore_mem>>
    %dma_wait3A_453 = arith.constant 0 : i32
    %dma_wait3A_454 = tpu.memref_slice %arg4[%mul3A_2, %dma_wait3A_453] : memref<32768x1024xf32, #tpu.memory_space<hbm>> -> memref<8x1024xf32, #tpu.memory_space<hbm>>
    %dma_wait3A_455 = arith.constant 0 : i32
    %dma_wait3A_456 = arith.constant 0 : i32
    %dma_wait3A_457 = tpu.memref_slice %arg6[%dma_wait3A_443, %dma_wait3A_455, %dma_wait3A_456] : memref<8x8x1024xf32, #tpu.memory_space<vmem>> -> memref<1x8x1024xf32, #tpu.memory_space<vmem>>
    %dma_wait3A_458 = tpu.memref_squeeze %dma_wait3A_457 : memref<1x8x1024xf32, #tpu.memory_space<vmem>> -> memref<8x1024xf32, #tpu.memory_space<vmem>>
    tpu.wait_dma2 semaphore(%dma_wait3A_452 : memref<!tpu.dma_semaphore, #tpu.memory_space<semaphore_mem>>) src(%dma_wait3A_458 : memref<8x1024xf32, #tpu.memory_space<vmem>>) dst(%dma_wait3A_454 : memref<8x1024xf32, #tpu.memory_space<hbm>>)
    %dma_start3A_459 = arith.constant 12 : i32
    %dma_start3A_460 = arith.constant 4 : i32
    %dma_start3A_461 = arith.constant 4 : i32
    %dma_start3A_462 = arith.constant 0 : i32
    %dma_start3A_463 = arith.constant 0 : i32
    %dma_start3A_464 = tpu.memref_slice %arg6[%dma_start3A_460, %dma_start3A_462, %dma_start3A_463] : memref<8x8x1024xf32, #tpu.memory_space<vmem>> -> memref<1x8x1024xf32, #tpu.memory_space<vmem>>
    %dma_start3A_465 = tpu.memref_squeeze %dma_start3A_464 : memref<1x8x1024xf32, #tpu.memory_space<vmem>> -> memref<8x1024xf32, #tpu.memory_space<vmem>>
    %dma_start3A_466 = arith.constant 0 : i32
    %dma_start3A_467 = tpu.memref_slice %arg5[%dma_start3A_459, %dma_start3A_466] : memref<128x8xi32, #tpu.memory_space<vmem>> -> memref<1x8xi32, #tpu.memory_space<vmem>>
    %dma_start3A_468 = tpu.memref_squeeze %dma_start3A_467 : memref<1x8xi32, #tpu.memory_space<vmem>> -> memref<8xi32, #tpu.memory_space<vmem>>
    %dma_start3A_469 = arith.constant 0 : i32
    %dma_start3A_470 = arith.constant 0 : i32
    %dma_start3A_471 = tpu.memref_slice %arg3[%dma_start3A_469, %dma_start3A_470] : memref<32768x1024xf32, #tpu.memory_space<hbm>> -> memref<32768x1024xf32, #tpu.memory_space<hbm>>
    %dma_start3A_472 = tpu.memref_slice %arg7[%dma_start3A_461] : memref<8x!tpu.dma_semaphore, #tpu.memory_space<semaphore_mem>> -> memref<1x!tpu.dma_semaphore, #tpu.memory_space<semaphore_mem>>
    %dma_start3A_473 = tpu.memref_squeeze %dma_start3A_472 : memref<1x!tpu.dma_semaphore, #tpu.memory_space<semaphore_mem>> -> memref<!tpu.dma_semaphore, #tpu.memory_space<semaphore_mem>>
    tpu.enqueue_indirect_dma source(%dma_start3A_471 : memref<32768x1024xf32, #tpu.memory_space<hbm>>) target(%dma_start3A_465 : memref<8x1024xf32, #tpu.memory_space<vmem>>) offsets(%dma_start3A_468 : memref<8xi32, #tpu.memory_space<vmem>>) semaphore(%dma_start3A_473 : memref<!tpu.dma_semaphore, #tpu.memory_space<semaphore_mem>>)
    %dma_wait3A_474 = arith.constant 0 : i32
    %dma_wait3A_475 = arith.constant 6 : i32
    %dma_wait3A_476 = arith.constant 6 : i32
    %dma_wait3A_477 = arith.constant 0 : i32
    %dma_wait3A_478 = arith.constant 0 : i32
    %dma_wait3A_479 = tpu.memref_slice %arg6[%dma_wait3A_475, %dma_wait3A_477, %dma_wait3A_478] : memref<8x8x1024xf32, #tpu.memory_space<vmem>> -> memref<1x8x1024xf32, #tpu.memory_space<vmem>>
    %dma_wait3A_480 = tpu.memref_squeeze %dma_wait3A_479 : memref<1x8x1024xf32, #tpu.memory_space<vmem>> -> memref<8x1024xf32, #tpu.memory_space<vmem>>
    %dma_wait3A_481 = arith.constant 0 : i32
    %dma_wait3A_482 = tpu.memref_slice %arg5[%dma_wait3A_474, %dma_wait3A_481] : memref<128x8xi32, #tpu.memory_space<vmem>> -> memref<1x8xi32, #tpu.memory_space<vmem>>
    %dma_wait3A_483 = tpu.memref_squeeze %dma_wait3A_482 : memref<1x8xi32, #tpu.memory_space<vmem>> -> memref<8xi32, #tpu.memory_space<vmem>>
    %dma_wait3A_484 = arith.constant 0 : i32
    %dma_wait3A_485 = arith.constant 0 : i32
    %dma_wait3A_486 = tpu.memref_slice %arg3[%dma_wait3A_484, %dma_wait3A_485] : memref<32768x1024xf32, #tpu.memory_space<hbm>> -> memref<32768x1024xf32, #tpu.memory_space<hbm>>
    %dma_wait3A_487 = tpu.memref_slice %arg7[%dma_wait3A_476] : memref<8x!tpu.dma_semaphore, #tpu.memory_space<semaphore_mem>> -> memref<1x!tpu.dma_semaphore, #tpu.memory_space<semaphore_mem>>
    %dma_wait3A_488 = tpu.memref_squeeze %dma_wait3A_487 : memref<1x!tpu.dma_semaphore, #tpu.memory_space<semaphore_mem>> -> memref<!tpu.dma_semaphore, #tpu.memory_space<semaphore_mem>>
    tpu.wait_indirect_dma semaphore(%dma_wait3A_488 : memref<!tpu.dma_semaphore, #tpu.memory_space<semaphore_mem>>) src(%dma_wait3A_486 : memref<32768x1024xf32, #tpu.memory_space<hbm>>) dst(%dma_wait3A_480 : memref<8x1024xf32, #tpu.memory_space<vmem>>)
    %add3A_489 = arith.constant 48 : i32
    %add3A_490 = arith.addi %mul3A_2, %add3A_489 : i32
    %dma_start3A_491 = arith.constant 6 : i32
    %dma_start3A_492 = arith.constant 6 : i32
    %dma_start3A_493 = arith.constant 0 : i32
    %dma_start3A_494 = arith.constant 0 : i32
    %dma_start3A_495 = tpu.memref_slice %arg6[%dma_start3A_491, %dma_start3A_493, %dma_start3A_494] : memref<8x8x1024xf32, #tpu.memory_space<vmem>> -> memref<1x8x1024xf32, #tpu.memory_space<vmem>>
    %dma_start3A_496 = tpu.memref_squeeze %dma_start3A_495 : memref<1x8x1024xf32, #tpu.memory_space<vmem>> -> memref<8x1024xf32, #tpu.memory_space<vmem>>
    %dma_start3A_497 = arith.constant 0 : i32
    %dma_start3A_498 = tpu.memref_slice %arg4[%add3A_490, %dma_start3A_497] : memref<32768x1024xf32, #tpu.memory_space<hbm>> -> memref<8x1024xf32, #tpu.memory_space<hbm>>
    %dma_start3A_499 = tpu.memref_slice %arg8[%dma_start3A_492] : memref<8x!tpu.dma_semaphore, #tpu.memory_space<semaphore_mem>> -> memref<1x!tpu.dma_semaphore, #tpu.memory_space<semaphore_mem>>
    %dma_start3A_500 = tpu.memref_squeeze %dma_start3A_499 : memref<1x!tpu.dma_semaphore, #tpu.memory_space<semaphore_mem>> -> memref<!tpu.dma_semaphore, #tpu.memory_space<semaphore_mem>>
    %dma_start3A_501 = arith.constant 0 : i32
    %dma_start3A_502 = tpu.memref_slice %arg4[%add3A_490, %dma_start3A_501] : memref<32768x1024xf32, #tpu.memory_space<hbm>> -> memref<8x1024xf32, #tpu.memory_space<hbm>>
    %dma_start3A_503 = arith.constant 0 : i32
    %dma_start3A_504 = arith.constant 0 : i32
    %dma_start3A_505 = tpu.memref_slice %arg6[%dma_start3A_491, %dma_start3A_503, %dma_start3A_504] : memref<8x8x1024xf32, #tpu.memory_space<vmem>> -> memref<1x8x1024xf32, #tpu.memory_space<vmem>>
    %dma_start3A_506 = tpu.memref_squeeze %dma_start3A_505 : memref<1x8x1024xf32, #tpu.memory_space<vmem>> -> memref<8x1024xf32, #tpu.memory_space<vmem>>
    tpu.enqueue_dma source(%dma_start3A_506 : memref<8x1024xf32, #tpu.memory_space<vmem>>) target(%dma_start3A_502 : memref<8x1024xf32, #tpu.memory_space<hbm>>) target_semaphore(%dma_start3A_500 : memref<!tpu.dma_semaphore, #tpu.memory_space<semaphore_mem>>)
    %dma_wait3A_507 = arith.constant 5 : i32
    %dma_wait3A_508 = arith.constant 5 : i32
    %dma_wait3A_509 = arith.constant 0 : i32
    %dma_wait3A_510 = arith.constant 0 : i32
    %dma_wait3A_511 = tpu.memref_slice %arg6[%dma_wait3A_507, %dma_wait3A_509, %dma_wait3A_510] : memref<8x8x1024xf32, #tpu.memory_space<vmem>> -> memref<1x8x1024xf32, #tpu.memory_space<vmem>>
    %dma_wait3A_512 = tpu.memref_squeeze %dma_wait3A_511 : memref<1x8x1024xf32, #tpu.memory_space<vmem>> -> memref<8x1024xf32, #tpu.memory_space<vmem>>
    %dma_wait3A_513 = arith.constant 0 : i32
    %dma_wait3A_514 = tpu.memref_slice %arg4[%mul3A_2, %dma_wait3A_513] : memref<32768x1024xf32, #tpu.memory_space<hbm>> -> memref<8x1024xf32, #tpu.memory_space<hbm>>
    %dma_wait3A_515 = tpu.memref_slice %arg8[%dma_wait3A_508] : memref<8x!tpu.dma_semaphore, #tpu.memory_space<semaphore_mem>> -> memref<1x!tpu.dma_semaphore, #tpu.memory_space<semaphore_mem>>
    %dma_wait3A_516 = tpu.memref_squeeze %dma_wait3A_515 : memref<1x!tpu.dma_semaphore, #tpu.memory_space<semaphore_mem>> -> memref<!tpu.dma_semaphore, #tpu.memory_space<semaphore_mem>>
    %dma_wait3A_517 = arith.constant 0 : i32
    %dma_wait3A_518 = tpu.memref_slice %arg4[%mul3A_2, %dma_wait3A_517] : memref<32768x1024xf32, #tpu.memory_space<hbm>> -> memref<8x1024xf32, #tpu.memory_space<hbm>>
    %dma_wait3A_519 = arith.constant 0 : i32
    %dma_wait3A_520 = arith.constant 0 : i32
    %dma_wait3A_521 = tpu.memref_slice %arg6[%dma_wait3A_507, %dma_wait3A_519, %dma_wait3A_520] : memref<8x8x1024xf32, #tpu.memory_space<vmem>> -> memref<1x8x1024xf32, #tpu.memory_space<vmem>>
    %dma_wait3A_522 = tpu.memref_squeeze %dma_wait3A_521 : memref<1x8x1024xf32, #tpu.memory_space<vmem>> -> memref<8x1024xf32, #tpu.memory_space<vmem>>
    tpu.wait_dma2 semaphore(%dma_wait3A_516 : memref<!tpu.dma_semaphore, #tpu.memory_space<semaphore_mem>>) src(%dma_wait3A_522 : memref<8x1024xf32, #tpu.memory_space<vmem>>) dst(%dma_wait3A_518 : memref<8x1024xf32, #tpu.memory_space<hbm>>)
    %dma_start3A_523 = arith.constant 13 : i32
    %dma_start3A_524 = arith.constant 5 : i32
    %dma_start3A_525 = arith.constant 5 : i32
    %dma_start3A_526 = arith.constant 0 : i32
    %dma_start3A_527 = arith.constant 0 : i32
    %dma_start3A_528 = tpu.memref_slice %arg6[%dma_start3A_524, %dma_start3A_526, %dma_start3A_527] : memref<8x8x1024xf32, #tpu.memory_space<vmem>> -> memref<1x8x1024xf32, #tpu.memory_space<vmem>>
    %dma_start3A_529 = tpu.memref_squeeze %dma_start3A_528 : memref<1x8x1024xf32, #tpu.memory_space<vmem>> -> memref<8x1024xf32, #tpu.memory_space<vmem>>
    %dma_start3A_530 = arith.constant 0 : i32
    %dma_start3A_531 = tpu.memref_slice %arg5[%dma_start3A_523, %dma_start3A_530] : memref<128x8xi32, #tpu.memory_space<vmem>> -> memref<1x8xi32, #tpu.memory_space<vmem>>
    %dma_start3A_532 = tpu.memref_squeeze %dma_start3A_531 : memref<1x8xi32, #tpu.memory_space<vmem>> -> memref<8xi32, #tpu.memory_space<vmem>>
    %dma_start3A_533 = arith.constant 0 : i32
    %dma_start3A_534 = arith.constant 0 : i32
    %dma_start3A_535 = tpu.memref_slice %arg3[%dma_start3A_533, %dma_start3A_534] : memref<32768x1024xf32, #tpu.memory_space<hbm>> -> memref<32768x1024xf32, #tpu.memory_space<hbm>>
    %dma_start3A_536 = tpu.memref_slice %arg7[%dma_start3A_525] : memref<8x!tpu.dma_semaphore, #tpu.memory_space<semaphore_mem>> -> memref<1x!tpu.dma_semaphore, #tpu.memory_space<semaphore_mem>>
    %dma_start3A_537 = tpu.memref_squeeze %dma_start3A_536 : memref<1x!tpu.dma_semaphore, #tpu.memory_space<semaphore_mem>> -> memref<!tpu.dma_semaphore, #tpu.memory_space<semaphore_mem>>
    tpu.enqueue_indirect_dma source(%dma_start3A_535 : memref<32768x1024xf32, #tpu.memory_space<hbm>>) target(%dma_start3A_529 : memref<8x1024xf32, #tpu.memory_space<vmem>>) offsets(%dma_start3A_532 : memref<8xi32, #tpu.memory_space<vmem>>) semaphore(%dma_start3A_537 : memref<!tpu.dma_semaphore, #tpu.memory_space<semaphore_mem>>)
    %dma_wait3A_538 = arith.constant 0 : i32
    %dma_wait3A_539 = arith.constant 7 : i32
    %dma_wait3A_540 = arith.constant 7 : i32
    %dma_wait3A_541 = arith.constant 0 : i32
    %dma_wait3A_542 = arith.constant 0 : i32
    %dma_wait3A_543 = tpu.memref_slice %arg6[%dma_wait3A_539, %dma_wait3A_541, %dma_wait3A_542] : memref<8x8x1024xf32, #tpu.memory_space<vmem>> -> memref<1x8x1024xf32, #tpu.memory_space<vmem>>
    %dma_wait3A_544 = tpu.memref_squeeze %dma_wait3A_543 : memref<1x8x1024xf32, #tpu.memory_space<vmem>> -> memref<8x1024xf32, #tpu.memory_space<vmem>>
    %dma_wait3A_545 = arith.constant 0 : i32
    %dma_wait3A_546 = tpu.memref_slice %arg5[%dma_wait3A_538, %dma_wait3A_545] : memref<128x8xi32, #tpu.memory_space<vmem>> -> memref<1x8xi32, #tpu.memory_space<vmem>>
    %dma_wait3A_547 = tpu.memref_squeeze %dma_wait3A_546 : memref<1x8xi32, #tpu.memory_space<vmem>> -> memref<8xi32, #tpu.memory_space<vmem>>
    %dma_wait3A_548 = arith.constant 0 : i32
    %dma_wait3A_549 = arith.constant 0 : i32
    %dma_wait3A_550 = tpu.memref_slice %arg3[%dma_wait3A_548, %dma_wait3A_549] : memref<32768x1024xf32, #tpu.memory_space<hbm>> -> memref<32768x1024xf32, #tpu.memory_space<hbm>>
    %dma_wait3A_551 = tpu.memref_slice %arg7[%dma_wait3A_540] : memref<8x!tpu.dma_semaphore, #tpu.memory_space<semaphore_mem>> -> memref<1x!tpu.dma_semaphore, #tpu.memory_space<semaphore_mem>>
    %dma_wait3A_552 = tpu.memref_squeeze %dma_wait3A_551 : memref<1x!tpu.dma_semaphore, #tpu.memory_space<semaphore_mem>> -> memref<!tpu.dma_semaphore, #tpu.memory_space<semaphore_mem>>
    tpu.wait_indirect_dma semaphore(%dma_wait3A_552 : memref<!tpu.dma_semaphore, #tpu.memory_space<semaphore_mem>>) src(%dma_wait3A_550 : memref<32768x1024xf32, #tpu.memory_space<hbm>>) dst(%dma_wait3A_544 : memref<8x1024xf32, #tpu.memory_space<vmem>>)
    %add3A_553 = arith.constant 56 : i32
    %add3A_554 = arith.addi %mul3A_2, %add3A_553 : i32
    %dma_start3A_555 = arith.constant 7 : i32
    %dma_start3A_556 = arith.constant 7 : i32
    %dma_start3A_557 = arith.constant 0 : i32
    %dma_start3A_558 = arith.constant 0 : i32
    %dma_start3A_559 = tpu.memref_slice %arg6[%dma_start3A_555, %dma_start3A_557, %dma_start3A_558] : memref<8x8x1024xf32, #tpu.memory_space<vmem>> -> memref<1x8x1024xf32, #tpu.memory_space<vmem>>
    %dma_start3A_560 = tpu.memref_squeeze %dma_start3A_559 : memref<1x8x1024xf32, #tpu.memory_space<vmem>> -> memref<8x1024xf32, #tpu.memory_space<vmem>>
    %dma_start3A_561 = arith.constant 0 : i32
    %dma_start3A_562 = tpu.memref_slice %arg4[%add3A_554, %dma_start3A_561] : memref<32768x1024xf32, #tpu.memory_space<hbm>> -> memref<8x1024xf32, #tpu.memory_space<hbm>>
    %dma_start3A_563 = tpu.memref_slice %arg8[%dma_start3A_556] : memref<8x!tpu.dma_semaphore, #tpu.memory_space<semaphore_mem>> -> memref<1x!tpu.dma_semaphore, #tpu.memory_space<semaphore_mem>>
    %dma_start3A_564 = tpu.memref_squeeze %dma_start3A_563 : memref<1x!tpu.dma_semaphore, #tpu.memory_space<semaphore_mem>> -> memref<!tpu.dma_semaphore, #tpu.memory_space<semaphore_mem>>
    %dma_start3A_565 = arith.constant 0 : i32
    %dma_start3A_566 = tpu.memref_slice %arg4[%add3A_554, %dma_start3A_565] : memref<32768x1024xf32, #tpu.memory_space<hbm>> -> memref<8x1024xf32, #tpu.memory_space<hbm>>
    %dma_start3A_567 = arith.constant 0 : i32
    %dma_start3A_568 = arith.constant 0 : i32
    %dma_start3A_569 = tpu.memref_slice %arg6[%dma_start3A_555, %dma_start3A_567, %dma_start3A_568] : memref<8x8x1024xf32, #tpu.memory_space<vmem>> -> memref<1x8x1024xf32, #tpu.memory_space<vmem>>
    %dma_start3A_570 = tpu.memref_squeeze %dma_start3A_569 : memref<1x8x1024xf32, #tpu.memory_space<vmem>> -> memref<8x1024xf32, #tpu.memory_space<vmem>>
    tpu.enqueue_dma source(%dma_start3A_570 : memref<8x1024xf32, #tpu.memory_space<vmem>>) target(%dma_start3A_566 : memref<8x1024xf32, #tpu.memory_space<hbm>>) target_semaphore(%dma_start3A_564 : memref<!tpu.dma_semaphore, #tpu.memory_space<semaphore_mem>>)
    %dma_wait3A_571 = arith.constant 6 : i32
    %dma_wait3A_572 = arith.constant 6 : i32
    %dma_wait3A_573 = arith.constant 0 : i32
    %dma_wait3A_574 = arith.constant 0 : i32
    %dma_wait3A_575 = tpu.memref_slice %arg6[%dma_wait3A_571, %dma_wait3A_573, %dma_wait3A_574] : memref<8x8x1024xf32, #tpu.memory_space<vmem>> -> memref<1x8x1024xf32, #tpu.memory_space<vmem>>
    %dma_wait3A_576 = tpu.memref_squeeze %dma_wait3A_575 : memref<1x8x1024xf32, #tpu.memory_space<vmem>> -> memref<8x1024xf32, #tpu.memory_space<vmem>>
    %dma_wait3A_577 = arith.constant 0 : i32
    %dma_wait3A_578 = tpu.memref_slice %arg4[%mul3A_2, %dma_wait3A_577] : memref<32768x1024xf32, #tpu.memory_space<hbm>> -> memref<8x1024xf32, #tpu.memory_space<hbm>>
    %dma_wait3A_579 = tpu.memref_slice %arg8[%dma_wait3A_572] : memref<8x!tpu.dma_semaphore, #tpu.memory_space<semaphore_mem>> -> memref<1x!tpu.dma_semaphore, #tpu.memory_space<semaphore_mem>>
    %dma_wait3A_580 = tpu.memref_squeeze %dma_wait3A_579 : memref<1x!tpu.dma_semaphore, #tpu.memory_space<semaphore_mem>> -> memref<!tpu.dma_semaphore, #tpu.memory_space<semaphore_mem>>
    %dma_wait3A_581 = arith.constant 0 : i32
    %dma_wait3A_582 = tpu.memref_slice %arg4[%mul3A_2, %dma_wait3A_581] : memref<32768x1024xf32, #tpu.memory_space<hbm>> -> memref<8x1024xf32, #tpu.memory_space<hbm>>
    %dma_wait3A_583 = arith.constant 0 : i32
    %dma_wait3A_584 = arith.constant 0 : i32
    %dma_wait3A_585 = tpu.memref_slice %arg6[%dma_wait3A_571, %dma_wait3A_583, %dma_wait3A_584] : memref<8x8x1024xf32, #tpu.memory_space<vmem>> -> memref<1x8x1024xf32, #tpu.memory_space<vmem>>
    %dma_wait3A_586 = tpu.memref_squeeze %dma_wait3A_585 : memref<1x8x1024xf32, #tpu.memory_space<vmem>> -> memref<8x1024xf32, #tpu.memory_space<vmem>>
    tpu.wait_dma2 semaphore(%dma_wait3A_580 : memref<!tpu.dma_semaphore, #tpu.memory_space<semaphore_mem>>) src(%dma_wait3A_586 : memref<8x1024xf32, #tpu.memory_space<vmem>>) dst(%dma_wait3A_582 : memref<8x1024xf32, #tpu.memory_space<hbm>>)
    %dma_start3A_587 = arith.constant 14 : i32
    %dma_start3A_588 = arith.constant 6 : i32
    %dma_start3A_589 = arith.constant 6 : i32
    %dma_start3A_590 = arith.constant 0 : i32
    %dma_start3A_591 = arith.constant 0 : i32
    %dma_start3A_592 = tpu.memref_slice %arg6[%dma_start3A_588, %dma_start3A_590, %dma_start3A_591] : memref<8x8x1024xf32, #tpu.memory_space<vmem>> -> memref<1x8x1024xf32, #tpu.memory_space<vmem>>
    %dma_start3A_593 = tpu.memref_squeeze %dma_start3A_592 : memref<1x8x1024xf32, #tpu.memory_space<vmem>> -> memref<8x1024xf32, #tpu.memory_space<vmem>>
    %dma_start3A_594 = arith.constant 0 : i32
    %dma_start3A_595 = tpu.memref_slice %arg5[%dma_start3A_587, %dma_start3A_594] : memref<128x8xi32, #tpu.memory_space<vmem>> -> memref<1x8xi32, #tpu.memory_space<vmem>>
    %dma_start3A_596 = tpu.memref_squeeze %dma_start3A_595 : memref<1x8xi32, #tpu.memory_space<vmem>> -> memref<8xi32, #tpu.memory_space<vmem>>
    %dma_start3A_597 = arith.constant 0 : i32
    %dma_start3A_598 = arith.constant 0 : i32
    %dma_start3A_599 = tpu.memref_slice %arg3[%dma_start3A_597, %dma_start3A_598] : memref<32768x1024xf32, #tpu.memory_space<hbm>> -> memref<32768x1024xf32, #tpu.memory_space<hbm>>
    %dma_start3A_600 = tpu.memref_slice %arg7[%dma_start3A_589] : memref<8x!tpu.dma_semaphore, #tpu.memory_space<semaphore_mem>> -> memref<1x!tpu.dma_semaphore, #tpu.memory_space<semaphore_mem>>
    %dma_start3A_601 = tpu.memref_squeeze %dma_start3A_600 : memref<1x!tpu.dma_semaphore, #tpu.memory_space<semaphore_mem>> -> memref<!tpu.dma_semaphore, #tpu.memory_space<semaphore_mem>>
    tpu.enqueue_indirect_dma source(%dma_start3A_599 : memref<32768x1024xf32, #tpu.memory_space<hbm>>) target(%dma_start3A_593 : memref<8x1024xf32, #tpu.memory_space<vmem>>) offsets(%dma_start3A_596 : memref<8xi32, #tpu.memory_space<vmem>>) semaphore(%dma_start3A_601 : memref<!tpu.dma_semaphore, #tpu.memory_space<semaphore_mem>>)
    %scan3A = arith.constant 0 : i32
    %scan3A_602 = arith.constant 1 : i32
    %scan3A_603 = arith.constant 14 : i32
    %scan3A_604 = arith.addi %scan3A_602, %scan3A_603 : i32
    %scan3A_605 = arith.constant 1 : i32
    scf.for %scan3A_1030 = %scan3A_602 to %scan3A_604 step %scan3A_605  : i32 {
      %mul3A_1031 = arith.constant 8 : i32
      %mul3A_1032 = arith.muli %scan3A_1030, %mul3A_1031 : i32
      %add3A_1033 = arith.constant 0 : i32
      %add3A_1034 = arith.addi %mul3A_1032, %add3A_1033 : i32
      %dma_wait3A_1035 = arith.constant 0 : i32
      %dma_wait3A_1036 = arith.constant 0 : i32
      %dma_wait3A_1037 = arith.constant 0 : i32
      %dma_wait3A_1038 = arith.constant 0 : i32
      %dma_wait3A_1039 = arith.constant 0 : i32
      %dma_wait3A_1040 = tpu.memref_slice %arg6[%dma_wait3A_1036, %dma_wait3A_1038, %dma_wait3A_1039] : memref<8x8x1024xf32, #tpu.memory_space<vmem>> -> memref<1x8x1024xf32, #tpu.memory_space<vmem>>
      %dma_wait3A_1041 = tpu.memref_squeeze %dma_wait3A_1040 : memref<1x8x1024xf32, #tpu.memory_space<vmem>> -> memref<8x1024xf32, #tpu.memory_space<vmem>>
      %dma_wait3A_1042 = arith.constant 0 : i32
      %dma_wait3A_1043 = tpu.memref_slice %arg5[%dma_wait3A_1035, %dma_wait3A_1042] : memref<128x8xi32, #tpu.memory_space<vmem>> -> memref<1x8xi32, #tpu.memory_space<vmem>>
      %dma_wait3A_1044 = tpu.memref_squeeze %dma_wait3A_1043 : memref<1x8xi32, #tpu.memory_space<vmem>> -> memref<8xi32, #tpu.memory_space<vmem>>
      %dma_wait3A_1045 = arith.constant 0 : i32
      %dma_wait3A_1046 = arith.constant 0 : i32
      %dma_wait3A_1047 = tpu.memref_slice %arg3[%dma_wait3A_1045, %dma_wait3A_1046] : memref<32768x1024xf32, #tpu.memory_space<hbm>> -> memref<32768x1024xf32, #tpu.memory_space<hbm>>
      %dma_wait3A_1048 = tpu.memref_slice %arg7[%dma_wait3A_1037] : memref<8x!tpu.dma_semaphore, #tpu.memory_space<semaphore_mem>> -> memref<1x!tpu.dma_semaphore, #tpu.memory_space<semaphore_mem>>
      %dma_wait3A_1049 = tpu.memref_squeeze %dma_wait3A_1048 : memref<1x!tpu.dma_semaphore, #tpu.memory_space<semaphore_mem>> -> memref<!tpu.dma_semaphore, #tpu.memory_space<semaphore_mem>>
      tpu.wait_indirect_dma semaphore(%dma_wait3A_1049 : memref<!tpu.dma_semaphore, #tpu.memory_space<semaphore_mem>>) src(%dma_wait3A_1047 : memref<32768x1024xf32, #tpu.memory_space<hbm>>) dst(%dma_wait3A_1041 : memref<8x1024xf32, #tpu.memory_space<vmem>>)
      %mul3A_1050 = arith.constant 8 : i32
      %mul3A_1051 = arith.muli %add3A_1034, %mul3A_1050 : i32
      %add3A_1052 = arith.addi %mul3A_2, %mul3A_1051 : i32
      %dma_start3A_1053 = arith.constant 0 : i32
      %dma_start3A_1054 = arith.constant 0 : i32
      %dma_start3A_1055 = arith.constant 0 : i32
      %dma_start3A_1056 = arith.constant 0 : i32
      %dma_start3A_1057 = tpu.memref_slice %arg6[%dma_start3A_1053, %dma_start3A_1055, %dma_start3A_1056] : memref<8x8x1024xf32, #tpu.memory_space<vmem>> -> memref<1x8x1024xf32, #tpu.memory_space<vmem>>
      %dma_start3A_1058 = tpu.memref_squeeze %dma_start3A_1057 : memref<1x8x1024xf32, #tpu.memory_space<vmem>> -> memref<8x1024xf32, #tpu.memory_space<vmem>>
      %dma_start3A_1059 = arith.constant 0 : i32
      %dma_start3A_1060 = tpu.memref_slice %arg4[%add3A_1052, %dma_start3A_1059] : memref<32768x1024xf32, #tpu.memory_space<hbm>> -> memref<8x1024xf32, #tpu.memory_space<hbm>>
      %dma_start3A_1061 = tpu.memref_slice %arg8[%dma_start3A_1054] : memref<8x!tpu.dma_semaphore, #tpu.memory_space<semaphore_mem>> -> memref<1x!tpu.dma_semaphore, #tpu.memory_space<semaphore_mem>>
      %dma_start3A_1062 = tpu.memref_squeeze %dma_start3A_1061 : memref<1x!tpu.dma_semaphore, #tpu.memory_space<semaphore_mem>> -> memref<!tpu.dma_semaphore, #tpu.memory_space<semaphore_mem>>
      %dma_start3A_1063 = arith.constant 0 : i32
      %dma_start3A_1064 = tpu.memref_slice %arg4[%add3A_1052, %dma_start3A_1063] : memref<32768x1024xf32, #tpu.memory_space<hbm>> -> memref<8x1024xf32, #tpu.memory_space<hbm>>
      %dma_start3A_1065 = arith.constant 0 : i32
      %dma_start3A_1066 = arith.constant 0 : i32
      %dma_start3A_1067 = tpu.memref_slice %arg6[%dma_start3A_1053, %dma_start3A_1065, %dma_start3A_1066] : memref<8x8x1024xf32, #tpu.memory_space<vmem>> -> memref<1x8x1024xf32, #tpu.memory_space<vmem>>
      %dma_start3A_1068 = tpu.memref_squeeze %dma_start3A_1067 : memref<1x8x1024xf32, #tpu.memory_space<vmem>> -> memref<8x1024xf32, #tpu.memory_space<vmem>>
      tpu.enqueue_dma source(%dma_start3A_1068 : memref<8x1024xf32, #tpu.memory_space<vmem>>) target(%dma_start3A_1064 : memref<8x1024xf32, #tpu.memory_space<hbm>>) target_semaphore(%dma_start3A_1062 : memref<!tpu.dma_semaphore, #tpu.memory_space<semaphore_mem>>)
      %dma_wait3A_1069 = arith.constant 7 : i32
      %dma_wait3A_1070 = arith.constant 7 : i32
      %dma_wait3A_1071 = arith.constant 0 : i32
      %dma_wait3A_1072 = arith.constant 0 : i32
      %dma_wait3A_1073 = tpu.memref_slice %arg6[%dma_wait3A_1069, %dma_wait3A_1071, %dma_wait3A_1072] : memref<8x8x1024xf32, #tpu.memory_space<vmem>> -> memref<1x8x1024xf32, #tpu.memory_space<vmem>>
      %dma_wait3A_1074 = tpu.memref_squeeze %dma_wait3A_1073 : memref<1x8x1024xf32, #tpu.memory_space<vmem>> -> memref<8x1024xf32, #tpu.memory_space<vmem>>
      %dma_wait3A_1075 = arith.constant 0 : i32
      %dma_wait3A_1076 = tpu.memref_slice %arg4[%mul3A_2, %dma_wait3A_1075] : memref<32768x1024xf32, #tpu.memory_space<hbm>> -> memref<8x1024xf32, #tpu.memory_space<hbm>>
      %dma_wait3A_1077 = tpu.memref_slice %arg8[%dma_wait3A_1070] : memref<8x!tpu.dma_semaphore, #tpu.memory_space<semaphore_mem>> -> memref<1x!tpu.dma_semaphore, #tpu.memory_space<semaphore_mem>>
      %dma_wait3A_1078 = tpu.memref_squeeze %dma_wait3A_1077 : memref<1x!tpu.dma_semaphore, #tpu.memory_space<semaphore_mem>> -> memref<!tpu.dma_semaphore, #tpu.memory_space<semaphore_mem>>
      %dma_wait3A_1079 = arith.constant 0 : i32
      %dma_wait3A_1080 = tpu.memref_slice %arg4[%mul3A_2, %dma_wait3A_1079] : memref<32768x1024xf32, #tpu.memory_space<hbm>> -> memref<8x1024xf32, #tpu.memory_space<hbm>>
      %dma_wait3A_1081 = arith.constant 0 : i32
      %dma_wait3A_1082 = arith.constant 0 : i32
      %dma_wait3A_1083 = tpu.memref_slice %arg6[%dma_wait3A_1069, %dma_wait3A_1081, %dma_wait3A_1082] : memref<8x8x1024xf32, #tpu.memory_space<vmem>> -> memref<1x8x1024xf32, #tpu.memory_space<vmem>>
      %dma_wait3A_1084 = tpu.memref_squeeze %dma_wait3A_1083 : memref<1x8x1024xf32, #tpu.memory_space<vmem>> -> memref<8x1024xf32, #tpu.memory_space<vmem>>
      tpu.wait_dma2 semaphore(%dma_wait3A_1078 : memref<!tpu.dma_semaphore, #tpu.memory_space<semaphore_mem>>) src(%dma_wait3A_1084 : memref<8x1024xf32, #tpu.memory_space<vmem>>) dst(%dma_wait3A_1080 : memref<8x1024xf32, #tpu.memory_space<hbm>>)
      %add3A_1085 = arith.constant 8 : i32
      %add3A_1086 = arith.addi %add3A_1034, %add3A_1085 : i32
      %sub3A = arith.constant 1 : i32
      %sub3A_1087 = arith.subi %add3A_1086, %sub3A : i32
      %dma_start3A_1088 = arith.constant 7 : i32
      %dma_start3A_1089 = arith.constant 7 : i32
      %dma_start3A_1090 = arith.constant 0 : i32
      %dma_start3A_1091 = arith.constant 0 : i32
      %dma_start3A_1092 = tpu.memref_slice %arg6[%dma_start3A_1088, %dma_start3A_1090, %dma_start3A_1091] : memref<8x8x1024xf32, #tpu.memory_space<vmem>> -> memref<1x8x1024xf32, #tpu.memory_space<vmem>>
      %dma_start3A_1093 = tpu.memref_squeeze %dma_start3A_1092 : memref<1x8x1024xf32, #tpu.memory_space<vmem>> -> memref<8x1024xf32, #tpu.memory_space<vmem>>
      %dma_start3A_1094 = arith.constant 0 : i32
      %dma_start3A_1095 = tpu.memref_slice %arg5[%sub3A_1087, %dma_start3A_1094] : memref<128x8xi32, #tpu.memory_space<vmem>> -> memref<1x8xi32, #tpu.memory_space<vmem>>
      %dma_start3A_1096 = tpu.memref_squeeze %dma_start3A_1095 : memref<1x8xi32, #tpu.memory_space<vmem>> -> memref<8xi32, #tpu.memory_space<vmem>>
      %dma_start3A_1097 = arith.constant 0 : i32
      %dma_start3A_1098 = arith.constant 0 : i32
      %dma_start3A_1099 = tpu.memref_slice %arg3[%dma_start3A_1097, %dma_start3A_1098] : memref<32768x1024xf32, #tpu.memory_space<hbm>> -> memref<32768x1024xf32, #tpu.memory_space<hbm>>
      %dma_start3A_1100 = tpu.memref_slice %arg7[%dma_start3A_1089] : memref<8x!tpu.dma_semaphore, #tpu.memory_space<semaphore_mem>> -> memref<1x!tpu.dma_semaphore, #tpu.memory_space<semaphore_mem>>
      %dma_start3A_1101 = tpu.memref_squeeze %dma_start3A_1100 : memref<1x!tpu.dma_semaphore, #tpu.memory_space<semaphore_mem>> -> memref<!tpu.dma_semaphore, #tpu.memory_space<semaphore_mem>>
      tpu.enqueue_indirect_dma source(%dma_start3A_1099 : memref<32768x1024xf32, #tpu.memory_space<hbm>>) target(%dma_start3A_1093 : memref<8x1024xf32, #tpu.memory_space<vmem>>) offsets(%dma_start3A_1096 : memref<8xi32, #tpu.memory_space<vmem>>) semaphore(%dma_start3A_1101 : memref<!tpu.dma_semaphore, #tpu.memory_space<semaphore_mem>>)
      %mul3A_1102 = arith.constant 8 : i32
      %mul3A_1103 = arith.muli %scan3A_1030, %mul3A_1102 : i32
      %add3A_1104 = arith.constant 1 : i32
      %add3A_1105 = arith.addi %mul3A_1103, %add3A_1104 : i32
      %dma_wait3A_1106 = arith.constant 0 : i32
      %dma_wait3A_1107 = arith.constant 1 : i32
      %dma_wait3A_1108 = arith.constant 1 : i32
      %dma_wait3A_1109 = arith.constant 0 : i32
      %dma_wait3A_1110 = arith.constant 0 : i32
      %dma_wait3A_1111 = tpu.memref_slice %arg6[%dma_wait3A_1107, %dma_wait3A_1109, %dma_wait3A_1110] : memref<8x8x1024xf32, #tpu.memory_space<vmem>> -> memref<1x8x1024xf32, #tpu.memory_space<vmem>>
      %dma_wait3A_1112 = tpu.memref_squeeze %dma_wait3A_1111 : memref<1x8x1024xf32, #tpu.memory_space<vmem>> -> memref<8x1024xf32, #tpu.memory_space<vmem>>
      %dma_wait3A_1113 = arith.constant 0 : i32
      %dma_wait3A_1114 = tpu.memref_slice %arg5[%dma_wait3A_1106, %dma_wait3A_1113] : memref<128x8xi32, #tpu.memory_space<vmem>> -> memref<1x8xi32, #tpu.memory_space<vmem>>
      %dma_wait3A_1115 = tpu.memref_squeeze %dma_wait3A_1114 : memref<1x8xi32, #tpu.memory_space<vmem>> -> memref<8xi32, #tpu.memory_space<vmem>>
      %dma_wait3A_1116 = arith.constant 0 : i32
      %dma_wait3A_1117 = arith.constant 0 : i32
      %dma_wait3A_1118 = tpu.memref_slice %arg3[%dma_wait3A_1116, %dma_wait3A_1117] : memref<32768x1024xf32, #tpu.memory_space<hbm>> -> memref<32768x1024xf32, #tpu.memory_space<hbm>>
      %dma_wait3A_1119 = tpu.memref_slice %arg7[%dma_wait3A_1108] : memref<8x!tpu.dma_semaphore, #tpu.memory_space<semaphore_mem>> -> memref<1x!tpu.dma_semaphore, #tpu.memory_space<semaphore_mem>>
      %dma_wait3A_1120 = tpu.memref_squeeze %dma_wait3A_1119 : memref<1x!tpu.dma_semaphore, #tpu.memory_space<semaphore_mem>> -> memref<!tpu.dma_semaphore, #tpu.memory_space<semaphore_mem>>
      tpu.wait_indirect_dma semaphore(%dma_wait3A_1120 : memref<!tpu.dma_semaphore, #tpu.memory_space<semaphore_mem>>) src(%dma_wait3A_1118 : memref<32768x1024xf32, #tpu.memory_space<hbm>>) dst(%dma_wait3A_1112 : memref<8x1024xf32, #tpu.memory_space<vmem>>)
      %mul3A_1121 = arith.constant 8 : i32
      %mul3A_1122 = arith.muli %add3A_1105, %mul3A_1121 : i32
      %add3A_1123 = arith.addi %mul3A_2, %mul3A_1122 : i32
      %dma_start3A_1124 = arith.constant 1 : i32
      %dma_start3A_1125 = arith.constant 1 : i32
      %dma_start3A_1126 = arith.constant 0 : i32
      %dma_start3A_1127 = arith.constant 0 : i32
      %dma_start3A_1128 = tpu.memref_slice %arg6[%dma_start3A_1124, %dma_start3A_1126, %dma_start3A_1127] : memref<8x8x1024xf32, #tpu.memory_space<vmem>> -> memref<1x8x1024xf32, #tpu.memory_space<vmem>>
      %dma_start3A_1129 = tpu.memref_squeeze %dma_start3A_1128 : memref<1x8x1024xf32, #tpu.memory_space<vmem>> -> memref<8x1024xf32, #tpu.memory_space<vmem>>
      %dma_start3A_1130 = arith.constant 0 : i32
      %dma_start3A_1131 = tpu.memref_slice %arg4[%add3A_1123, %dma_start3A_1130] : memref<32768x1024xf32, #tpu.memory_space<hbm>> -> memref<8x1024xf32, #tpu.memory_space<hbm>>
      %dma_start3A_1132 = tpu.memref_slice %arg8[%dma_start3A_1125] : memref<8x!tpu.dma_semaphore, #tpu.memory_space<semaphore_mem>> -> memref<1x!tpu.dma_semaphore, #tpu.memory_space<semaphore_mem>>
      %dma_start3A_1133 = tpu.memref_squeeze %dma_start3A_1132 : memref<1x!tpu.dma_semaphore, #tpu.memory_space<semaphore_mem>> -> memref<!tpu.dma_semaphore, #tpu.memory_space<semaphore_mem>>
      %dma_start3A_1134 = arith.constant 0 : i32
      %dma_start3A_1135 = tpu.memref_slice %arg4[%add3A_1123, %dma_start3A_1134] : memref<32768x1024xf32, #tpu.memory_space<hbm>> -> memref<8x1024xf32, #tpu.memory_space<hbm>>
      %dma_start3A_1136 = arith.constant 0 : i32
      %dma_start3A_1137 = arith.constant 0 : i32
      %dma_start3A_1138 = tpu.memref_slice %arg6[%dma_start3A_1124, %dma_start3A_1136, %dma_start3A_1137] : memref<8x8x1024xf32, #tpu.memory_space<vmem>> -> memref<1x8x1024xf32, #tpu.memory_space<vmem>>
      %dma_start3A_1139 = tpu.memref_squeeze %dma_start3A_1138 : memref<1x8x1024xf32, #tpu.memory_space<vmem>> -> memref<8x1024xf32, #tpu.memory_space<vmem>>
      tpu.enqueue_dma source(%dma_start3A_1139 : memref<8x1024xf32, #tpu.memory_space<vmem>>) target(%dma_start3A_1135 : memref<8x1024xf32, #tpu.memory_space<hbm>>) target_semaphore(%dma_start3A_1133 : memref<!tpu.dma_semaphore, #tpu.memory_space<semaphore_mem>>)
      %dma_wait3A_1140 = arith.constant 0 : i32
      %dma_wait3A_1141 = arith.constant 0 : i32
      %dma_wait3A_1142 = arith.constant 0 : i32
      %dma_wait3A_1143 = arith.constant 0 : i32
      %dma_wait3A_1144 = tpu.memref_slice %arg6[%dma_wait3A_1140, %dma_wait3A_1142, %dma_wait3A_1143] : memref<8x8x1024xf32, #tpu.memory_space<vmem>> -> memref<1x8x1024xf32, #tpu.memory_space<vmem>>
      %dma_wait3A_1145 = tpu.memref_squeeze %dma_wait3A_1144 : memref<1x8x1024xf32, #tpu.memory_space<vmem>> -> memref<8x1024xf32, #tpu.memory_space<vmem>>
      %dma_wait3A_1146 = arith.constant 0 : i32
      %dma_wait3A_1147 = tpu.memref_slice %arg4[%mul3A_2, %dma_wait3A_1146] : memref<32768x1024xf32, #tpu.memory_space<hbm>> -> memref<8x1024xf32, #tpu.memory_space<hbm>>
      %dma_wait3A_1148 = tpu.memref_slice %arg8[%dma_wait3A_1141] : memref<8x!tpu.dma_semaphore, #tpu.memory_space<semaphore_mem>> -> memref<1x!tpu.dma_semaphore, #tpu.memory_space<semaphore_mem>>
      %dma_wait3A_1149 = tpu.memref_squeeze %dma_wait3A_1148 : memref<1x!tpu.dma_semaphore, #tpu.memory_space<semaphore_mem>> -> memref<!tpu.dma_semaphore, #tpu.memory_space<semaphore_mem>>
      %dma_wait3A_1150 = arith.constant 0 : i32
      %dma_wait3A_1151 = tpu.memref_slice %arg4[%mul3A_2, %dma_wait3A_1150] : memref<32768x1024xf32, #tpu.memory_space<hbm>> -> memref<8x1024xf32, #tpu.memory_space<hbm>>
      %dma_wait3A_1152 = arith.constant 0 : i32
      %dma_wait3A_1153 = arith.constant 0 : i32
      %dma_wait3A_1154 = tpu.memref_slice %arg6[%dma_wait3A_1140, %dma_wait3A_1152, %dma_wait3A_1153] : memref<8x8x1024xf32, #tpu.memory_space<vmem>> -> memref<1x8x1024xf32, #tpu.memory_space<vmem>>
      %dma_wait3A_1155 = tpu.memref_squeeze %dma_wait3A_1154 : memref<1x8x1024xf32, #tpu.memory_space<vmem>> -> memref<8x1024xf32, #tpu.memory_space<vmem>>
      tpu.wait_dma2 semaphore(%dma_wait3A_1149 : memref<!tpu.dma_semaphore, #tpu.memory_space<semaphore_mem>>) src(%dma_wait3A_1155 : memref<8x1024xf32, #tpu.memory_space<vmem>>) dst(%dma_wait3A_1151 : memref<8x1024xf32, #tpu.memory_space<hbm>>)
      %add3A_1156 = arith.constant 8 : i32
      %add3A_1157 = arith.addi %add3A_1105, %add3A_1156 : i32
      %sub3A_1158 = arith.constant 1 : i32
      %sub3A_1159 = arith.subi %add3A_1157, %sub3A_1158 : i32
      %dma_start3A_1160 = arith.constant 0 : i32
      %dma_start3A_1161 = arith.constant 0 : i32
      %dma_start3A_1162 = arith.constant 0 : i32
      %dma_start3A_1163 = arith.constant 0 : i32
      %dma_start3A_1164 = tpu.memref_slice %arg6[%dma_start3A_1160, %dma_start3A_1162, %dma_start3A_1163] : memref<8x8x1024xf32, #tpu.memory_space<vmem>> -> memref<1x8x1024xf32, #tpu.memory_space<vmem>>
      %dma_start3A_1165 = tpu.memref_squeeze %dma_start3A_1164 : memref<1x8x1024xf32, #tpu.memory_space<vmem>> -> memref<8x1024xf32, #tpu.memory_space<vmem>>
      %dma_start3A_1166 = arith.constant 0 : i32
      %dma_start3A_1167 = tpu.memref_slice %arg5[%sub3A_1159, %dma_start3A_1166] : memref<128x8xi32, #tpu.memory_space<vmem>> -> memref<1x8xi32, #tpu.memory_space<vmem>>
      %dma_start3A_1168 = tpu.memref_squeeze %dma_start3A_1167 : memref<1x8xi32, #tpu.memory_space<vmem>> -> memref<8xi32, #tpu.memory_space<vmem>>
      %dma_start3A_1169 = arith.constant 0 : i32
      %dma_start3A_1170 = arith.constant 0 : i32
      %dma_start3A_1171 = tpu.memref_slice %arg3[%dma_start3A_1169, %dma_start3A_1170] : memref<32768x1024xf32, #tpu.memory_space<hbm>> -> memref<32768x1024xf32, #tpu.memory_space<hbm>>
      %dma_start3A_1172 = tpu.memref_slice %arg7[%dma_start3A_1161] : memref<8x!tpu.dma_semaphore, #tpu.memory_space<semaphore_mem>> -> memref<1x!tpu.dma_semaphore, #tpu.memory_space<semaphore_mem>>
      %dma_start3A_1173 = tpu.memref_squeeze %dma_start3A_1172 : memref<1x!tpu.dma_semaphore, #tpu.memory_space<semaphore_mem>> -> memref<!tpu.dma_semaphore, #tpu.memory_space<semaphore_mem>>
      tpu.enqueue_indirect_dma source(%dma_start3A_1171 : memref<32768x1024xf32, #tpu.memory_space<hbm>>) target(%dma_start3A_1165 : memref<8x1024xf32, #tpu.memory_space<vmem>>) offsets(%dma_start3A_1168 : memref<8xi32, #tpu.memory_space<vmem>>) semaphore(%dma_start3A_1173 : memref<!tpu.dma_semaphore, #tpu.memory_space<semaphore_mem>>)
      %mul3A_1174 = arith.constant 8 : i32
      %mul3A_1175 = arith.muli %scan3A_1030, %mul3A_1174 : i32
      %add3A_1176 = arith.constant 2 : i32
      %add3A_1177 = arith.addi %mul3A_1175, %add3A_1176 : i32
      %dma_wait3A_1178 = arith.constant 0 : i32
      %dma_wait3A_1179 = arith.constant 2 : i32
      %dma_wait3A_1180 = arith.constant 2 : i32
      %dma_wait3A_1181 = arith.constant 0 : i32
      %dma_wait3A_1182 = arith.constant 0 : i32
      %dma_wait3A_1183 = tpu.memref_slice %arg6[%dma_wait3A_1179, %dma_wait3A_1181, %dma_wait3A_1182] : memref<8x8x1024xf32, #tpu.memory_space<vmem>> -> memref<1x8x1024xf32, #tpu.memory_space<vmem>>
      %dma_wait3A_1184 = tpu.memref_squeeze %dma_wait3A_1183 : memref<1x8x1024xf32, #tpu.memory_space<vmem>> -> memref<8x1024xf32, #tpu.memory_space<vmem>>
      %dma_wait3A_1185 = arith.constant 0 : i32
      %dma_wait3A_1186 = tpu.memref_slice %arg5[%dma_wait3A_1178, %dma_wait3A_1185] : memref<128x8xi32, #tpu.memory_space<vmem>> -> memref<1x8xi32, #tpu.memory_space<vmem>>
      %dma_wait3A_1187 = tpu.memref_squeeze %dma_wait3A_1186 : memref<1x8xi32, #tpu.memory_space<vmem>> -> memref<8xi32, #tpu.memory_space<vmem>>
      %dma_wait3A_1188 = arith.constant 0 : i32
      %dma_wait3A_1189 = arith.constant 0 : i32
      %dma_wait3A_1190 = tpu.memref_slice %arg3[%dma_wait3A_1188, %dma_wait3A_1189] : memref<32768x1024xf32, #tpu.memory_space<hbm>> -> memref<32768x1024xf32, #tpu.memory_space<hbm>>
      %dma_wait3A_1191 = tpu.memref_slice %arg7[%dma_wait3A_1180] : memref<8x!tpu.dma_semaphore, #tpu.memory_space<semaphore_mem>> -> memref<1x!tpu.dma_semaphore, #tpu.memory_space<semaphore_mem>>
      %dma_wait3A_1192 = tpu.memref_squeeze %dma_wait3A_1191 : memref<1x!tpu.dma_semaphore, #tpu.memory_space<semaphore_mem>> -> memref<!tpu.dma_semaphore, #tpu.memory_space<semaphore_mem>>
      tpu.wait_indirect_dma semaphore(%dma_wait3A_1192 : memref<!tpu.dma_semaphore, #tpu.memory_space<semaphore_mem>>) src(%dma_wait3A_1190 : memref<32768x1024xf32, #tpu.memory_space<hbm>>) dst(%dma_wait3A_1184 : memref<8x1024xf32, #tpu.memory_space<vmem>>)
      %mul3A_1193 = arith.constant 8 : i32
      %mul3A_1194 = arith.muli %add3A_1177, %mul3A_1193 : i32
      %add3A_1195 = arith.addi %mul3A_2, %mul3A_1194 : i32
      %dma_start3A_1196 = arith.constant 2 : i32
      %dma_start3A_1197 = arith.constant 2 : i32
      %dma_start3A_1198 = arith.constant 0 : i32
      %dma_start3A_1199 = arith.constant 0 : i32
      %dma_start3A_1200 = tpu.memref_slice %arg6[%dma_start3A_1196, %dma_start3A_1198, %dma_start3A_1199] : memref<8x8x1024xf32, #tpu.memory_space<vmem>> -> memref<1x8x1024xf32, #tpu.memory_space<vmem>>
      %dma_start3A_1201 = tpu.memref_squeeze %dma_start3A_1200 : memref<1x8x1024xf32, #tpu.memory_space<vmem>> -> memref<8x1024xf32, #tpu.memory_space<vmem>>
      %dma_start3A_1202 = arith.constant 0 : i32
      %dma_start3A_1203 = tpu.memref_slice %arg4[%add3A_1195, %dma_start3A_1202] : memref<32768x1024xf32, #tpu.memory_space<hbm>> -> memref<8x1024xf32, #tpu.memory_space<hbm>>
      %dma_start3A_1204 = tpu.memref_slice %arg8[%dma_start3A_1197] : memref<8x!tpu.dma_semaphore, #tpu.memory_space<semaphore_mem>> -> memref<1x!tpu.dma_semaphore, #tpu.memory_space<semaphore_mem>>
      %dma_start3A_1205 = tpu.memref_squeeze %dma_start3A_1204 : memref<1x!tpu.dma_semaphore, #tpu.memory_space<semaphore_mem>> -> memref<!tpu.dma_semaphore, #tpu.memory_space<semaphore_mem>>
      %dma_start3A_1206 = arith.constant 0 : i32
      %dma_start3A_1207 = tpu.memref_slice %arg4[%add3A_1195, %dma_start3A_1206] : memref<32768x1024xf32, #tpu.memory_space<hbm>> -> memref<8x1024xf32, #tpu.memory_space<hbm>>
      %dma_start3A_1208 = arith.constant 0 : i32
      %dma_start3A_1209 = arith.constant 0 : i32
      %dma_start3A_1210 = tpu.memref_slice %arg6[%dma_start3A_1196, %dma_start3A_1208, %dma_start3A_1209] : memref<8x8x1024xf32, #tpu.memory_space<vmem>> -> memref<1x8x1024xf32, #tpu.memory_space<vmem>>
      %dma_start3A_1211 = tpu.memref_squeeze %dma_start3A_1210 : memref<1x8x1024xf32, #tpu.memory_space<vmem>> -> memref<8x1024xf32, #tpu.memory_space<vmem>>
      tpu.enqueue_dma source(%dma_start3A_1211 : memref<8x1024xf32, #tpu.memory_space<vmem>>) target(%dma_start3A_1207 : memref<8x1024xf32, #tpu.memory_space<hbm>>) target_semaphore(%dma_start3A_1205 : memref<!tpu.dma_semaphore, #tpu.memory_space<semaphore_mem>>)
      %dma_wait3A_1212 = arith.constant 1 : i32
      %dma_wait3A_1213 = arith.constant 1 : i32
      %dma_wait3A_1214 = arith.constant 0 : i32
      %dma_wait3A_1215 = arith.constant 0 : i32
      %dma_wait3A_1216 = tpu.memref_slice %arg6[%dma_wait3A_1212, %dma_wait3A_1214, %dma_wait3A_1215] : memref<8x8x1024xf32, #tpu.memory_space<vmem>> -> memref<1x8x1024xf32, #tpu.memory_space<vmem>>
      %dma_wait3A_1217 = tpu.memref_squeeze %dma_wait3A_1216 : memref<1x8x1024xf32, #tpu.memory_space<vmem>> -> memref<8x1024xf32, #tpu.memory_space<vmem>>
      %dma_wait3A_1218 = arith.constant 0 : i32
      %dma_wait3A_1219 = tpu.memref_slice %arg4[%mul3A_2, %dma_wait3A_1218] : memref<32768x1024xf32, #tpu.memory_space<hbm>> -> memref<8x1024xf32, #tpu.memory_space<hbm>>
      %dma_wait3A_1220 = tpu.memref_slice %arg8[%dma_wait3A_1213] : memref<8x!tpu.dma_semaphore, #tpu.memory_space<semaphore_mem>> -> memref<1x!tpu.dma_semaphore, #tpu.memory_space<semaphore_mem>>
      %dma_wait3A_1221 = tpu.memref_squeeze %dma_wait3A_1220 : memref<1x!tpu.dma_semaphore, #tpu.memory_space<semaphore_mem>> -> memref<!tpu.dma_semaphore, #tpu.memory_space<semaphore_mem>>
      %dma_wait3A_1222 = arith.constant 0 : i32
      %dma_wait3A_1223 = tpu.memref_slice %arg4[%mul3A_2, %dma_wait3A_1222] : memref<32768x1024xf32, #tpu.memory_space<hbm>> -> memref<8x1024xf32, #tpu.memory_space<hbm>>
      %dma_wait3A_1224 = arith.constant 0 : i32
      %dma_wait3A_1225 = arith.constant 0 : i32
      %dma_wait3A_1226 = tpu.memref_slice %arg6[%dma_wait3A_1212, %dma_wait3A_1224, %dma_wait3A_1225] : memref<8x8x1024xf32, #tpu.memory_space<vmem>> -> memref<1x8x1024xf32, #tpu.memory_space<vmem>>
      %dma_wait3A_1227 = tpu.memref_squeeze %dma_wait3A_1226 : memref<1x8x1024xf32, #tpu.memory_space<vmem>> -> memref<8x1024xf32, #tpu.memory_space<vmem>>
      tpu.wait_dma2 semaphore(%dma_wait3A_1221 : memref<!tpu.dma_semaphore, #tpu.memory_space<semaphore_mem>>) src(%dma_wait3A_1227 : memref<8x1024xf32, #tpu.memory_space<vmem>>) dst(%dma_wait3A_1223 : memref<8x1024xf32, #tpu.memory_space<hbm>>)
      %add3A_1228 = arith.constant 8 : i32
      %add3A_1229 = arith.addi %add3A_1177, %add3A_1228 : i32
      %sub3A_1230 = arith.constant 1 : i32
      %sub3A_1231 = arith.subi %add3A_1229, %sub3A_1230 : i32
      %dma_start3A_1232 = arith.constant 1 : i32
      %dma_start3A_1233 = arith.constant 1 : i32
      %dma_start3A_1234 = arith.constant 0 : i32
      %dma_start3A_1235 = arith.constant 0 : i32
      %dma_start3A_1236 = tpu.memref_slice %arg6[%dma_start3A_1232, %dma_start3A_1234, %dma_start3A_1235] : memref<8x8x1024xf32, #tpu.memory_space<vmem>> -> memref<1x8x1024xf32, #tpu.memory_space<vmem>>
      %dma_start3A_1237 = tpu.memref_squeeze %dma_start3A_1236 : memref<1x8x1024xf32, #tpu.memory_space<vmem>> -> memref<8x1024xf32, #tpu.memory_space<vmem>>
      %dma_start3A_1238 = arith.constant 0 : i32
      %dma_start3A_1239 = tpu.memref_slice %arg5[%sub3A_1231, %dma_start3A_1238] : memref<128x8xi32, #tpu.memory_space<vmem>> -> memref<1x8xi32, #tpu.memory_space<vmem>>
      %dma_start3A_1240 = tpu.memref_squeeze %dma_start3A_1239 : memref<1x8xi32, #tpu.memory_space<vmem>> -> memref<8xi32, #tpu.memory_space<vmem>>
      %dma_start3A_1241 = arith.constant 0 : i32
      %dma_start3A_1242 = arith.constant 0 : i32
      %dma_start3A_1243 = tpu.memref_slice %arg3[%dma_start3A_1241, %dma_start3A_1242] : memref<32768x1024xf32, #tpu.memory_space<hbm>> -> memref<32768x1024xf32, #tpu.memory_space<hbm>>
      %dma_start3A_1244 = tpu.memref_slice %arg7[%dma_start3A_1233] : memref<8x!tpu.dma_semaphore, #tpu.memory_space<semaphore_mem>> -> memref<1x!tpu.dma_semaphore, #tpu.memory_space<semaphore_mem>>
      %dma_start3A_1245 = tpu.memref_squeeze %dma_start3A_1244 : memref<1x!tpu.dma_semaphore, #tpu.memory_space<semaphore_mem>> -> memref<!tpu.dma_semaphore, #tpu.memory_space<semaphore_mem>>
      tpu.enqueue_indirect_dma source(%dma_start3A_1243 : memref<32768x1024xf32, #tpu.memory_space<hbm>>) target(%dma_start3A_1237 : memref<8x1024xf32, #tpu.memory_space<vmem>>) offsets(%dma_start3A_1240 : memref<8xi32, #tpu.memory_space<vmem>>) semaphore(%dma_start3A_1245 : memref<!tpu.dma_semaphore, #tpu.memory_space<semaphore_mem>>)
      %mul3A_1246 = arith.constant 8 : i32
      %mul3A_1247 = arith.muli %scan3A_1030, %mul3A_1246 : i32
      %add3A_1248 = arith.constant 3 : i32
      %add3A_1249 = arith.addi %mul3A_1247, %add3A_1248 : i32
      %dma_wait3A_1250 = arith.constant 0 : i32
      %dma_wait3A_1251 = arith.constant 3 : i32
      %dma_wait3A_1252 = arith.constant 3 : i32
      %dma_wait3A_1253 = arith.constant 0 : i32
      %dma_wait3A_1254 = arith.constant 0 : i32
      %dma_wait3A_1255 = tpu.memref_slice %arg6[%dma_wait3A_1251, %dma_wait3A_1253, %dma_wait3A_1254] : memref<8x8x1024xf32, #tpu.memory_space<vmem>> -> memref<1x8x1024xf32, #tpu.memory_space<vmem>>
      %dma_wait3A_1256 = tpu.memref_squeeze %dma_wait3A_1255 : memref<1x8x1024xf32, #tpu.memory_space<vmem>> -> memref<8x1024xf32, #tpu.memory_space<vmem>>
      %dma_wait3A_1257 = arith.constant 0 : i32
      %dma_wait3A_1258 = tpu.memref_slice %arg5[%dma_wait3A_1250, %dma_wait3A_1257] : memref<128x8xi32, #tpu.memory_space<vmem>> -> memref<1x8xi32, #tpu.memory_space<vmem>>
      %dma_wait3A_1259 = tpu.memref_squeeze %dma_wait3A_1258 : memref<1x8xi32, #tpu.memory_space<vmem>> -> memref<8xi32, #tpu.memory_space<vmem>>
      %dma_wait3A_1260 = arith.constant 0 : i32
      %dma_wait3A_1261 = arith.constant 0 : i32
      %dma_wait3A_1262 = tpu.memref_slice %arg3[%dma_wait3A_1260, %dma_wait3A_1261] : memref<32768x1024xf32, #tpu.memory_space<hbm>> -> memref<32768x1024xf32, #tpu.memory_space<hbm>>
      %dma_wait3A_1263 = tpu.memref_slice %arg7[%dma_wait3A_1252] : memref<8x!tpu.dma_semaphore, #tpu.memory_space<semaphore_mem>> -> memref<1x!tpu.dma_semaphore, #tpu.memory_space<semaphore_mem>>
      %dma_wait3A_1264 = tpu.memref_squeeze %dma_wait3A_1263 : memref<1x!tpu.dma_semaphore, #tpu.memory_space<semaphore_mem>> -> memref<!tpu.dma_semaphore, #tpu.memory_space<semaphore_mem>>
      tpu.wait_indirect_dma semaphore(%dma_wait3A_1264 : memref<!tpu.dma_semaphore, #tpu.memory_space<semaphore_mem>>) src(%dma_wait3A_1262 : memref<32768x1024xf32, #tpu.memory_space<hbm>>) dst(%dma_wait3A_1256 : memref<8x1024xf32, #tpu.memory_space<vmem>>)
      %mul3A_1265 = arith.constant 8 : i32
      %mul3A_1266 = arith.muli %add3A_1249, %mul3A_1265 : i32
      %add3A_1267 = arith.addi %mul3A_2, %mul3A_1266 : i32
      %dma_start3A_1268 = arith.constant 3 : i32
      %dma_start3A_1269 = arith.constant 3 : i32
      %dma_start3A_1270 = arith.constant 0 : i32
      %dma_start3A_1271 = arith.constant 0 : i32
      %dma_start3A_1272 = tpu.memref_slice %arg6[%dma_start3A_1268, %dma_start3A_1270, %dma_start3A_1271] : memref<8x8x1024xf32, #tpu.memory_space<vmem>> -> memref<1x8x1024xf32, #tpu.memory_space<vmem>>
      %dma_start3A_1273 = tpu.memref_squeeze %dma_start3A_1272 : memref<1x8x1024xf32, #tpu.memory_space<vmem>> -> memref<8x1024xf32, #tpu.memory_space<vmem>>
      %dma_start3A_1274 = arith.constant 0 : i32
      %dma_start3A_1275 = tpu.memref_slice %arg4[%add3A_1267, %dma_start3A_1274] : memref<32768x1024xf32, #tpu.memory_space<hbm>> -> memref<8x1024xf32, #tpu.memory_space<hbm>>
      %dma_start3A_1276 = tpu.memref_slice %arg8[%dma_start3A_1269] : memref<8x!tpu.dma_semaphore, #tpu.memory_space<semaphore_mem>> -> memref<1x!tpu.dma_semaphore, #tpu.memory_space<semaphore_mem>>
      %dma_start3A_1277 = tpu.memref_squeeze %dma_start3A_1276 : memref<1x!tpu.dma_semaphore, #tpu.memory_space<semaphore_mem>> -> memref<!tpu.dma_semaphore, #tpu.memory_space<semaphore_mem>>
      %dma_start3A_1278 = arith.constant 0 : i32
      %dma_start3A_1279 = tpu.memref_slice %arg4[%add3A_1267, %dma_start3A_1278] : memref<32768x1024xf32, #tpu.memory_space<hbm>> -> memref<8x1024xf32, #tpu.memory_space<hbm>>
      %dma_start3A_1280 = arith.constant 0 : i32
      %dma_start3A_1281 = arith.constant 0 : i32
      %dma_start3A_1282 = tpu.memref_slice %arg6[%dma_start3A_1268, %dma_start3A_1280, %dma_start3A_1281] : memref<8x8x1024xf32, #tpu.memory_space<vmem>> -> memref<1x8x1024xf32, #tpu.memory_space<vmem>>
      %dma_start3A_1283 = tpu.memref_squeeze %dma_start3A_1282 : memref<1x8x1024xf32, #tpu.memory_space<vmem>> -> memref<8x1024xf32, #tpu.memory_space<vmem>>
      tpu.enqueue_dma source(%dma_start3A_1283 : memref<8x1024xf32, #tpu.memory_space<vmem>>) target(%dma_start3A_1279 : memref<8x1024xf32, #tpu.memory_space<hbm>>) target_semaphore(%dma_start3A_1277 : memref<!tpu.dma_semaphore, #tpu.memory_space<semaphore_mem>>)
      %dma_wait3A_1284 = arith.constant 2 : i32
      %dma_wait3A_1285 = arith.constant 2 : i32
      %dma_wait3A_1286 = arith.constant 0 : i32
      %dma_wait3A_1287 = arith.constant 0 : i32
      %dma_wait3A_1288 = tpu.memref_slice %arg6[%dma_wait3A_1284, %dma_wait3A_1286, %dma_wait3A_1287] : memref<8x8x1024xf32, #tpu.memory_space<vmem>> -> memref<1x8x1024xf32, #tpu.memory_space<vmem>>
      %dma_wait3A_1289 = tpu.memref_squeeze %dma_wait3A_1288 : memref<1x8x1024xf32, #tpu.memory_space<vmem>> -> memref<8x1024xf32, #tpu.memory_space<vmem>>
      %dma_wait3A_1290 = arith.constant 0 : i32
      %dma_wait3A_1291 = tpu.memref_slice %arg4[%mul3A_2, %dma_wait3A_1290] : memref<32768x1024xf32, #tpu.memory_space<hbm>> -> memref<8x1024xf32, #tpu.memory_space<hbm>>
      %dma_wait3A_1292 = tpu.memref_slice %arg8[%dma_wait3A_1285] : memref<8x!tpu.dma_semaphore, #tpu.memory_space<semaphore_mem>> -> memref<1x!tpu.dma_semaphore, #tpu.memory_space<semaphore_mem>>
      %dma_wait3A_1293 = tpu.memref_squeeze %dma_wait3A_1292 : memref<1x!tpu.dma_semaphore, #tpu.memory_space<semaphore_mem>> -> memref<!tpu.dma_semaphore, #tpu.memory_space<semaphore_mem>>
      %dma_wait3A_1294 = arith.constant 0 : i32
      %dma_wait3A_1295 = tpu.memref_slice %arg4[%mul3A_2, %dma_wait3A_1294] : memref<32768x1024xf32, #tpu.memory_space<hbm>> -> memref<8x1024xf32, #tpu.memory_space<hbm>>
      %dma_wait3A_1296 = arith.constant 0 : i32
      %dma_wait3A_1297 = arith.constant 0 : i32
      %dma_wait3A_1298 = tpu.memref_slice %arg6[%dma_wait3A_1284, %dma_wait3A_1296, %dma_wait3A_1297] : memref<8x8x1024xf32, #tpu.memory_space<vmem>> -> memref<1x8x1024xf32, #tpu.memory_space<vmem>>
      %dma_wait3A_1299 = tpu.memref_squeeze %dma_wait3A_1298 : memref<1x8x1024xf32, #tpu.memory_space<vmem>> -> memref<8x1024xf32, #tpu.memory_space<vmem>>
      tpu.wait_dma2 semaphore(%dma_wait3A_1293 : memref<!tpu.dma_semaphore, #tpu.memory_space<semaphore_mem>>) src(%dma_wait3A_1299 : memref<8x1024xf32, #tpu.memory_space<vmem>>) dst(%dma_wait3A_1295 : memref<8x1024xf32, #tpu.memory_space<hbm>>)
      %add3A_1300 = arith.constant 8 : i32
      %add3A_1301 = arith.addi %add3A_1249, %add3A_1300 : i32
      %sub3A_1302 = arith.constant 1 : i32
      %sub3A_1303 = arith.subi %add3A_1301, %sub3A_1302 : i32
      %dma_start3A_1304 = arith.constant 2 : i32
      %dma_start3A_1305 = arith.constant 2 : i32
      %dma_start3A_1306 = arith.constant 0 : i32
      %dma_start3A_1307 = arith.constant 0 : i32
      %dma_start3A_1308 = tpu.memref_slice %arg6[%dma_start3A_1304, %dma_start3A_1306, %dma_start3A_1307] : memref<8x8x1024xf32, #tpu.memory_space<vmem>> -> memref<1x8x1024xf32, #tpu.memory_space<vmem>>
      %dma_start3A_1309 = tpu.memref_squeeze %dma_start3A_1308 : memref<1x8x1024xf32, #tpu.memory_space<vmem>> -> memref<8x1024xf32, #tpu.memory_space<vmem>>
      %dma_start3A_1310 = arith.constant 0 : i32
      %dma_start3A_1311 = tpu.memref_slice %arg5[%sub3A_1303, %dma_start3A_1310] : memref<128x8xi32, #tpu.memory_space<vmem>> -> memref<1x8xi32, #tpu.memory_space<vmem>>
      %dma_start3A_1312 = tpu.memref_squeeze %dma_start3A_1311 : memref<1x8xi32, #tpu.memory_space<vmem>> -> memref<8xi32, #tpu.memory_space<vmem>>
      %dma_start3A_1313 = arith.constant 0 : i32
      %dma_start3A_1314 = arith.constant 0 : i32
      %dma_start3A_1315 = tpu.memref_slice %arg3[%dma_start3A_1313, %dma_start3A_1314] : memref<32768x1024xf32, #tpu.memory_space<hbm>> -> memref<32768x1024xf32, #tpu.memory_space<hbm>>
      %dma_start3A_1316 = tpu.memref_slice %arg7[%dma_start3A_1305] : memref<8x!tpu.dma_semaphore, #tpu.memory_space<semaphore_mem>> -> memref<1x!tpu.dma_semaphore, #tpu.memory_space<semaphore_mem>>
      %dma_start3A_1317 = tpu.memref_squeeze %dma_start3A_1316 : memref<1x!tpu.dma_semaphore, #tpu.memory_space<semaphore_mem>> -> memref<!tpu.dma_semaphore, #tpu.memory_space<semaphore_mem>>
      tpu.enqueue_indirect_dma source(%dma_start3A_1315 : memref<32768x1024xf32, #tpu.memory_space<hbm>>) target(%dma_start3A_1309 : memref<8x1024xf32, #tpu.memory_space<vmem>>) offsets(%dma_start3A_1312 : memref<8xi32, #tpu.memory_space<vmem>>) semaphore(%dma_start3A_1317 : memref<!tpu.dma_semaphore, #tpu.memory_space<semaphore_mem>>)
      %mul3A_1318 = arith.constant 8 : i32
      %mul3A_1319 = arith.muli %scan3A_1030, %mul3A_1318 : i32
      %add3A_1320 = arith.constant 4 : i32
      %add3A_1321 = arith.addi %mul3A_1319, %add3A_1320 : i32
      %dma_wait3A_1322 = arith.constant 0 : i32
      %dma_wait3A_1323 = arith.constant 4 : i32
      %dma_wait3A_1324 = arith.constant 4 : i32
      %dma_wait3A_1325 = arith.constant 0 : i32
      %dma_wait3A_1326 = arith.constant 0 : i32
      %dma_wait3A_1327 = tpu.memref_slice %arg6[%dma_wait3A_1323, %dma_wait3A_1325, %dma_wait3A_1326] : memref<8x8x1024xf32, #tpu.memory_space<vmem>> -> memref<1x8x1024xf32, #tpu.memory_space<vmem>>
      %dma_wait3A_1328 = tpu.memref_squeeze %dma_wait3A_1327 : memref<1x8x1024xf32, #tpu.memory_space<vmem>> -> memref<8x1024xf32, #tpu.memory_space<vmem>>
      %dma_wait3A_1329 = arith.constant 0 : i32
      %dma_wait3A_1330 = tpu.memref_slice %arg5[%dma_wait3A_1322, %dma_wait3A_1329] : memref<128x8xi32, #tpu.memory_space<vmem>> -> memref<1x8xi32, #tpu.memory_space<vmem>>
      %dma_wait3A_1331 = tpu.memref_squeeze %dma_wait3A_1330 : memref<1x8xi32, #tpu.memory_space<vmem>> -> memref<8xi32, #tpu.memory_space<vmem>>
      %dma_wait3A_1332 = arith.constant 0 : i32
      %dma_wait3A_1333 = arith.constant 0 : i32
      %dma_wait3A_1334 = tpu.memref_slice %arg3[%dma_wait3A_1332, %dma_wait3A_1333] : memref<32768x1024xf32, #tpu.memory_space<hbm>> -> memref<32768x1024xf32, #tpu.memory_space<hbm>>
      %dma_wait3A_1335 = tpu.memref_slice %arg7[%dma_wait3A_1324] : memref<8x!tpu.dma_semaphore, #tpu.memory_space<semaphore_mem>> -> memref<1x!tpu.dma_semaphore, #tpu.memory_space<semaphore_mem>>
      %dma_wait3A_1336 = tpu.memref_squeeze %dma_wait3A_1335 : memref<1x!tpu.dma_semaphore, #tpu.memory_space<semaphore_mem>> -> memref<!tpu.dma_semaphore, #tpu.memory_space<semaphore_mem>>
      tpu.wait_indirect_dma semaphore(%dma_wait3A_1336 : memref<!tpu.dma_semaphore, #tpu.memory_space<semaphore_mem>>) src(%dma_wait3A_1334 : memref<32768x1024xf32, #tpu.memory_space<hbm>>) dst(%dma_wait3A_1328 : memref<8x1024xf32, #tpu.memory_space<vmem>>)
      %mul3A_1337 = arith.constant 8 : i32
      %mul3A_1338 = arith.muli %add3A_1321, %mul3A_1337 : i32
      %add3A_1339 = arith.addi %mul3A_2, %mul3A_1338 : i32
      %dma_start3A_1340 = arith.constant 4 : i32
      %dma_start3A_1341 = arith.constant 4 : i32
      %dma_start3A_1342 = arith.constant 0 : i32
      %dma_start3A_1343 = arith.constant 0 : i32
      %dma_start3A_1344 = tpu.memref_slice %arg6[%dma_start3A_1340, %dma_start3A_1342, %dma_start3A_1343] : memref<8x8x1024xf32, #tpu.memory_space<vmem>> -> memref<1x8x1024xf32, #tpu.memory_space<vmem>>
      %dma_start3A_1345 = tpu.memref_squeeze %dma_start3A_1344 : memref<1x8x1024xf32, #tpu.memory_space<vmem>> -> memref<8x1024xf32, #tpu.memory_space<vmem>>
      %dma_start3A_1346 = arith.constant 0 : i32
      %dma_start3A_1347 = tpu.memref_slice %arg4[%add3A_1339, %dma_start3A_1346] : memref<32768x1024xf32, #tpu.memory_space<hbm>> -> memref<8x1024xf32, #tpu.memory_space<hbm>>
      %dma_start3A_1348 = tpu.memref_slice %arg8[%dma_start3A_1341] : memref<8x!tpu.dma_semaphore, #tpu.memory_space<semaphore_mem>> -> memref<1x!tpu.dma_semaphore, #tpu.memory_space<semaphore_mem>>
      %dma_start3A_1349 = tpu.memref_squeeze %dma_start3A_1348 : memref<1x!tpu.dma_semaphore, #tpu.memory_space<semaphore_mem>> -> memref<!tpu.dma_semaphore, #tpu.memory_space<semaphore_mem>>
      %dma_start3A_1350 = arith.constant 0 : i32
      %dma_start3A_1351 = tpu.memref_slice %arg4[%add3A_1339, %dma_start3A_1350] : memref<32768x1024xf32, #tpu.memory_space<hbm>> -> memref<8x1024xf32, #tpu.memory_space<hbm>>
      %dma_start3A_1352 = arith.constant 0 : i32
      %dma_start3A_1353 = arith.constant 0 : i32
      %dma_start3A_1354 = tpu.memref_slice %arg6[%dma_start3A_1340, %dma_start3A_1352, %dma_start3A_1353] : memref<8x8x1024xf32, #tpu.memory_space<vmem>> -> memref<1x8x1024xf32, #tpu.memory_space<vmem>>
      %dma_start3A_1355 = tpu.memref_squeeze %dma_start3A_1354 : memref<1x8x1024xf32, #tpu.memory_space<vmem>> -> memref<8x1024xf32, #tpu.memory_space<vmem>>
      tpu.enqueue_dma source(%dma_start3A_1355 : memref<8x1024xf32, #tpu.memory_space<vmem>>) target(%dma_start3A_1351 : memref<8x1024xf32, #tpu.memory_space<hbm>>) target_semaphore(%dma_start3A_1349 : memref<!tpu.dma_semaphore, #tpu.memory_space<semaphore_mem>>)
      %dma_wait3A_1356 = arith.constant 3 : i32
      %dma_wait3A_1357 = arith.constant 3 : i32
      %dma_wait3A_1358 = arith.constant 0 : i32
      %dma_wait3A_1359 = arith.constant 0 : i32
      %dma_wait3A_1360 = tpu.memref_slice %arg6[%dma_wait3A_1356, %dma_wait3A_1358, %dma_wait3A_1359] : memref<8x8x1024xf32, #tpu.memory_space<vmem>> -> memref<1x8x1024xf32, #tpu.memory_space<vmem>>
      %dma_wait3A_1361 = tpu.memref_squeeze %dma_wait3A_1360 : memref<1x8x1024xf32, #tpu.memory_space<vmem>> -> memref<8x1024xf32, #tpu.memory_space<vmem>>
      %dma_wait3A_1362 = arith.constant 0 : i32
      %dma_wait3A_1363 = tpu.memref_slice %arg4[%mul3A_2, %dma_wait3A_1362] : memref<32768x1024xf32, #tpu.memory_space<hbm>> -> memref<8x1024xf32, #tpu.memory_space<hbm>>
      %dma_wait3A_1364 = tpu.memref_slice %arg8[%dma_wait3A_1357] : memref<8x!tpu.dma_semaphore, #tpu.memory_space<semaphore_mem>> -> memref<1x!tpu.dma_semaphore, #tpu.memory_space<semaphore_mem>>
      %dma_wait3A_1365 = tpu.memref_squeeze %dma_wait3A_1364 : memref<1x!tpu.dma_semaphore, #tpu.memory_space<semaphore_mem>> -> memref<!tpu.dma_semaphore, #tpu.memory_space<semaphore_mem>>
      %dma_wait3A_1366 = arith.constant 0 : i32
      %dma_wait3A_1367 = tpu.memref_slice %arg4[%mul3A_2, %dma_wait3A_1366] : memref<32768x1024xf32, #tpu.memory_space<hbm>> -> memref<8x1024xf32, #tpu.memory_space<hbm>>
      %dma_wait3A_1368 = arith.constant 0 : i32
      %dma_wait3A_1369 = arith.constant 0 : i32
      %dma_wait3A_1370 = tpu.memref_slice %arg6[%dma_wait3A_1356, %dma_wait3A_1368, %dma_wait3A_1369] : memref<8x8x1024xf32, #tpu.memory_space<vmem>> -> memref<1x8x1024xf32, #tpu.memory_space<vmem>>
      %dma_wait3A_1371 = tpu.memref_squeeze %dma_wait3A_1370 : memref<1x8x1024xf32, #tpu.memory_space<vmem>> -> memref<8x1024xf32, #tpu.memory_space<vmem>>
      tpu.wait_dma2 semaphore(%dma_wait3A_1365 : memref<!tpu.dma_semaphore, #tpu.memory_space<semaphore_mem>>) src(%dma_wait3A_1371 : memref<8x1024xf32, #tpu.memory_space<vmem>>) dst(%dma_wait3A_1367 : memref<8x1024xf32, #tpu.memory_space<hbm>>)
      %add3A_1372 = arith.constant 8 : i32
      %add3A_1373 = arith.addi %add3A_1321, %add3A_1372 : i32
      %sub3A_1374 = arith.constant 1 : i32
      %sub3A_1375 = arith.subi %add3A_1373, %sub3A_1374 : i32
      %dma_start3A_1376 = arith.constant 3 : i32
      %dma_start3A_1377 = arith.constant 3 : i32
      %dma_start3A_1378 = arith.constant 0 : i32
      %dma_start3A_1379 = arith.constant 0 : i32
      %dma_start3A_1380 = tpu.memref_slice %arg6[%dma_start3A_1376, %dma_start3A_1378, %dma_start3A_1379] : memref<8x8x1024xf32, #tpu.memory_space<vmem>> -> memref<1x8x1024xf32, #tpu.memory_space<vmem>>
      %dma_start3A_1381 = tpu.memref_squeeze %dma_start3A_1380 : memref<1x8x1024xf32, #tpu.memory_space<vmem>> -> memref<8x1024xf32, #tpu.memory_space<vmem>>
      %dma_start3A_1382 = arith.constant 0 : i32
      %dma_start3A_1383 = tpu.memref_slice %arg5[%sub3A_1375, %dma_start3A_1382] : memref<128x8xi32, #tpu.memory_space<vmem>> -> memref<1x8xi32, #tpu.memory_space<vmem>>
      %dma_start3A_1384 = tpu.memref_squeeze %dma_start3A_1383 : memref<1x8xi32, #tpu.memory_space<vmem>> -> memref<8xi32, #tpu.memory_space<vmem>>
      %dma_start3A_1385 = arith.constant 0 : i32
      %dma_start3A_1386 = arith.constant 0 : i32
      %dma_start3A_1387 = tpu.memref_slice %arg3[%dma_start3A_1385, %dma_start3A_1386] : memref<32768x1024xf32, #tpu.memory_space<hbm>> -> memref<32768x1024xf32, #tpu.memory_space<hbm>>
      %dma_start3A_1388 = tpu.memref_slice %arg7[%dma_start3A_1377] : memref<8x!tpu.dma_semaphore, #tpu.memory_space<semaphore_mem>> -> memref<1x!tpu.dma_semaphore, #tpu.memory_space<semaphore_mem>>
      %dma_start3A_1389 = tpu.memref_squeeze %dma_start3A_1388 : memref<1x!tpu.dma_semaphore, #tpu.memory_space<semaphore_mem>> -> memref<!tpu.dma_semaphore, #tpu.memory_space<semaphore_mem>>
      tpu.enqueue_indirect_dma source(%dma_start3A_1387 : memref<32768x1024xf32, #tpu.memory_space<hbm>>) target(%dma_start3A_1381 : memref<8x1024xf32, #tpu.memory_space<vmem>>) offsets(%dma_start3A_1384 : memref<8xi32, #tpu.memory_space<vmem>>) semaphore(%dma_start3A_1389 : memref<!tpu.dma_semaphore, #tpu.memory_space<semaphore_mem>>)
      %mul3A_1390 = arith.constant 8 : i32
      %mul3A_1391 = arith.muli %scan3A_1030, %mul3A_1390 : i32
      %add3A_1392 = arith.constant 5 : i32
      %add3A_1393 = arith.addi %mul3A_1391, %add3A_1392 : i32
      %dma_wait3A_1394 = arith.constant 0 : i32
      %dma_wait3A_1395 = arith.constant 5 : i32
      %dma_wait3A_1396 = arith.constant 5 : i32
      %dma_wait3A_1397 = arith.constant 0 : i32
      %dma_wait3A_1398 = arith.constant 0 : i32
      %dma_wait3A_1399 = tpu.memref_slice %arg6[%dma_wait3A_1395, %dma_wait3A_1397, %dma_wait3A_1398] : memref<8x8x1024xf32, #tpu.memory_space<vmem>> -> memref<1x8x1024xf32, #tpu.memory_space<vmem>>
      %dma_wait3A_1400 = tpu.memref_squeeze %dma_wait3A_1399 : memref<1x8x1024xf32, #tpu.memory_space<vmem>> -> memref<8x1024xf32, #tpu.memory_space<vmem>>
      %dma_wait3A_1401 = arith.constant 0 : i32
      %dma_wait3A_1402 = tpu.memref_slice %arg5[%dma_wait3A_1394, %dma_wait3A_1401] : memref<128x8xi32, #tpu.memory_space<vmem>> -> memref<1x8xi32, #tpu.memory_space<vmem>>
      %dma_wait3A_1403 = tpu.memref_squeeze %dma_wait3A_1402 : memref<1x8xi32, #tpu.memory_space<vmem>> -> memref<8xi32, #tpu.memory_space<vmem>>
      %dma_wait3A_1404 = arith.constant 0 : i32
      %dma_wait3A_1405 = arith.constant 0 : i32
      %dma_wait3A_1406 = tpu.memref_slice %arg3[%dma_wait3A_1404, %dma_wait3A_1405] : memref<32768x1024xf32, #tpu.memory_space<hbm>> -> memref<32768x1024xf32, #tpu.memory_space<hbm>>
      %dma_wait3A_1407 = tpu.memref_slice %arg7[%dma_wait3A_1396] : memref<8x!tpu.dma_semaphore, #tpu.memory_space<semaphore_mem>> -> memref<1x!tpu.dma_semaphore, #tpu.memory_space<semaphore_mem>>
      %dma_wait3A_1408 = tpu.memref_squeeze %dma_wait3A_1407 : memref<1x!tpu.dma_semaphore, #tpu.memory_space<semaphore_mem>> -> memref<!tpu.dma_semaphore, #tpu.memory_space<semaphore_mem>>
      tpu.wait_indirect_dma semaphore(%dma_wait3A_1408 : memref<!tpu.dma_semaphore, #tpu.memory_space<semaphore_mem>>) src(%dma_wait3A_1406 : memref<32768x1024xf32, #tpu.memory_space<hbm>>) dst(%dma_wait3A_1400 : memref<8x1024xf32, #tpu.memory_space<vmem>>)
      %mul3A_1409 = arith.constant 8 : i32
      %mul3A_1410 = arith.muli %add3A_1393, %mul3A_1409 : i32
      %add3A_1411 = arith.addi %mul3A_2, %mul3A_1410 : i32
      %dma_start3A_1412 = arith.constant 5 : i32
      %dma_start3A_1413 = arith.constant 5 : i32
      %dma_start3A_1414 = arith.constant 0 : i32
      %dma_start3A_1415 = arith.constant 0 : i32
      %dma_start3A_1416 = tpu.memref_slice %arg6[%dma_start3A_1412, %dma_start3A_1414, %dma_start3A_1415] : memref<8x8x1024xf32, #tpu.memory_space<vmem>> -> memref<1x8x1024xf32, #tpu.memory_space<vmem>>
      %dma_start3A_1417 = tpu.memref_squeeze %dma_start3A_1416 : memref<1x8x1024xf32, #tpu.memory_space<vmem>> -> memref<8x1024xf32, #tpu.memory_space<vmem>>
      %dma_start3A_1418 = arith.constant 0 : i32
      %dma_start3A_1419 = tpu.memref_slice %arg4[%add3A_1411, %dma_start3A_1418] : memref<32768x1024xf32, #tpu.memory_space<hbm>> -> memref<8x1024xf32, #tpu.memory_space<hbm>>
      %dma_start3A_1420 = tpu.memref_slice %arg8[%dma_start3A_1413] : memref<8x!tpu.dma_semaphore, #tpu.memory_space<semaphore_mem>> -> memref<1x!tpu.dma_semaphore, #tpu.memory_space<semaphore_mem>>
      %dma_start3A_1421 = tpu.memref_squeeze %dma_start3A_1420 : memref<1x!tpu.dma_semaphore, #tpu.memory_space<semaphore_mem>> -> memref<!tpu.dma_semaphore, #tpu.memory_space<semaphore_mem>>
      %dma_start3A_1422 = arith.constant 0 : i32
      %dma_start3A_1423 = tpu.memref_slice %arg4[%add3A_1411, %dma_start3A_1422] : memref<32768x1024xf32, #tpu.memory_space<hbm>> -> memref<8x1024xf32, #tpu.memory_space<hbm>>
      %dma_start3A_1424 = arith.constant 0 : i32
      %dma_start3A_1425 = arith.constant 0 : i32
      %dma_start3A_1426 = tpu.memref_slice %arg6[%dma_start3A_1412, %dma_start3A_1424, %dma_start3A_1425] : memref<8x8x1024xf32, #tpu.memory_space<vmem>> -> memref<1x8x1024xf32, #tpu.memory_space<vmem>>
      %dma_start3A_1427 = tpu.memref_squeeze %dma_start3A_1426 : memref<1x8x1024xf32, #tpu.memory_space<vmem>> -> memref<8x1024xf32, #tpu.memory_space<vmem>>
      tpu.enqueue_dma source(%dma_start3A_1427 : memref<8x1024xf32, #tpu.memory_space<vmem>>) target(%dma_start3A_1423 : memref<8x1024xf32, #tpu.memory_space<hbm>>) target_semaphore(%dma_start3A_1421 : memref<!tpu.dma_semaphore, #tpu.memory_space<semaphore_mem>>)
      %dma_wait3A_1428 = arith.constant 4 : i32
      %dma_wait3A_1429 = arith.constant 4 : i32
      %dma_wait3A_1430 = arith.constant 0 : i32
      %dma_wait3A_1431 = arith.constant 0 : i32
      %dma_wait3A_1432 = tpu.memref_slice %arg6[%dma_wait3A_1428, %dma_wait3A_1430, %dma_wait3A_1431] : memref<8x8x1024xf32, #tpu.memory_space<vmem>> -> memref<1x8x1024xf32, #tpu.memory_space<vmem>>
      %dma_wait3A_1433 = tpu.memref_squeeze %dma_wait3A_1432 : memref<1x8x1024xf32, #tpu.memory_space<vmem>> -> memref<8x1024xf32, #tpu.memory_space<vmem>>
      %dma_wait3A_1434 = arith.constant 0 : i32
      %dma_wait3A_1435 = tpu.memref_slice %arg4[%mul3A_2, %dma_wait3A_1434] : memref<32768x1024xf32, #tpu.memory_space<hbm>> -> memref<8x1024xf32, #tpu.memory_space<hbm>>
      %dma_wait3A_1436 = tpu.memref_slice %arg8[%dma_wait3A_1429] : memref<8x!tpu.dma_semaphore, #tpu.memory_space<semaphore_mem>> -> memref<1x!tpu.dma_semaphore, #tpu.memory_space<semaphore_mem>>
      %dma_wait3A_1437 = tpu.memref_squeeze %dma_wait3A_1436 : memref<1x!tpu.dma_semaphore, #tpu.memory_space<semaphore_mem>> -> memref<!tpu.dma_semaphore, #tpu.memory_space<semaphore_mem>>
      %dma_wait3A_1438 = arith.constant 0 : i32
      %dma_wait3A_1439 = tpu.memref_slice %arg4[%mul3A_2, %dma_wait3A_1438] : memref<32768x1024xf32, #tpu.memory_space<hbm>> -> memref<8x1024xf32, #tpu.memory_space<hbm>>
      %dma_wait3A_1440 = arith.constant 0 : i32
      %dma_wait3A_1441 = arith.constant 0 : i32
      %dma_wait3A_1442 = tpu.memref_slice %arg6[%dma_wait3A_1428, %dma_wait3A_1440, %dma_wait3A_1441] : memref<8x8x1024xf32, #tpu.memory_space<vmem>> -> memref<1x8x1024xf32, #tpu.memory_space<vmem>>
      %dma_wait3A_1443 = tpu.memref_squeeze %dma_wait3A_1442 : memref<1x8x1024xf32, #tpu.memory_space<vmem>> -> memref<8x1024xf32, #tpu.memory_space<vmem>>
      tpu.wait_dma2 semaphore(%dma_wait3A_1437 : memref<!tpu.dma_semaphore, #tpu.memory_space<semaphore_mem>>) src(%dma_wait3A_1443 : memref<8x1024xf32, #tpu.memory_space<vmem>>) dst(%dma_wait3A_1439 : memref<8x1024xf32, #tpu.memory_space<hbm>>)
      %add3A_1444 = arith.constant 8 : i32
      %add3A_1445 = arith.addi %add3A_1393, %add3A_1444 : i32
      %sub3A_1446 = arith.constant 1 : i32
      %sub3A_1447 = arith.subi %add3A_1445, %sub3A_1446 : i32
      %dma_start3A_1448 = arith.constant 4 : i32
      %dma_start3A_1449 = arith.constant 4 : i32
      %dma_start3A_1450 = arith.constant 0 : i32
      %dma_start3A_1451 = arith.constant 0 : i32
      %dma_start3A_1452 = tpu.memref_slice %arg6[%dma_start3A_1448, %dma_start3A_1450, %dma_start3A_1451] : memref<8x8x1024xf32, #tpu.memory_space<vmem>> -> memref<1x8x1024xf32, #tpu.memory_space<vmem>>
      %dma_start3A_1453 = tpu.memref_squeeze %dma_start3A_1452 : memref<1x8x1024xf32, #tpu.memory_space<vmem>> -> memref<8x1024xf32, #tpu.memory_space<vmem>>
      %dma_start3A_1454 = arith.constant 0 : i32
      %dma_start3A_1455 = tpu.memref_slice %arg5[%sub3A_1447, %dma_start3A_1454] : memref<128x8xi32, #tpu.memory_space<vmem>> -> memref<1x8xi32, #tpu.memory_space<vmem>>
      %dma_start3A_1456 = tpu.memref_squeeze %dma_start3A_1455 : memref<1x8xi32, #tpu.memory_space<vmem>> -> memref<8xi32, #tpu.memory_space<vmem>>
      %dma_start3A_1457 = arith.constant 0 : i32
      %dma_start3A_1458 = arith.constant 0 : i32
      %dma_start3A_1459 = tpu.memref_slice %arg3[%dma_start3A_1457, %dma_start3A_1458] : memref<32768x1024xf32, #tpu.memory_space<hbm>> -> memref<32768x1024xf32, #tpu.memory_space<hbm>>
      %dma_start3A_1460 = tpu.memref_slice %arg7[%dma_start3A_1449] : memref<8x!tpu.dma_semaphore, #tpu.memory_space<semaphore_mem>> -> memref<1x!tpu.dma_semaphore, #tpu.memory_space<semaphore_mem>>
      %dma_start3A_1461 = tpu.memref_squeeze %dma_start3A_1460 : memref<1x!tpu.dma_semaphore, #tpu.memory_space<semaphore_mem>> -> memref<!tpu.dma_semaphore, #tpu.memory_space<semaphore_mem>>
      tpu.enqueue_indirect_dma source(%dma_start3A_1459 : memref<32768x1024xf32, #tpu.memory_space<hbm>>) target(%dma_start3A_1453 : memref<8x1024xf32, #tpu.memory_space<vmem>>) offsets(%dma_start3A_1456 : memref<8xi32, #tpu.memory_space<vmem>>) semaphore(%dma_start3A_1461 : memref<!tpu.dma_semaphore, #tpu.memory_space<semaphore_mem>>)
      %mul3A_1462 = arith.constant 8 : i32
      %mul3A_1463 = arith.muli %scan3A_1030, %mul3A_1462 : i32
      %add3A_1464 = arith.constant 6 : i32
      %add3A_1465 = arith.addi %mul3A_1463, %add3A_1464 : i32
      %dma_wait3A_1466 = arith.constant 0 : i32
      %dma_wait3A_1467 = arith.constant 6 : i32
      %dma_wait3A_1468 = arith.constant 6 : i32
      %dma_wait3A_1469 = arith.constant 0 : i32
      %dma_wait3A_1470 = arith.constant 0 : i32
      %dma_wait3A_1471 = tpu.memref_slice %arg6[%dma_wait3A_1467, %dma_wait3A_1469, %dma_wait3A_1470] : memref<8x8x1024xf32, #tpu.memory_space<vmem>> -> memref<1x8x1024xf32, #tpu.memory_space<vmem>>
      %dma_wait3A_1472 = tpu.memref_squeeze %dma_wait3A_1471 : memref<1x8x1024xf32, #tpu.memory_space<vmem>> -> memref<8x1024xf32, #tpu.memory_space<vmem>>
      %dma_wait3A_1473 = arith.constant 0 : i32
      %dma_wait3A_1474 = tpu.memref_slice %arg5[%dma_wait3A_1466, %dma_wait3A_1473] : memref<128x8xi32, #tpu.memory_space<vmem>> -> memref<1x8xi32, #tpu.memory_space<vmem>>
      %dma_wait3A_1475 = tpu.memref_squeeze %dma_wait3A_1474 : memref<1x8xi32, #tpu.memory_space<vmem>> -> memref<8xi32, #tpu.memory_space<vmem>>
      %dma_wait3A_1476 = arith.constant 0 : i32
      %dma_wait3A_1477 = arith.constant 0 : i32
      %dma_wait3A_1478 = tpu.memref_slice %arg3[%dma_wait3A_1476, %dma_wait3A_1477] : memref<32768x1024xf32, #tpu.memory_space<hbm>> -> memref<32768x1024xf32, #tpu.memory_space<hbm>>
      %dma_wait3A_1479 = tpu.memref_slice %arg7[%dma_wait3A_1468] : memref<8x!tpu.dma_semaphore, #tpu.memory_space<semaphore_mem>> -> memref<1x!tpu.dma_semaphore, #tpu.memory_space<semaphore_mem>>
      %dma_wait3A_1480 = tpu.memref_squeeze %dma_wait3A_1479 : memref<1x!tpu.dma_semaphore, #tpu.memory_space<semaphore_mem>> -> memref<!tpu.dma_semaphore, #tpu.memory_space<semaphore_mem>>
      tpu.wait_indirect_dma semaphore(%dma_wait3A_1480 : memref<!tpu.dma_semaphore, #tpu.memory_space<semaphore_mem>>) src(%dma_wait3A_1478 : memref<32768x1024xf32, #tpu.memory_space<hbm>>) dst(%dma_wait3A_1472 : memref<8x1024xf32, #tpu.memory_space<vmem>>)
      %mul3A_1481 = arith.constant 8 : i32
      %mul3A_1482 = arith.muli %add3A_1465, %mul3A_1481 : i32
      %add3A_1483 = arith.addi %mul3A_2, %mul3A_1482 : i32
      %dma_start3A_1484 = arith.constant 6 : i32
      %dma_start3A_1485 = arith.constant 6 : i32
      %dma_start3A_1486 = arith.constant 0 : i32
      %dma_start3A_1487 = arith.constant 0 : i32
      %dma_start3A_1488 = tpu.memref_slice %arg6[%dma_start3A_1484, %dma_start3A_1486, %dma_start3A_1487] : memref<8x8x1024xf32, #tpu.memory_space<vmem>> -> memref<1x8x1024xf32, #tpu.memory_space<vmem>>
      %dma_start3A_1489 = tpu.memref_squeeze %dma_start3A_1488 : memref<1x8x1024xf32, #tpu.memory_space<vmem>> -> memref<8x1024xf32, #tpu.memory_space<vmem>>
      %dma_start3A_1490 = arith.constant 0 : i32
      %dma_start3A_1491 = tpu.memref_slice %arg4[%add3A_1483, %dma_start3A_1490] : memref<32768x1024xf32, #tpu.memory_space<hbm>> -> memref<8x1024xf32, #tpu.memory_space<hbm>>
      %dma_start3A_1492 = tpu.memref_slice %arg8[%dma_start3A_1485] : memref<8x!tpu.dma_semaphore, #tpu.memory_space<semaphore_mem>> -> memref<1x!tpu.dma_semaphore, #tpu.memory_space<semaphore_mem>>
      %dma_start3A_1493 = tpu.memref_squeeze %dma_start3A_1492 : memref<1x!tpu.dma_semaphore, #tpu.memory_space<semaphore_mem>> -> memref<!tpu.dma_semaphore, #tpu.memory_space<semaphore_mem>>
      %dma_start3A_1494 = arith.constant 0 : i32
      %dma_start3A_1495 = tpu.memref_slice %arg4[%add3A_1483, %dma_start3A_1494] : memref<32768x1024xf32, #tpu.memory_space<hbm>> -> memref<8x1024xf32, #tpu.memory_space<hbm>>
      %dma_start3A_1496 = arith.constant 0 : i32
      %dma_start3A_1497 = arith.constant 0 : i32
      %dma_start3A_1498 = tpu.memref_slice %arg6[%dma_start3A_1484, %dma_start3A_1496, %dma_start3A_1497] : memref<8x8x1024xf32, #tpu.memory_space<vmem>> -> memref<1x8x1024xf32, #tpu.memory_space<vmem>>
      %dma_start3A_1499 = tpu.memref_squeeze %dma_start3A_1498 : memref<1x8x1024xf32, #tpu.memory_space<vmem>> -> memref<8x1024xf32, #tpu.memory_space<vmem>>
      tpu.enqueue_dma source(%dma_start3A_1499 : memref<8x1024xf32, #tpu.memory_space<vmem>>) target(%dma_start3A_1495 : memref<8x1024xf32, #tpu.memory_space<hbm>>) target_semaphore(%dma_start3A_1493 : memref<!tpu.dma_semaphore, #tpu.memory_space<semaphore_mem>>)
      %dma_wait3A_1500 = arith.constant 5 : i32
      %dma_wait3A_1501 = arith.constant 5 : i32
      %dma_wait3A_1502 = arith.constant 0 : i32
      %dma_wait3A_1503 = arith.constant 0 : i32
      %dma_wait3A_1504 = tpu.memref_slice %arg6[%dma_wait3A_1500, %dma_wait3A_1502, %dma_wait3A_1503] : memref<8x8x1024xf32, #tpu.memory_space<vmem>> -> memref<1x8x1024xf32, #tpu.memory_space<vmem>>
      %dma_wait3A_1505 = tpu.memref_squeeze %dma_wait3A_1504 : memref<1x8x1024xf32, #tpu.memory_space<vmem>> -> memref<8x1024xf32, #tpu.memory_space<vmem>>
      %dma_wait3A_1506 = arith.constant 0 : i32
      %dma_wait3A_1507 = tpu.memref_slice %arg4[%mul3A_2, %dma_wait3A_1506] : memref<32768x1024xf32, #tpu.memory_space<hbm>> -> memref<8x1024xf32, #tpu.memory_space<hbm>>
      %dma_wait3A_1508 = tpu.memref_slice %arg8[%dma_wait3A_1501] : memref<8x!tpu.dma_semaphore, #tpu.memory_space<semaphore_mem>> -> memref<1x!tpu.dma_semaphore, #tpu.memory_space<semaphore_mem>>
      %dma_wait3A_1509 = tpu.memref_squeeze %dma_wait3A_1508 : memref<1x!tpu.dma_semaphore, #tpu.memory_space<semaphore_mem>> -> memref<!tpu.dma_semaphore, #tpu.memory_space<semaphore_mem>>
      %dma_wait3A_1510 = arith.constant 0 : i32
      %dma_wait3A_1511 = tpu.memref_slice %arg4[%mul3A_2, %dma_wait3A_1510] : memref<32768x1024xf32, #tpu.memory_space<hbm>> -> memref<8x1024xf32, #tpu.memory_space<hbm>>
      %dma_wait3A_1512 = arith.constant 0 : i32
      %dma_wait3A_1513 = arith.constant 0 : i32
      %dma_wait3A_1514 = tpu.memref_slice %arg6[%dma_wait3A_1500, %dma_wait3A_1512, %dma_wait3A_1513] : memref<8x8x1024xf32, #tpu.memory_space<vmem>> -> memref<1x8x1024xf32, #tpu.memory_space<vmem>>
      %dma_wait3A_1515 = tpu.memref_squeeze %dma_wait3A_1514 : memref<1x8x1024xf32, #tpu.memory_space<vmem>> -> memref<8x1024xf32, #tpu.memory_space<vmem>>
      tpu.wait_dma2 semaphore(%dma_wait3A_1509 : memref<!tpu.dma_semaphore, #tpu.memory_space<semaphore_mem>>) src(%dma_wait3A_1515 : memref<8x1024xf32, #tpu.memory_space<vmem>>) dst(%dma_wait3A_1511 : memref<8x1024xf32, #tpu.memory_space<hbm>>)
      %add3A_1516 = arith.constant 8 : i32
      %add3A_1517 = arith.addi %add3A_1465, %add3A_1516 : i32
      %sub3A_1518 = arith.constant 1 : i32
      %sub3A_1519 = arith.subi %add3A_1517, %sub3A_1518 : i32
      %dma_start3A_1520 = arith.constant 5 : i32
      %dma_start3A_1521 = arith.constant 5 : i32
      %dma_start3A_1522 = arith.constant 0 : i32
      %dma_start3A_1523 = arith.constant 0 : i32
      %dma_start3A_1524 = tpu.memref_slice %arg6[%dma_start3A_1520, %dma_start3A_1522, %dma_start3A_1523] : memref<8x8x1024xf32, #tpu.memory_space<vmem>> -> memref<1x8x1024xf32, #tpu.memory_space<vmem>>
      %dma_start3A_1525 = tpu.memref_squeeze %dma_start3A_1524 : memref<1x8x1024xf32, #tpu.memory_space<vmem>> -> memref<8x1024xf32, #tpu.memory_space<vmem>>
      %dma_start3A_1526 = arith.constant 0 : i32
      %dma_start3A_1527 = tpu.memref_slice %arg5[%sub3A_1519, %dma_start3A_1526] : memref<128x8xi32, #tpu.memory_space<vmem>> -> memref<1x8xi32, #tpu.memory_space<vmem>>
      %dma_start3A_1528 = tpu.memref_squeeze %dma_start3A_1527 : memref<1x8xi32, #tpu.memory_space<vmem>> -> memref<8xi32, #tpu.memory_space<vmem>>
      %dma_start3A_1529 = arith.constant 0 : i32
      %dma_start3A_1530 = arith.constant 0 : i32
      %dma_start3A_1531 = tpu.memref_slice %arg3[%dma_start3A_1529, %dma_start3A_1530] : memref<32768x1024xf32, #tpu.memory_space<hbm>> -> memref<32768x1024xf32, #tpu.memory_space<hbm>>
      %dma_start3A_1532 = tpu.memref_slice %arg7[%dma_start3A_1521] : memref<8x!tpu.dma_semaphore, #tpu.memory_space<semaphore_mem>> -> memref<1x!tpu.dma_semaphore, #tpu.memory_space<semaphore_mem>>
      %dma_start3A_1533 = tpu.memref_squeeze %dma_start3A_1532 : memref<1x!tpu.dma_semaphore, #tpu.memory_space<semaphore_mem>> -> memref<!tpu.dma_semaphore, #tpu.memory_space<semaphore_mem>>
      tpu.enqueue_indirect_dma source(%dma_start3A_1531 : memref<32768x1024xf32, #tpu.memory_space<hbm>>) target(%dma_start3A_1525 : memref<8x1024xf32, #tpu.memory_space<vmem>>) offsets(%dma_start3A_1528 : memref<8xi32, #tpu.memory_space<vmem>>) semaphore(%dma_start3A_1533 : memref<!tpu.dma_semaphore, #tpu.memory_space<semaphore_mem>>)
      %mul3A_1534 = arith.constant 8 : i32
      %mul3A_1535 = arith.muli %scan3A_1030, %mul3A_1534 : i32
      %add3A_1536 = arith.constant 7 : i32
      %add3A_1537 = arith.addi %mul3A_1535, %add3A_1536 : i32
      %dma_wait3A_1538 = arith.constant 0 : i32
      %dma_wait3A_1539 = arith.constant 7 : i32
      %dma_wait3A_1540 = arith.constant 7 : i32
      %dma_wait3A_1541 = arith.constant 0 : i32
      %dma_wait3A_1542 = arith.constant 0 : i32
      %dma_wait3A_1543 = tpu.memref_slice %arg6[%dma_wait3A_1539, %dma_wait3A_1541, %dma_wait3A_1542] : memref<8x8x1024xf32, #tpu.memory_space<vmem>> -> memref<1x8x1024xf32, #tpu.memory_space<vmem>>
      %dma_wait3A_1544 = tpu.memref_squeeze %dma_wait3A_1543 : memref<1x8x1024xf32, #tpu.memory_space<vmem>> -> memref<8x1024xf32, #tpu.memory_space<vmem>>
      %dma_wait3A_1545 = arith.constant 0 : i32
      %dma_wait3A_1546 = tpu.memref_slice %arg5[%dma_wait3A_1538, %dma_wait3A_1545] : memref<128x8xi32, #tpu.memory_space<vmem>> -> memref<1x8xi32, #tpu.memory_space<vmem>>
      %dma_wait3A_1547 = tpu.memref_squeeze %dma_wait3A_1546 : memref<1x8xi32, #tpu.memory_space<vmem>> -> memref<8xi32, #tpu.memory_space<vmem>>
      %dma_wait3A_1548 = arith.constant 0 : i32
      %dma_wait3A_1549 = arith.constant 0 : i32
      %dma_wait3A_1550 = tpu.memref_slice %arg3[%dma_wait3A_1548, %dma_wait3A_1549] : memref<32768x1024xf32, #tpu.memory_space<hbm>> -> memref<32768x1024xf32, #tpu.memory_space<hbm>>
      %dma_wait3A_1551 = tpu.memref_slice %arg7[%dma_wait3A_1540] : memref<8x!tpu.dma_semaphore, #tpu.memory_space<semaphore_mem>> -> memref<1x!tpu.dma_semaphore, #tpu.memory_space<semaphore_mem>>
      %dma_wait3A_1552 = tpu.memref_squeeze %dma_wait3A_1551 : memref<1x!tpu.dma_semaphore, #tpu.memory_space<semaphore_mem>> -> memref<!tpu.dma_semaphore, #tpu.memory_space<semaphore_mem>>
      tpu.wait_indirect_dma semaphore(%dma_wait3A_1552 : memref<!tpu.dma_semaphore, #tpu.memory_space<semaphore_mem>>) src(%dma_wait3A_1550 : memref<32768x1024xf32, #tpu.memory_space<hbm>>) dst(%dma_wait3A_1544 : memref<8x1024xf32, #tpu.memory_space<vmem>>)
      %mul3A_1553 = arith.constant 8 : i32
      %mul3A_1554 = arith.muli %add3A_1537, %mul3A_1553 : i32
      %add3A_1555 = arith.addi %mul3A_2, %mul3A_1554 : i32
      %dma_start3A_1556 = arith.constant 7 : i32
      %dma_start3A_1557 = arith.constant 7 : i32
      %dma_start3A_1558 = arith.constant 0 : i32
      %dma_start3A_1559 = arith.constant 0 : i32
      %dma_start3A_1560 = tpu.memref_slice %arg6[%dma_start3A_1556, %dma_start3A_1558, %dma_start3A_1559] : memref<8x8x1024xf32, #tpu.memory_space<vmem>> -> memref<1x8x1024xf32, #tpu.memory_space<vmem>>
      %dma_start3A_1561 = tpu.memref_squeeze %dma_start3A_1560 : memref<1x8x1024xf32, #tpu.memory_space<vmem>> -> memref<8x1024xf32, #tpu.memory_space<vmem>>
      %dma_start3A_1562 = arith.constant 0 : i32
      %dma_start3A_1563 = tpu.memref_slice %arg4[%add3A_1555, %dma_start3A_1562] : memref<32768x1024xf32, #tpu.memory_space<hbm>> -> memref<8x1024xf32, #tpu.memory_space<hbm>>
      %dma_start3A_1564 = tpu.memref_slice %arg8[%dma_start3A_1557] : memref<8x!tpu.dma_semaphore, #tpu.memory_space<semaphore_mem>> -> memref<1x!tpu.dma_semaphore, #tpu.memory_space<semaphore_mem>>
      %dma_start3A_1565 = tpu.memref_squeeze %dma_start3A_1564 : memref<1x!tpu.dma_semaphore, #tpu.memory_space<semaphore_mem>> -> memref<!tpu.dma_semaphore, #tpu.memory_space<semaphore_mem>>
      %dma_start3A_1566 = arith.constant 0 : i32
      %dma_start3A_1567 = tpu.memref_slice %arg4[%add3A_1555, %dma_start3A_1566] : memref<32768x1024xf32, #tpu.memory_space<hbm>> -> memref<8x1024xf32, #tpu.memory_space<hbm>>
      %dma_start3A_1568 = arith.constant 0 : i32
      %dma_start3A_1569 = arith.constant 0 : i32
      %dma_start3A_1570 = tpu.memref_slice %arg6[%dma_start3A_1556, %dma_start3A_1568, %dma_start3A_1569] : memref<8x8x1024xf32, #tpu.memory_space<vmem>> -> memref<1x8x1024xf32, #tpu.memory_space<vmem>>
      %dma_start3A_1571 = tpu.memref_squeeze %dma_start3A_1570 : memref<1x8x1024xf32, #tpu.memory_space<vmem>> -> memref<8x1024xf32, #tpu.memory_space<vmem>>
      tpu.enqueue_dma source(%dma_start3A_1571 : memref<8x1024xf32, #tpu.memory_space<vmem>>) target(%dma_start3A_1567 : memref<8x1024xf32, #tpu.memory_space<hbm>>) target_semaphore(%dma_start3A_1565 : memref<!tpu.dma_semaphore, #tpu.memory_space<semaphore_mem>>)
      %dma_wait3A_1572 = arith.constant 6 : i32
      %dma_wait3A_1573 = arith.constant 6 : i32
      %dma_wait3A_1574 = arith.constant 0 : i32
      %dma_wait3A_1575 = arith.constant 0 : i32
      %dma_wait3A_1576 = tpu.memref_slice %arg6[%dma_wait3A_1572, %dma_wait3A_1574, %dma_wait3A_1575] : memref<8x8x1024xf32, #tpu.memory_space<vmem>> -> memref<1x8x1024xf32, #tpu.memory_space<vmem>>
      %dma_wait3A_1577 = tpu.memref_squeeze %dma_wait3A_1576 : memref<1x8x1024xf32, #tpu.memory_space<vmem>> -> memref<8x1024xf32, #tpu.memory_space<vmem>>
      %dma_wait3A_1578 = arith.constant 0 : i32
      %dma_wait3A_1579 = tpu.memref_slice %arg4[%mul3A_2, %dma_wait3A_1578] : memref<32768x1024xf32, #tpu.memory_space<hbm>> -> memref<8x1024xf32, #tpu.memory_space<hbm>>
      %dma_wait3A_1580 = tpu.memref_slice %arg8[%dma_wait3A_1573] : memref<8x!tpu.dma_semaphore, #tpu.memory_space<semaphore_mem>> -> memref<1x!tpu.dma_semaphore, #tpu.memory_space<semaphore_mem>>
      %dma_wait3A_1581 = tpu.memref_squeeze %dma_wait3A_1580 : memref<1x!tpu.dma_semaphore, #tpu.memory_space<semaphore_mem>> -> memref<!tpu.dma_semaphore, #tpu.memory_space<semaphore_mem>>
      %dma_wait3A_1582 = arith.constant 0 : i32
      %dma_wait3A_1583 = tpu.memref_slice %arg4[%mul3A_2, %dma_wait3A_1582] : memref<32768x1024xf32, #tpu.memory_space<hbm>> -> memref<8x1024xf32, #tpu.memory_space<hbm>>
      %dma_wait3A_1584 = arith.constant 0 : i32
      %dma_wait3A_1585 = arith.constant 0 : i32
      %dma_wait3A_1586 = tpu.memref_slice %arg6[%dma_wait3A_1572, %dma_wait3A_1584, %dma_wait3A_1585] : memref<8x8x1024xf32, #tpu.memory_space<vmem>> -> memref<1x8x1024xf32, #tpu.memory_space<vmem>>
      %dma_wait3A_1587 = tpu.memref_squeeze %dma_wait3A_1586 : memref<1x8x1024xf32, #tpu.memory_space<vmem>> -> memref<8x1024xf32, #tpu.memory_space<vmem>>
      tpu.wait_dma2 semaphore(%dma_wait3A_1581 : memref<!tpu.dma_semaphore, #tpu.memory_space<semaphore_mem>>) src(%dma_wait3A_1587 : memref<8x1024xf32, #tpu.memory_space<vmem>>) dst(%dma_wait3A_1583 : memref<8x1024xf32, #tpu.memory_space<hbm>>)
      %add3A_1588 = arith.constant 8 : i32
      %add3A_1589 = arith.addi %add3A_1537, %add3A_1588 : i32
      %sub3A_1590 = arith.constant 1 : i32
      %sub3A_1591 = arith.subi %add3A_1589, %sub3A_1590 : i32
      %dma_start3A_1592 = arith.constant 6 : i32
      %dma_start3A_1593 = arith.constant 6 : i32
      %dma_start3A_1594 = arith.constant 0 : i32
      %dma_start3A_1595 = arith.constant 0 : i32
      %dma_start3A_1596 = tpu.memref_slice %arg6[%dma_start3A_1592, %dma_start3A_1594, %dma_start3A_1595] : memref<8x8x1024xf32, #tpu.memory_space<vmem>> -> memref<1x8x1024xf32, #tpu.memory_space<vmem>>
      %dma_start3A_1597 = tpu.memref_squeeze %dma_start3A_1596 : memref<1x8x1024xf32, #tpu.memory_space<vmem>> -> memref<8x1024xf32, #tpu.memory_space<vmem>>
      %dma_start3A_1598 = arith.constant 0 : i32
      %dma_start3A_1599 = tpu.memref_slice %arg5[%sub3A_1591, %dma_start3A_1598] : memref<128x8xi32, #tpu.memory_space<vmem>> -> memref<1x8xi32, #tpu.memory_space<vmem>>
      %dma_start3A_1600 = tpu.memref_squeeze %dma_start3A_1599 : memref<1x8xi32, #tpu.memory_space<vmem>> -> memref<8xi32, #tpu.memory_space<vmem>>
      %dma_start3A_1601 = arith.constant 0 : i32
      %dma_start3A_1602 = arith.constant 0 : i32
      %dma_start3A_1603 = tpu.memref_slice %arg3[%dma_start3A_1601, %dma_start3A_1602] : memref<32768x1024xf32, #tpu.memory_space<hbm>> -> memref<32768x1024xf32, #tpu.memory_space<hbm>>
      %dma_start3A_1604 = tpu.memref_slice %arg7[%dma_start3A_1593] : memref<8x!tpu.dma_semaphore, #tpu.memory_space<semaphore_mem>> -> memref<1x!tpu.dma_semaphore, #tpu.memory_space<semaphore_mem>>
      %dma_start3A_1605 = tpu.memref_squeeze %dma_start3A_1604 : memref<1x!tpu.dma_semaphore, #tpu.memory_space<semaphore_mem>> -> memref<!tpu.dma_semaphore, #tpu.memory_space<semaphore_mem>>
      tpu.enqueue_indirect_dma source(%dma_start3A_1603 : memref<32768x1024xf32, #tpu.memory_space<hbm>>) target(%dma_start3A_1597 : memref<8x1024xf32, #tpu.memory_space<vmem>>) offsets(%dma_start3A_1600 : memref<8xi32, #tpu.memory_space<vmem>>) semaphore(%dma_start3A_1605 : memref<!tpu.dma_semaphore, #tpu.memory_space<semaphore_mem>>)
    }
    %scan3A_606 = arith.constant 14 : i32
    %dma_wait3A_607 = arith.constant 0 : i32
    %dma_wait3A_608 = arith.constant 0 : i32
    %dma_wait3A_609 = arith.constant 0 : i32
    %dma_wait3A_610 = arith.constant 0 : i32
    %dma_wait3A_611 = arith.constant 0 : i32
    %dma_wait3A_612 = tpu.memref_slice %arg6[%dma_wait3A_608, %dma_wait3A_610, %dma_wait3A_611] : memref<8x8x1024xf32, #tpu.memory_space<vmem>> -> memref<1x8x1024xf32, #tpu.memory_space<vmem>>
    %dma_wait3A_613 = tpu.memref_squeeze %dma_wait3A_612 : memref<1x8x1024xf32, #tpu.memory_space<vmem>> -> memref<8x1024xf32, #tpu.memory_space<vmem>>
    %dma_wait3A_614 = arith.constant 0 : i32
    %dma_wait3A_615 = tpu.memref_slice %arg5[%dma_wait3A_607, %dma_wait3A_614] : memref<128x8xi32, #tpu.memory_space<vmem>> -> memref<1x8xi32, #tpu.memory_space<vmem>>
    %dma_wait3A_616 = tpu.memref_squeeze %dma_wait3A_615 : memref<1x8xi32, #tpu.memory_space<vmem>> -> memref<8xi32, #tpu.memory_space<vmem>>
    %dma_wait3A_617 = arith.constant 0 : i32
    %dma_wait3A_618 = arith.constant 0 : i32
    %dma_wait3A_619 = tpu.memref_slice %arg3[%dma_wait3A_617, %dma_wait3A_618] : memref<32768x1024xf32, #tpu.memory_space<hbm>> -> memref<32768x1024xf32, #tpu.memory_space<hbm>>
    %dma_wait3A_620 = tpu.memref_slice %arg7[%dma_wait3A_609] : memref<8x!tpu.dma_semaphore, #tpu.memory_space<semaphore_mem>> -> memref<1x!tpu.dma_semaphore, #tpu.memory_space<semaphore_mem>>
    %dma_wait3A_621 = tpu.memref_squeeze %dma_wait3A_620 : memref<1x!tpu.dma_semaphore, #tpu.memory_space<semaphore_mem>> -> memref<!tpu.dma_semaphore, #tpu.memory_space<semaphore_mem>>
    tpu.wait_indirect_dma semaphore(%dma_wait3A_621 : memref<!tpu.dma_semaphore, #tpu.memory_space<semaphore_mem>>) src(%dma_wait3A_619 : memref<32768x1024xf32, #tpu.memory_space<hbm>>) dst(%dma_wait3A_613 : memref<8x1024xf32, #tpu.memory_space<vmem>>)
    %add3A_622 = arith.constant 960 : i32
    %add3A_623 = arith.addi %mul3A_2, %add3A_622 : i32
    %dma_start3A_624 = arith.constant 0 : i32
    %dma_start3A_625 = arith.constant 0 : i32
    %dma_start3A_626 = arith.constant 0 : i32
    %dma_start3A_627 = arith.constant 0 : i32
    %dma_start3A_628 = tpu.memref_slice %arg6[%dma_start3A_624, %dma_start3A_626, %dma_start3A_627] : memref<8x8x1024xf32, #tpu.memory_space<vmem>> -> memref<1x8x1024xf32, #tpu.memory_space<vmem>>
    %dma_start3A_629 = tpu.memref_squeeze %dma_start3A_628 : memref<1x8x1024xf32, #tpu.memory_space<vmem>> -> memref<8x1024xf32, #tpu.memory_space<vmem>>
    %dma_start3A_630 = arith.constant 0 : i32
    %dma_start3A_631 = tpu.memref_slice %arg4[%add3A_623, %dma_start3A_630] : memref<32768x1024xf32, #tpu.memory_space<hbm>> -> memref<8x1024xf32, #tpu.memory_space<hbm>>
    %dma_start3A_632 = tpu.memref_slice %arg8[%dma_start3A_625] : memref<8x!tpu.dma_semaphore, #tpu.memory_space<semaphore_mem>> -> memref<1x!tpu.dma_semaphore, #tpu.memory_space<semaphore_mem>>
    %dma_start3A_633 = tpu.memref_squeeze %dma_start3A_632 : memref<1x!tpu.dma_semaphore, #tpu.memory_space<semaphore_mem>> -> memref<!tpu.dma_semaphore, #tpu.memory_space<semaphore_mem>>
    %dma_start3A_634 = arith.constant 0 : i32
    %dma_start3A_635 = tpu.memref_slice %arg4[%add3A_623, %dma_start3A_634] : memref<32768x1024xf32, #tpu.memory_space<hbm>> -> memref<8x1024xf32, #tpu.memory_space<hbm>>
    %dma_start3A_636 = arith.constant 0 : i32
    %dma_start3A_637 = arith.constant 0 : i32
    %dma_start3A_638 = tpu.memref_slice %arg6[%dma_start3A_624, %dma_start3A_636, %dma_start3A_637] : memref<8x8x1024xf32, #tpu.memory_space<vmem>> -> memref<1x8x1024xf32, #tpu.memory_space<vmem>>
    %dma_start3A_639 = tpu.memref_squeeze %dma_start3A_638 : memref<1x8x1024xf32, #tpu.memory_space<vmem>> -> memref<8x1024xf32, #tpu.memory_space<vmem>>
    tpu.enqueue_dma source(%dma_start3A_639 : memref<8x1024xf32, #tpu.memory_space<vmem>>) target(%dma_start3A_635 : memref<8x1024xf32, #tpu.memory_space<hbm>>) target_semaphore(%dma_start3A_633 : memref<!tpu.dma_semaphore, #tpu.memory_space<semaphore_mem>>)
    %dma_wait3A_640 = arith.constant 7 : i32
    %dma_wait3A_641 = arith.constant 7 : i32
    %dma_wait3A_642 = arith.constant 0 : i32
    %dma_wait3A_643 = arith.constant 0 : i32
    %dma_wait3A_644 = tpu.memref_slice %arg6[%dma_wait3A_640, %dma_wait3A_642, %dma_wait3A_643] : memref<8x8x1024xf32, #tpu.memory_space<vmem>> -> memref<1x8x1024xf32, #tpu.memory_space<vmem>>
    %dma_wait3A_645 = tpu.memref_squeeze %dma_wait3A_644 : memref<1x8x1024xf32, #tpu.memory_space<vmem>> -> memref<8x1024xf32, #tpu.memory_space<vmem>>
    %dma_wait3A_646 = arith.constant 0 : i32
    %dma_wait3A_647 = tpu.memref_slice %arg4[%mul3A_2, %dma_wait3A_646] : memref<32768x1024xf32, #tpu.memory_space<hbm>> -> memref<8x1024xf32, #tpu.memory_space<hbm>>
    %dma_wait3A_648 = tpu.memref_slice %arg8[%dma_wait3A_641] : memref<8x!tpu.dma_semaphore, #tpu.memory_space<semaphore_mem>> -> memref<1x!tpu.dma_semaphore, #tpu.memory_space<semaphore_mem>>
    %dma_wait3A_649 = tpu.memref_squeeze %dma_wait3A_648 : memref<1x!tpu.dma_semaphore, #tpu.memory_space<semaphore_mem>> -> memref<!tpu.dma_semaphore, #tpu.memory_space<semaphore_mem>>
    %dma_wait3A_650 = arith.constant 0 : i32
    %dma_wait3A_651 = tpu.memref_slice %arg4[%mul3A_2, %dma_wait3A_650] : memref<32768x1024xf32, #tpu.memory_space<hbm>> -> memref<8x1024xf32, #tpu.memory_space<hbm>>
    %dma_wait3A_652 = arith.constant 0 : i32
    %dma_wait3A_653 = arith.constant 0 : i32
    %dma_wait3A_654 = tpu.memref_slice %arg6[%dma_wait3A_640, %dma_wait3A_652, %dma_wait3A_653] : memref<8x8x1024xf32, #tpu.memory_space<vmem>> -> memref<1x8x1024xf32, #tpu.memory_space<vmem>>
    %dma_wait3A_655 = tpu.memref_squeeze %dma_wait3A_654 : memref<1x8x1024xf32, #tpu.memory_space<vmem>> -> memref<8x1024xf32, #tpu.memory_space<vmem>>
    tpu.wait_dma2 semaphore(%dma_wait3A_649 : memref<!tpu.dma_semaphore, #tpu.memory_space<semaphore_mem>>) src(%dma_wait3A_655 : memref<8x1024xf32, #tpu.memory_space<vmem>>) dst(%dma_wait3A_651 : memref<8x1024xf32, #tpu.memory_space<hbm>>)
    %dma_start3A_656 = arith.constant 127 : i32
    %dma_start3A_657 = arith.constant 7 : i32
    %dma_start3A_658 = arith.constant 7 : i32
    %dma_start3A_659 = arith.constant 0 : i32
    %dma_start3A_660 = arith.constant 0 : i32
    %dma_start3A_661 = tpu.memref_slice %arg6[%dma_start3A_657, %dma_start3A_659, %dma_start3A_660] : memref<8x8x1024xf32, #tpu.memory_space<vmem>> -> memref<1x8x1024xf32, #tpu.memory_space<vmem>>
    %dma_start3A_662 = tpu.memref_squeeze %dma_start3A_661 : memref<1x8x1024xf32, #tpu.memory_space<vmem>> -> memref<8x1024xf32, #tpu.memory_space<vmem>>
    %dma_start3A_663 = arith.constant 0 : i32
    %dma_start3A_664 = tpu.memref_slice %arg5[%dma_start3A_656, %dma_start3A_663] : memref<128x8xi32, #tpu.memory_space<vmem>> -> memref<1x8xi32, #tpu.memory_space<vmem>>
    %dma_start3A_665 = tpu.memref_squeeze %dma_start3A_664 : memref<1x8xi32, #tpu.memory_space<vmem>> -> memref<8xi32, #tpu.memory_space<vmem>>
    %dma_start3A_666 = arith.constant 0 : i32
    %dma_start3A_667 = arith.constant 0 : i32
    %dma_start3A_668 = tpu.memref_slice %arg3[%dma_start3A_666, %dma_start3A_667] : memref<32768x1024xf32, #tpu.memory_space<hbm>> -> memref<32768x1024xf32, #tpu.memory_space<hbm>>
    %dma_start3A_669 = tpu.memref_slice %arg7[%dma_start3A_658] : memref<8x!tpu.dma_semaphore, #tpu.memory_space<semaphore_mem>> -> memref<1x!tpu.dma_semaphore, #tpu.memory_space<semaphore_mem>>
    %dma_start3A_670 = tpu.memref_squeeze %dma_start3A_669 : memref<1x!tpu.dma_semaphore, #tpu.memory_space<semaphore_mem>> -> memref<!tpu.dma_semaphore, #tpu.memory_space<semaphore_mem>>
    tpu.enqueue_indirect_dma source(%dma_start3A_668 : memref<32768x1024xf32, #tpu.memory_space<hbm>>) target(%dma_start3A_662 : memref<8x1024xf32, #tpu.memory_space<vmem>>) offsets(%dma_start3A_665 : memref<8xi32, #tpu.memory_space<vmem>>) semaphore(%dma_start3A_670 : memref<!tpu.dma_semaphore, #tpu.memory_space<semaphore_mem>>)
    %dma_wait3A_671 = arith.constant 0 : i32
    %dma_wait3A_672 = arith.constant 1 : i32
    %dma_wait3A_673 = arith.constant 1 : i32
    %dma_wait3A_674 = arith.constant 0 : i32
    %dma_wait3A_675 = arith.constant 0 : i32
    %dma_wait3A_676 = tpu.memref_slice %arg6[%dma_wait3A_672, %dma_wait3A_674, %dma_wait3A_675] : memref<8x8x1024xf32, #tpu.memory_space<vmem>> -> memref<1x8x1024xf32, #tpu.memory_space<vmem>>
    %dma_wait3A_677 = tpu.memref_squeeze %dma_wait3A_676 : memref<1x8x1024xf32, #tpu.memory_space<vmem>> -> memref<8x1024xf32, #tpu.memory_space<vmem>>
    %dma_wait3A_678 = arith.constant 0 : i32
    %dma_wait3A_679 = tpu.memref_slice %arg5[%dma_wait3A_671, %dma_wait3A_678] : memref<128x8xi32, #tpu.memory_space<vmem>> -> memref<1x8xi32, #tpu.memory_space<vmem>>
    %dma_wait3A_680 = tpu.memref_squeeze %dma_wait3A_679 : memref<1x8xi32, #tpu.memory_space<vmem>> -> memref<8xi32, #tpu.memory_space<vmem>>
    %dma_wait3A_681 = arith.constant 0 : i32
    %dma_wait3A_682 = arith.constant 0 : i32
    %dma_wait3A_683 = tpu.memref_slice %arg3[%dma_wait3A_681, %dma_wait3A_682] : memref<32768x1024xf32, #tpu.memory_space<hbm>> -> memref<32768x1024xf32, #tpu.memory_space<hbm>>
    %dma_wait3A_684 = tpu.memref_slice %arg7[%dma_wait3A_673] : memref<8x!tpu.dma_semaphore, #tpu.memory_space<semaphore_mem>> -> memref<1x!tpu.dma_semaphore, #tpu.memory_space<semaphore_mem>>
    %dma_wait3A_685 = tpu.memref_squeeze %dma_wait3A_684 : memref<1x!tpu.dma_semaphore, #tpu.memory_space<semaphore_mem>> -> memref<!tpu.dma_semaphore, #tpu.memory_space<semaphore_mem>>
    tpu.wait_indirect_dma semaphore(%dma_wait3A_685 : memref<!tpu.dma_semaphore, #tpu.memory_space<semaphore_mem>>) src(%dma_wait3A_683 : memref<32768x1024xf32, #tpu.memory_space<hbm>>) dst(%dma_wait3A_677 : memref<8x1024xf32, #tpu.memory_space<vmem>>)
    %add3A_686 = arith.constant 968 : i32
    %add3A_687 = arith.addi %mul3A_2, %add3A_686 : i32
    %dma_start3A_688 = arith.constant 1 : i32
    %dma_start3A_689 = arith.constant 1 : i32
    %dma_start3A_690 = arith.constant 0 : i32
    %dma_start3A_691 = arith.constant 0 : i32
    %dma_start3A_692 = tpu.memref_slice %arg6[%dma_start3A_688, %dma_start3A_690, %dma_start3A_691] : memref<8x8x1024xf32, #tpu.memory_space<vmem>> -> memref<1x8x1024xf32, #tpu.memory_space<vmem>>
    %dma_start3A_693 = tpu.memref_squeeze %dma_start3A_692 : memref<1x8x1024xf32, #tpu.memory_space<vmem>> -> memref<8x1024xf32, #tpu.memory_space<vmem>>
    %dma_start3A_694 = arith.constant 0 : i32
    %dma_start3A_695 = tpu.memref_slice %arg4[%add3A_687, %dma_start3A_694] : memref<32768x1024xf32, #tpu.memory_space<hbm>> -> memref<8x1024xf32, #tpu.memory_space<hbm>>
    %dma_start3A_696 = tpu.memref_slice %arg8[%dma_start3A_689] : memref<8x!tpu.dma_semaphore, #tpu.memory_space<semaphore_mem>> -> memref<1x!tpu.dma_semaphore, #tpu.memory_space<semaphore_mem>>
    %dma_start3A_697 = tpu.memref_squeeze %dma_start3A_696 : memref<1x!tpu.dma_semaphore, #tpu.memory_space<semaphore_mem>> -> memref<!tpu.dma_semaphore, #tpu.memory_space<semaphore_mem>>
    %dma_start3A_698 = arith.constant 0 : i32
    %dma_start3A_699 = tpu.memref_slice %arg4[%add3A_687, %dma_start3A_698] : memref<32768x1024xf32, #tpu.memory_space<hbm>> -> memref<8x1024xf32, #tpu.memory_space<hbm>>
    %dma_start3A_700 = arith.constant 0 : i32
    %dma_start3A_701 = arith.constant 0 : i32
    %dma_start3A_702 = tpu.memref_slice %arg6[%dma_start3A_688, %dma_start3A_700, %dma_start3A_701] : memref<8x8x1024xf32, #tpu.memory_space<vmem>> -> memref<1x8x1024xf32, #tpu.memory_space<vmem>>
    %dma_start3A_703 = tpu.memref_squeeze %dma_start3A_702 : memref<1x8x1024xf32, #tpu.memory_space<vmem>> -> memref<8x1024xf32, #tpu.memory_space<vmem>>
    tpu.enqueue_dma source(%dma_start3A_703 : memref<8x1024xf32, #tpu.memory_space<vmem>>) target(%dma_start3A_699 : memref<8x1024xf32, #tpu.memory_space<hbm>>) target_semaphore(%dma_start3A_697 : memref<!tpu.dma_semaphore, #tpu.memory_space<semaphore_mem>>)
    %dma_wait3A_704 = arith.constant 0 : i32
    %dma_wait3A_705 = arith.constant 0 : i32
    %dma_wait3A_706 = arith.constant 0 : i32
    %dma_wait3A_707 = arith.constant 0 : i32
    %dma_wait3A_708 = tpu.memref_slice %arg6[%dma_wait3A_704, %dma_wait3A_706, %dma_wait3A_707] : memref<8x8x1024xf32, #tpu.memory_space<vmem>> -> memref<1x8x1024xf32, #tpu.memory_space<vmem>>
    %dma_wait3A_709 = tpu.memref_squeeze %dma_wait3A_708 : memref<1x8x1024xf32, #tpu.memory_space<vmem>> -> memref<8x1024xf32, #tpu.memory_space<vmem>>
    %dma_wait3A_710 = arith.constant 0 : i32
    %dma_wait3A_711 = tpu.memref_slice %arg4[%mul3A_2, %dma_wait3A_710] : memref<32768x1024xf32, #tpu.memory_space<hbm>> -> memref<8x1024xf32, #tpu.memory_space<hbm>>
    %dma_wait3A_712 = tpu.memref_slice %arg8[%dma_wait3A_705] : memref<8x!tpu.dma_semaphore, #tpu.memory_space<semaphore_mem>> -> memref<1x!tpu.dma_semaphore, #tpu.memory_space<semaphore_mem>>
    %dma_wait3A_713 = tpu.memref_squeeze %dma_wait3A_712 : memref<1x!tpu.dma_semaphore, #tpu.memory_space<semaphore_mem>> -> memref<!tpu.dma_semaphore, #tpu.memory_space<semaphore_mem>>
    %dma_wait3A_714 = arith.constant 0 : i32
    %dma_wait3A_715 = tpu.memref_slice %arg4[%mul3A_2, %dma_wait3A_714] : memref<32768x1024xf32, #tpu.memory_space<hbm>> -> memref<8x1024xf32, #tpu.memory_space<hbm>>
    %dma_wait3A_716 = arith.constant 0 : i32
    %dma_wait3A_717 = arith.constant 0 : i32
    %dma_wait3A_718 = tpu.memref_slice %arg6[%dma_wait3A_704, %dma_wait3A_716, %dma_wait3A_717] : memref<8x8x1024xf32, #tpu.memory_space<vmem>> -> memref<1x8x1024xf32, #tpu.memory_space<vmem>>
    %dma_wait3A_719 = tpu.memref_squeeze %dma_wait3A_718 : memref<1x8x1024xf32, #tpu.memory_space<vmem>> -> memref<8x1024xf32, #tpu.memory_space<vmem>>
    tpu.wait_dma2 semaphore(%dma_wait3A_713 : memref<!tpu.dma_semaphore, #tpu.memory_space<semaphore_mem>>) src(%dma_wait3A_719 : memref<8x1024xf32, #tpu.memory_space<vmem>>) dst(%dma_wait3A_715 : memref<8x1024xf32, #tpu.memory_space<hbm>>)
    %dma_wait3A_720 = arith.constant 0 : i32
    %dma_wait3A_721 = arith.constant 2 : i32
    %dma_wait3A_722 = arith.constant 2 : i32
    %dma_wait3A_723 = arith.constant 0 : i32
    %dma_wait3A_724 = arith.constant 0 : i32
    %dma_wait3A_725 = tpu.memref_slice %arg6[%dma_wait3A_721, %dma_wait3A_723, %dma_wait3A_724] : memref<8x8x1024xf32, #tpu.memory_space<vmem>> -> memref<1x8x1024xf32, #tpu.memory_space<vmem>>
    %dma_wait3A_726 = tpu.memref_squeeze %dma_wait3A_725 : memref<1x8x1024xf32, #tpu.memory_space<vmem>> -> memref<8x1024xf32, #tpu.memory_space<vmem>>
    %dma_wait3A_727 = arith.constant 0 : i32
    %dma_wait3A_728 = tpu.memref_slice %arg5[%dma_wait3A_720, %dma_wait3A_727] : memref<128x8xi32, #tpu.memory_space<vmem>> -> memref<1x8xi32, #tpu.memory_space<vmem>>
    %dma_wait3A_729 = tpu.memref_squeeze %dma_wait3A_728 : memref<1x8xi32, #tpu.memory_space<vmem>> -> memref<8xi32, #tpu.memory_space<vmem>>
    %dma_wait3A_730 = arith.constant 0 : i32
    %dma_wait3A_731 = arith.constant 0 : i32
    %dma_wait3A_732 = tpu.memref_slice %arg3[%dma_wait3A_730, %dma_wait3A_731] : memref<32768x1024xf32, #tpu.memory_space<hbm>> -> memref<32768x1024xf32, #tpu.memory_space<hbm>>
    %dma_wait3A_733 = tpu.memref_slice %arg7[%dma_wait3A_722] : memref<8x!tpu.dma_semaphore, #tpu.memory_space<semaphore_mem>> -> memref<1x!tpu.dma_semaphore, #tpu.memory_space<semaphore_mem>>
    %dma_wait3A_734 = tpu.memref_squeeze %dma_wait3A_733 : memref<1x!tpu.dma_semaphore, #tpu.memory_space<semaphore_mem>> -> memref<!tpu.dma_semaphore, #tpu.memory_space<semaphore_mem>>
    tpu.wait_indirect_dma semaphore(%dma_wait3A_734 : memref<!tpu.dma_semaphore, #tpu.memory_space<semaphore_mem>>) src(%dma_wait3A_732 : memref<32768x1024xf32, #tpu.memory_space<hbm>>) dst(%dma_wait3A_726 : memref<8x1024xf32, #tpu.memory_space<vmem>>)
    %add3A_735 = arith.constant 976 : i32
    %add3A_736 = arith.addi %mul3A_2, %add3A_735 : i32
    %dma_start3A_737 = arith.constant 2 : i32
    %dma_start3A_738 = arith.constant 2 : i32
    %dma_start3A_739 = arith.constant 0 : i32
    %dma_start3A_740 = arith.constant 0 : i32
    %dma_start3A_741 = tpu.memref_slice %arg6[%dma_start3A_737, %dma_start3A_739, %dma_start3A_740] : memref<8x8x1024xf32, #tpu.memory_space<vmem>> -> memref<1x8x1024xf32, #tpu.memory_space<vmem>>
    %dma_start3A_742 = tpu.memref_squeeze %dma_start3A_741 : memref<1x8x1024xf32, #tpu.memory_space<vmem>> -> memref<8x1024xf32, #tpu.memory_space<vmem>>
    %dma_start3A_743 = arith.constant 0 : i32
    %dma_start3A_744 = tpu.memref_slice %arg4[%add3A_736, %dma_start3A_743] : memref<32768x1024xf32, #tpu.memory_space<hbm>> -> memref<8x1024xf32, #tpu.memory_space<hbm>>
    %dma_start3A_745 = tpu.memref_slice %arg8[%dma_start3A_738] : memref<8x!tpu.dma_semaphore, #tpu.memory_space<semaphore_mem>> -> memref<1x!tpu.dma_semaphore, #tpu.memory_space<semaphore_mem>>
    %dma_start3A_746 = tpu.memref_squeeze %dma_start3A_745 : memref<1x!tpu.dma_semaphore, #tpu.memory_space<semaphore_mem>> -> memref<!tpu.dma_semaphore, #tpu.memory_space<semaphore_mem>>
    %dma_start3A_747 = arith.constant 0 : i32
    %dma_start3A_748 = tpu.memref_slice %arg4[%add3A_736, %dma_start3A_747] : memref<32768x1024xf32, #tpu.memory_space<hbm>> -> memref<8x1024xf32, #tpu.memory_space<hbm>>
    %dma_start3A_749 = arith.constant 0 : i32
    %dma_start3A_750 = arith.constant 0 : i32
    %dma_start3A_751 = tpu.memref_slice %arg6[%dma_start3A_737, %dma_start3A_749, %dma_start3A_750] : memref<8x8x1024xf32, #tpu.memory_space<vmem>> -> memref<1x8x1024xf32, #tpu.memory_space<vmem>>
    %dma_start3A_752 = tpu.memref_squeeze %dma_start3A_751 : memref<1x8x1024xf32, #tpu.memory_space<vmem>> -> memref<8x1024xf32, #tpu.memory_space<vmem>>
    tpu.enqueue_dma source(%dma_start3A_752 : memref<8x1024xf32, #tpu.memory_space<vmem>>) target(%dma_start3A_748 : memref<8x1024xf32, #tpu.memory_space<hbm>>) target_semaphore(%dma_start3A_746 : memref<!tpu.dma_semaphore, #tpu.memory_space<semaphore_mem>>)
    %dma_wait3A_753 = arith.constant 1 : i32
    %dma_wait3A_754 = arith.constant 1 : i32
    %dma_wait3A_755 = arith.constant 0 : i32
    %dma_wait3A_756 = arith.constant 0 : i32
    %dma_wait3A_757 = tpu.memref_slice %arg6[%dma_wait3A_753, %dma_wait3A_755, %dma_wait3A_756] : memref<8x8x1024xf32, #tpu.memory_space<vmem>> -> memref<1x8x1024xf32, #tpu.memory_space<vmem>>
    %dma_wait3A_758 = tpu.memref_squeeze %dma_wait3A_757 : memref<1x8x1024xf32, #tpu.memory_space<vmem>> -> memref<8x1024xf32, #tpu.memory_space<vmem>>
    %dma_wait3A_759 = arith.constant 0 : i32
    %dma_wait3A_760 = tpu.memref_slice %arg4[%mul3A_2, %dma_wait3A_759] : memref<32768x1024xf32, #tpu.memory_space<hbm>> -> memref<8x1024xf32, #tpu.memory_space<hbm>>
    %dma_wait3A_761 = tpu.memref_slice %arg8[%dma_wait3A_754] : memref<8x!tpu.dma_semaphore, #tpu.memory_space<semaphore_mem>> -> memref<1x!tpu.dma_semaphore, #tpu.memory_space<semaphore_mem>>
    %dma_wait3A_762 = tpu.memref_squeeze %dma_wait3A_761 : memref<1x!tpu.dma_semaphore, #tpu.memory_space<semaphore_mem>> -> memref<!tpu.dma_semaphore, #tpu.memory_space<semaphore_mem>>
    %dma_wait3A_763 = arith.constant 0 : i32
    %dma_wait3A_764 = tpu.memref_slice %arg4[%mul3A_2, %dma_wait3A_763] : memref<32768x1024xf32, #tpu.memory_space<hbm>> -> memref<8x1024xf32, #tpu.memory_space<hbm>>
    %dma_wait3A_765 = arith.constant 0 : i32
    %dma_wait3A_766 = arith.constant 0 : i32
    %dma_wait3A_767 = tpu.memref_slice %arg6[%dma_wait3A_753, %dma_wait3A_765, %dma_wait3A_766] : memref<8x8x1024xf32, #tpu.memory_space<vmem>> -> memref<1x8x1024xf32, #tpu.memory_space<vmem>>
    %dma_wait3A_768 = tpu.memref_squeeze %dma_wait3A_767 : memref<1x8x1024xf32, #tpu.memory_space<vmem>> -> memref<8x1024xf32, #tpu.memory_space<vmem>>
    tpu.wait_dma2 semaphore(%dma_wait3A_762 : memref<!tpu.dma_semaphore, #tpu.memory_space<semaphore_mem>>) src(%dma_wait3A_768 : memref<8x1024xf32, #tpu.memory_space<vmem>>) dst(%dma_wait3A_764 : memref<8x1024xf32, #tpu.memory_space<hbm>>)
    %dma_wait3A_769 = arith.constant 0 : i32
    %dma_wait3A_770 = arith.constant 3 : i32
    %dma_wait3A_771 = arith.constant 3 : i32
    %dma_wait3A_772 = arith.constant 0 : i32
    %dma_wait3A_773 = arith.constant 0 : i32
    %dma_wait3A_774 = tpu.memref_slice %arg6[%dma_wait3A_770, %dma_wait3A_772, %dma_wait3A_773] : memref<8x8x1024xf32, #tpu.memory_space<vmem>> -> memref<1x8x1024xf32, #tpu.memory_space<vmem>>
    %dma_wait3A_775 = tpu.memref_squeeze %dma_wait3A_774 : memref<1x8x1024xf32, #tpu.memory_space<vmem>> -> memref<8x1024xf32, #tpu.memory_space<vmem>>
    %dma_wait3A_776 = arith.constant 0 : i32
    %dma_wait3A_777 = tpu.memref_slice %arg5[%dma_wait3A_769, %dma_wait3A_776] : memref<128x8xi32, #tpu.memory_space<vmem>> -> memref<1x8xi32, #tpu.memory_space<vmem>>
    %dma_wait3A_778 = tpu.memref_squeeze %dma_wait3A_777 : memref<1x8xi32, #tpu.memory_space<vmem>> -> memref<8xi32, #tpu.memory_space<vmem>>
    %dma_wait3A_779 = arith.constant 0 : i32
    %dma_wait3A_780 = arith.constant 0 : i32
    %dma_wait3A_781 = tpu.memref_slice %arg3[%dma_wait3A_779, %dma_wait3A_780] : memref<32768x1024xf32, #tpu.memory_space<hbm>> -> memref<32768x1024xf32, #tpu.memory_space<hbm>>
    %dma_wait3A_782 = tpu.memref_slice %arg7[%dma_wait3A_771] : memref<8x!tpu.dma_semaphore, #tpu.memory_space<semaphore_mem>> -> memref<1x!tpu.dma_semaphore, #tpu.memory_space<semaphore_mem>>
    %dma_wait3A_783 = tpu.memref_squeeze %dma_wait3A_782 : memref<1x!tpu.dma_semaphore, #tpu.memory_space<semaphore_mem>> -> memref<!tpu.dma_semaphore, #tpu.memory_space<semaphore_mem>>
    tpu.wait_indirect_dma semaphore(%dma_wait3A_783 : memref<!tpu.dma_semaphore, #tpu.memory_space<semaphore_mem>>) src(%dma_wait3A_781 : memref<32768x1024xf32, #tpu.memory_space<hbm>>) dst(%dma_wait3A_775 : memref<8x1024xf32, #tpu.memory_space<vmem>>)
    %add3A_784 = arith.constant 984 : i32
    %add3A_785 = arith.addi %mul3A_2, %add3A_784 : i32
    %dma_start3A_786 = arith.constant 3 : i32
    %dma_start3A_787 = arith.constant 3 : i32
    %dma_start3A_788 = arith.constant 0 : i32
    %dma_start3A_789 = arith.constant 0 : i32
    %dma_start3A_790 = tpu.memref_slice %arg6[%dma_start3A_786, %dma_start3A_788, %dma_start3A_789] : memref<8x8x1024xf32, #tpu.memory_space<vmem>> -> memref<1x8x1024xf32, #tpu.memory_space<vmem>>
    %dma_start3A_791 = tpu.memref_squeeze %dma_start3A_790 : memref<1x8x1024xf32, #tpu.memory_space<vmem>> -> memref<8x1024xf32, #tpu.memory_space<vmem>>
    %dma_start3A_792 = arith.constant 0 : i32
    %dma_start3A_793 = tpu.memref_slice %arg4[%add3A_785, %dma_start3A_792] : memref<32768x1024xf32, #tpu.memory_space<hbm>> -> memref<8x1024xf32, #tpu.memory_space<hbm>>
    %dma_start3A_794 = tpu.memref_slice %arg8[%dma_start3A_787] : memref<8x!tpu.dma_semaphore, #tpu.memory_space<semaphore_mem>> -> memref<1x!tpu.dma_semaphore, #tpu.memory_space<semaphore_mem>>
    %dma_start3A_795 = tpu.memref_squeeze %dma_start3A_794 : memref<1x!tpu.dma_semaphore, #tpu.memory_space<semaphore_mem>> -> memref<!tpu.dma_semaphore, #tpu.memory_space<semaphore_mem>>
    %dma_start3A_796 = arith.constant 0 : i32
    %dma_start3A_797 = tpu.memref_slice %arg4[%add3A_785, %dma_start3A_796] : memref<32768x1024xf32, #tpu.memory_space<hbm>> -> memref<8x1024xf32, #tpu.memory_space<hbm>>
    %dma_start3A_798 = arith.constant 0 : i32
    %dma_start3A_799 = arith.constant 0 : i32
    %dma_start3A_800 = tpu.memref_slice %arg6[%dma_start3A_786, %dma_start3A_798, %dma_start3A_799] : memref<8x8x1024xf32, #tpu.memory_space<vmem>> -> memref<1x8x1024xf32, #tpu.memory_space<vmem>>
    %dma_start3A_801 = tpu.memref_squeeze %dma_start3A_800 : memref<1x8x1024xf32, #tpu.memory_space<vmem>> -> memref<8x1024xf32, #tpu.memory_space<vmem>>
    tpu.enqueue_dma source(%dma_start3A_801 : memref<8x1024xf32, #tpu.memory_space<vmem>>) target(%dma_start3A_797 : memref<8x1024xf32, #tpu.memory_space<hbm>>) target_semaphore(%dma_start3A_795 : memref<!tpu.dma_semaphore, #tpu.memory_space<semaphore_mem>>)
    %dma_wait3A_802 = arith.constant 2 : i32
    %dma_wait3A_803 = arith.constant 2 : i32
    %dma_wait3A_804 = arith.constant 0 : i32
    %dma_wait3A_805 = arith.constant 0 : i32
    %dma_wait3A_806 = tpu.memref_slice %arg6[%dma_wait3A_802, %dma_wait3A_804, %dma_wait3A_805] : memref<8x8x1024xf32, #tpu.memory_space<vmem>> -> memref<1x8x1024xf32, #tpu.memory_space<vmem>>
    %dma_wait3A_807 = tpu.memref_squeeze %dma_wait3A_806 : memref<1x8x1024xf32, #tpu.memory_space<vmem>> -> memref<8x1024xf32, #tpu.memory_space<vmem>>
    %dma_wait3A_808 = arith.constant 0 : i32
    %dma_wait3A_809 = tpu.memref_slice %arg4[%mul3A_2, %dma_wait3A_808] : memref<32768x1024xf32, #tpu.memory_space<hbm>> -> memref<8x1024xf32, #tpu.memory_space<hbm>>
    %dma_wait3A_810 = tpu.memref_slice %arg8[%dma_wait3A_803] : memref<8x!tpu.dma_semaphore, #tpu.memory_space<semaphore_mem>> -> memref<1x!tpu.dma_semaphore, #tpu.memory_space<semaphore_mem>>
    %dma_wait3A_811 = tpu.memref_squeeze %dma_wait3A_810 : memref<1x!tpu.dma_semaphore, #tpu.memory_space<semaphore_mem>> -> memref<!tpu.dma_semaphore, #tpu.memory_space<semaphore_mem>>
    %dma_wait3A_812 = arith.constant 0 : i32
    %dma_wait3A_813 = tpu.memref_slice %arg4[%mul3A_2, %dma_wait3A_812] : memref<32768x1024xf32, #tpu.memory_space<hbm>> -> memref<8x1024xf32, #tpu.memory_space<hbm>>
    %dma_wait3A_814 = arith.constant 0 : i32
    %dma_wait3A_815 = arith.constant 0 : i32
    %dma_wait3A_816 = tpu.memref_slice %arg6[%dma_wait3A_802, %dma_wait3A_814, %dma_wait3A_815] : memref<8x8x1024xf32, #tpu.memory_space<vmem>> -> memref<1x8x1024xf32, #tpu.memory_space<vmem>>
    %dma_wait3A_817 = tpu.memref_squeeze %dma_wait3A_816 : memref<1x8x1024xf32, #tpu.memory_space<vmem>> -> memref<8x1024xf32, #tpu.memory_space<vmem>>
    tpu.wait_dma2 semaphore(%dma_wait3A_811 : memref<!tpu.dma_semaphore, #tpu.memory_space<semaphore_mem>>) src(%dma_wait3A_817 : memref<8x1024xf32, #tpu.memory_space<vmem>>) dst(%dma_wait3A_813 : memref<8x1024xf32, #tpu.memory_space<hbm>>)
    %dma_wait3A_818 = arith.constant 0 : i32
    %dma_wait3A_819 = arith.constant 4 : i32
    %dma_wait3A_820 = arith.constant 4 : i32
    %dma_wait3A_821 = arith.constant 0 : i32
    %dma_wait3A_822 = arith.constant 0 : i32
    %dma_wait3A_823 = tpu.memref_slice %arg6[%dma_wait3A_819, %dma_wait3A_821, %dma_wait3A_822] : memref<8x8x1024xf32, #tpu.memory_space<vmem>> -> memref<1x8x1024xf32, #tpu.memory_space<vmem>>
    %dma_wait3A_824 = tpu.memref_squeeze %dma_wait3A_823 : memref<1x8x1024xf32, #tpu.memory_space<vmem>> -> memref<8x1024xf32, #tpu.memory_space<vmem>>
    %dma_wait3A_825 = arith.constant 0 : i32
    %dma_wait3A_826 = tpu.memref_slice %arg5[%dma_wait3A_818, %dma_wait3A_825] : memref<128x8xi32, #tpu.memory_space<vmem>> -> memref<1x8xi32, #tpu.memory_space<vmem>>
    %dma_wait3A_827 = tpu.memref_squeeze %dma_wait3A_826 : memref<1x8xi32, #tpu.memory_space<vmem>> -> memref<8xi32, #tpu.memory_space<vmem>>
    %dma_wait3A_828 = arith.constant 0 : i32
    %dma_wait3A_829 = arith.constant 0 : i32
    %dma_wait3A_830 = tpu.memref_slice %arg3[%dma_wait3A_828, %dma_wait3A_829] : memref<32768x1024xf32, #tpu.memory_space<hbm>> -> memref<32768x1024xf32, #tpu.memory_space<hbm>>
    %dma_wait3A_831 = tpu.memref_slice %arg7[%dma_wait3A_820] : memref<8x!tpu.dma_semaphore, #tpu.memory_space<semaphore_mem>> -> memref<1x!tpu.dma_semaphore, #tpu.memory_space<semaphore_mem>>
    %dma_wait3A_832 = tpu.memref_squeeze %dma_wait3A_831 : memref<1x!tpu.dma_semaphore, #tpu.memory_space<semaphore_mem>> -> memref<!tpu.dma_semaphore, #tpu.memory_space<semaphore_mem>>
    tpu.wait_indirect_dma semaphore(%dma_wait3A_832 : memref<!tpu.dma_semaphore, #tpu.memory_space<semaphore_mem>>) src(%dma_wait3A_830 : memref<32768x1024xf32, #tpu.memory_space<hbm>>) dst(%dma_wait3A_824 : memref<8x1024xf32, #tpu.memory_space<vmem>>)
    %add3A_833 = arith.constant 992 : i32
    %add3A_834 = arith.addi %mul3A_2, %add3A_833 : i32
    %dma_start3A_835 = arith.constant 4 : i32
    %dma_start3A_836 = arith.constant 4 : i32
    %dma_start3A_837 = arith.constant 0 : i32
    %dma_start3A_838 = arith.constant 0 : i32
    %dma_start3A_839 = tpu.memref_slice %arg6[%dma_start3A_835, %dma_start3A_837, %dma_start3A_838] : memref<8x8x1024xf32, #tpu.memory_space<vmem>> -> memref<1x8x1024xf32, #tpu.memory_space<vmem>>
    %dma_start3A_840 = tpu.memref_squeeze %dma_start3A_839 : memref<1x8x1024xf32, #tpu.memory_space<vmem>> -> memref<8x1024xf32, #tpu.memory_space<vmem>>
    %dma_start3A_841 = arith.constant 0 : i32
    %dma_start3A_842 = tpu.memref_slice %arg4[%add3A_834, %dma_start3A_841] : memref<32768x1024xf32, #tpu.memory_space<hbm>> -> memref<8x1024xf32, #tpu.memory_space<hbm>>
    %dma_start3A_843 = tpu.memref_slice %arg8[%dma_start3A_836] : memref<8x!tpu.dma_semaphore, #tpu.memory_space<semaphore_mem>> -> memref<1x!tpu.dma_semaphore, #tpu.memory_space<semaphore_mem>>
    %dma_start3A_844 = tpu.memref_squeeze %dma_start3A_843 : memref<1x!tpu.dma_semaphore, #tpu.memory_space<semaphore_mem>> -> memref<!tpu.dma_semaphore, #tpu.memory_space<semaphore_mem>>
    %dma_start3A_845 = arith.constant 0 : i32
    %dma_start3A_846 = tpu.memref_slice %arg4[%add3A_834, %dma_start3A_845] : memref<32768x1024xf32, #tpu.memory_space<hbm>> -> memref<8x1024xf32, #tpu.memory_space<hbm>>
    %dma_start3A_847 = arith.constant 0 : i32
    %dma_start3A_848 = arith.constant 0 : i32
    %dma_start3A_849 = tpu.memref_slice %arg6[%dma_start3A_835, %dma_start3A_847, %dma_start3A_848] : memref<8x8x1024xf32, #tpu.memory_space<vmem>> -> memref<1x8x1024xf32, #tpu.memory_space<vmem>>
    %dma_start3A_850 = tpu.memref_squeeze %dma_start3A_849 : memref<1x8x1024xf32, #tpu.memory_space<vmem>> -> memref<8x1024xf32, #tpu.memory_space<vmem>>
    tpu.enqueue_dma source(%dma_start3A_850 : memref<8x1024xf32, #tpu.memory_space<vmem>>) target(%dma_start3A_846 : memref<8x1024xf32, #tpu.memory_space<hbm>>) target_semaphore(%dma_start3A_844 : memref<!tpu.dma_semaphore, #tpu.memory_space<semaphore_mem>>)
    %dma_wait3A_851 = arith.constant 3 : i32
    %dma_wait3A_852 = arith.constant 3 : i32
    %dma_wait3A_853 = arith.constant 0 : i32
    %dma_wait3A_854 = arith.constant 0 : i32
    %dma_wait3A_855 = tpu.memref_slice %arg6[%dma_wait3A_851, %dma_wait3A_853, %dma_wait3A_854] : memref<8x8x1024xf32, #tpu.memory_space<vmem>> -> memref<1x8x1024xf32, #tpu.memory_space<vmem>>
    %dma_wait3A_856 = tpu.memref_squeeze %dma_wait3A_855 : memref<1x8x1024xf32, #tpu.memory_space<vmem>> -> memref<8x1024xf32, #tpu.memory_space<vmem>>
    %dma_wait3A_857 = arith.constant 0 : i32
    %dma_wait3A_858 = tpu.memref_slice %arg4[%mul3A_2, %dma_wait3A_857] : memref<32768x1024xf32, #tpu.memory_space<hbm>> -> memref<8x1024xf32, #tpu.memory_space<hbm>>
    %dma_wait3A_859 = tpu.memref_slice %arg8[%dma_wait3A_852] : memref<8x!tpu.dma_semaphore, #tpu.memory_space<semaphore_mem>> -> memref<1x!tpu.dma_semaphore, #tpu.memory_space<semaphore_mem>>
    %dma_wait3A_860 = tpu.memref_squeeze %dma_wait3A_859 : memref<1x!tpu.dma_semaphore, #tpu.memory_space<semaphore_mem>> -> memref<!tpu.dma_semaphore, #tpu.memory_space<semaphore_mem>>
    %dma_wait3A_861 = arith.constant 0 : i32
    %dma_wait3A_862 = tpu.memref_slice %arg4[%mul3A_2, %dma_wait3A_861] : memref<32768x1024xf32, #tpu.memory_space<hbm>> -> memref<8x1024xf32, #tpu.memory_space<hbm>>
    %dma_wait3A_863 = arith.constant 0 : i32
    %dma_wait3A_864 = arith.constant 0 : i32
    %dma_wait3A_865 = tpu.memref_slice %arg6[%dma_wait3A_851, %dma_wait3A_863, %dma_wait3A_864] : memref<8x8x1024xf32, #tpu.memory_space<vmem>> -> memref<1x8x1024xf32, #tpu.memory_space<vmem>>
    %dma_wait3A_866 = tpu.memref_squeeze %dma_wait3A_865 : memref<1x8x1024xf32, #tpu.memory_space<vmem>> -> memref<8x1024xf32, #tpu.memory_space<vmem>>
    tpu.wait_dma2 semaphore(%dma_wait3A_860 : memref<!tpu.dma_semaphore, #tpu.memory_space<semaphore_mem>>) src(%dma_wait3A_866 : memref<8x1024xf32, #tpu.memory_space<vmem>>) dst(%dma_wait3A_862 : memref<8x1024xf32, #tpu.memory_space<hbm>>)
    %dma_wait3A_867 = arith.constant 0 : i32
    %dma_wait3A_868 = arith.constant 5 : i32
    %dma_wait3A_869 = arith.constant 5 : i32
    %dma_wait3A_870 = arith.constant 0 : i32
    %dma_wait3A_871 = arith.constant 0 : i32
    %dma_wait3A_872 = tpu.memref_slice %arg6[%dma_wait3A_868, %dma_wait3A_870, %dma_wait3A_871] : memref<8x8x1024xf32, #tpu.memory_space<vmem>> -> memref<1x8x1024xf32, #tpu.memory_space<vmem>>
    %dma_wait3A_873 = tpu.memref_squeeze %dma_wait3A_872 : memref<1x8x1024xf32, #tpu.memory_space<vmem>> -> memref<8x1024xf32, #tpu.memory_space<vmem>>
    %dma_wait3A_874 = arith.constant 0 : i32
    %dma_wait3A_875 = tpu.memref_slice %arg5[%dma_wait3A_867, %dma_wait3A_874] : memref<128x8xi32, #tpu.memory_space<vmem>> -> memref<1x8xi32, #tpu.memory_space<vmem>>
    %dma_wait3A_876 = tpu.memref_squeeze %dma_wait3A_875 : memref<1x8xi32, #tpu.memory_space<vmem>> -> memref<8xi32, #tpu.memory_space<vmem>>
    %dma_wait3A_877 = arith.constant 0 : i32
    %dma_wait3A_878 = arith.constant 0 : i32
    %dma_wait3A_879 = tpu.memref_slice %arg3[%dma_wait3A_877, %dma_wait3A_878] : memref<32768x1024xf32, #tpu.memory_space<hbm>> -> memref<32768x1024xf32, #tpu.memory_space<hbm>>
    %dma_wait3A_880 = tpu.memref_slice %arg7[%dma_wait3A_869] : memref<8x!tpu.dma_semaphore, #tpu.memory_space<semaphore_mem>> -> memref<1x!tpu.dma_semaphore, #tpu.memory_space<semaphore_mem>>
    %dma_wait3A_881 = tpu.memref_squeeze %dma_wait3A_880 : memref<1x!tpu.dma_semaphore, #tpu.memory_space<semaphore_mem>> -> memref<!tpu.dma_semaphore, #tpu.memory_space<semaphore_mem>>
    tpu.wait_indirect_dma semaphore(%dma_wait3A_881 : memref<!tpu.dma_semaphore, #tpu.memory_space<semaphore_mem>>) src(%dma_wait3A_879 : memref<32768x1024xf32, #tpu.memory_space<hbm>>) dst(%dma_wait3A_873 : memref<8x1024xf32, #tpu.memory_space<vmem>>)
    %add3A_882 = arith.constant 1000 : i32
    %add3A_883 = arith.addi %mul3A_2, %add3A_882 : i32
    %dma_start3A_884 = arith.constant 5 : i32
    %dma_start3A_885 = arith.constant 5 : i32
    %dma_start3A_886 = arith.constant 0 : i32
    %dma_start3A_887 = arith.constant 0 : i32
    %dma_start3A_888 = tpu.memref_slice %arg6[%dma_start3A_884, %dma_start3A_886, %dma_start3A_887] : memref<8x8x1024xf32, #tpu.memory_space<vmem>> -> memref<1x8x1024xf32, #tpu.memory_space<vmem>>
    %dma_start3A_889 = tpu.memref_squeeze %dma_start3A_888 : memref<1x8x1024xf32, #tpu.memory_space<vmem>> -> memref<8x1024xf32, #tpu.memory_space<vmem>>
    %dma_start3A_890 = arith.constant 0 : i32
    %dma_start3A_891 = tpu.memref_slice %arg4[%add3A_883, %dma_start3A_890] : memref<32768x1024xf32, #tpu.memory_space<hbm>> -> memref<8x1024xf32, #tpu.memory_space<hbm>>
    %dma_start3A_892 = tpu.memref_slice %arg8[%dma_start3A_885] : memref<8x!tpu.dma_semaphore, #tpu.memory_space<semaphore_mem>> -> memref<1x!tpu.dma_semaphore, #tpu.memory_space<semaphore_mem>>
    %dma_start3A_893 = tpu.memref_squeeze %dma_start3A_892 : memref<1x!tpu.dma_semaphore, #tpu.memory_space<semaphore_mem>> -> memref<!tpu.dma_semaphore, #tpu.memory_space<semaphore_mem>>
    %dma_start3A_894 = arith.constant 0 : i32
    %dma_start3A_895 = tpu.memref_slice %arg4[%add3A_883, %dma_start3A_894] : memref<32768x1024xf32, #tpu.memory_space<hbm>> -> memref<8x1024xf32, #tpu.memory_space<hbm>>
    %dma_start3A_896 = arith.constant 0 : i32
    %dma_start3A_897 = arith.constant 0 : i32
    %dma_start3A_898 = tpu.memref_slice %arg6[%dma_start3A_884, %dma_start3A_896, %dma_start3A_897] : memref<8x8x1024xf32, #tpu.memory_space<vmem>> -> memref<1x8x1024xf32, #tpu.memory_space<vmem>>
    %dma_start3A_899 = tpu.memref_squeeze %dma_start3A_898 : memref<1x8x1024xf32, #tpu.memory_space<vmem>> -> memref<8x1024xf32, #tpu.memory_space<vmem>>
    tpu.enqueue_dma source(%dma_start3A_899 : memref<8x1024xf32, #tpu.memory_space<vmem>>) target(%dma_start3A_895 : memref<8x1024xf32, #tpu.memory_space<hbm>>) target_semaphore(%dma_start3A_893 : memref<!tpu.dma_semaphore, #tpu.memory_space<semaphore_mem>>)
    %dma_wait3A_900 = arith.constant 4 : i32
    %dma_wait3A_901 = arith.constant 4 : i32
    %dma_wait3A_902 = arith.constant 0 : i32
    %dma_wait3A_903 = arith.constant 0 : i32
    %dma_wait3A_904 = tpu.memref_slice %arg6[%dma_wait3A_900, %dma_wait3A_902, %dma_wait3A_903] : memref<8x8x1024xf32, #tpu.memory_space<vmem>> -> memref<1x8x1024xf32, #tpu.memory_space<vmem>>
    %dma_wait3A_905 = tpu.memref_squeeze %dma_wait3A_904 : memref<1x8x1024xf32, #tpu.memory_space<vmem>> -> memref<8x1024xf32, #tpu.memory_space<vmem>>
    %dma_wait3A_906 = arith.constant 0 : i32
    %dma_wait3A_907 = tpu.memref_slice %arg4[%mul3A_2, %dma_wait3A_906] : memref<32768x1024xf32, #tpu.memory_space<hbm>> -> memref<8x1024xf32, #tpu.memory_space<hbm>>
    %dma_wait3A_908 = tpu.memref_slice %arg8[%dma_wait3A_901] : memref<8x!tpu.dma_semaphore, #tpu.memory_space<semaphore_mem>> -> memref<1x!tpu.dma_semaphore, #tpu.memory_space<semaphore_mem>>
    %dma_wait3A_909 = tpu.memref_squeeze %dma_wait3A_908 : memref<1x!tpu.dma_semaphore, #tpu.memory_space<semaphore_mem>> -> memref<!tpu.dma_semaphore, #tpu.memory_space<semaphore_mem>>
    %dma_wait3A_910 = arith.constant 0 : i32
    %dma_wait3A_911 = tpu.memref_slice %arg4[%mul3A_2, %dma_wait3A_910] : memref<32768x1024xf32, #tpu.memory_space<hbm>> -> memref<8x1024xf32, #tpu.memory_space<hbm>>
    %dma_wait3A_912 = arith.constant 0 : i32
    %dma_wait3A_913 = arith.constant 0 : i32
    %dma_wait3A_914 = tpu.memref_slice %arg6[%dma_wait3A_900, %dma_wait3A_912, %dma_wait3A_913] : memref<8x8x1024xf32, #tpu.memory_space<vmem>> -> memref<1x8x1024xf32, #tpu.memory_space<vmem>>
    %dma_wait3A_915 = tpu.memref_squeeze %dma_wait3A_914 : memref<1x8x1024xf32, #tpu.memory_space<vmem>> -> memref<8x1024xf32, #tpu.memory_space<vmem>>
    tpu.wait_dma2 semaphore(%dma_wait3A_909 : memref<!tpu.dma_semaphore, #tpu.memory_space<semaphore_mem>>) src(%dma_wait3A_915 : memref<8x1024xf32, #tpu.memory_space<vmem>>) dst(%dma_wait3A_911 : memref<8x1024xf32, #tpu.memory_space<hbm>>)
    %dma_wait3A_916 = arith.constant 0 : i32
    %dma_wait3A_917 = arith.constant 6 : i32
    %dma_wait3A_918 = arith.constant 6 : i32
    %dma_wait3A_919 = arith.constant 0 : i32
    %dma_wait3A_920 = arith.constant 0 : i32
    %dma_wait3A_921 = tpu.memref_slice %arg6[%dma_wait3A_917, %dma_wait3A_919, %dma_wait3A_920] : memref<8x8x1024xf32, #tpu.memory_space<vmem>> -> memref<1x8x1024xf32, #tpu.memory_space<vmem>>
    %dma_wait3A_922 = tpu.memref_squeeze %dma_wait3A_921 : memref<1x8x1024xf32, #tpu.memory_space<vmem>> -> memref<8x1024xf32, #tpu.memory_space<vmem>>
    %dma_wait3A_923 = arith.constant 0 : i32
    %dma_wait3A_924 = tpu.memref_slice %arg5[%dma_wait3A_916, %dma_wait3A_923] : memref<128x8xi32, #tpu.memory_space<vmem>> -> memref<1x8xi32, #tpu.memory_space<vmem>>
    %dma_wait3A_925 = tpu.memref_squeeze %dma_wait3A_924 : memref<1x8xi32, #tpu.memory_space<vmem>> -> memref<8xi32, #tpu.memory_space<vmem>>
    %dma_wait3A_926 = arith.constant 0 : i32
    %dma_wait3A_927 = arith.constant 0 : i32
    %dma_wait3A_928 = tpu.memref_slice %arg3[%dma_wait3A_926, %dma_wait3A_927] : memref<32768x1024xf32, #tpu.memory_space<hbm>> -> memref<32768x1024xf32, #tpu.memory_space<hbm>>
    %dma_wait3A_929 = tpu.memref_slice %arg7[%dma_wait3A_918] : memref<8x!tpu.dma_semaphore, #tpu.memory_space<semaphore_mem>> -> memref<1x!tpu.dma_semaphore, #tpu.memory_space<semaphore_mem>>
    %dma_wait3A_930 = tpu.memref_squeeze %dma_wait3A_929 : memref<1x!tpu.dma_semaphore, #tpu.memory_space<semaphore_mem>> -> memref<!tpu.dma_semaphore, #tpu.memory_space<semaphore_mem>>
    tpu.wait_indirect_dma semaphore(%dma_wait3A_930 : memref<!tpu.dma_semaphore, #tpu.memory_space<semaphore_mem>>) src(%dma_wait3A_928 : memref<32768x1024xf32, #tpu.memory_space<hbm>>) dst(%dma_wait3A_922 : memref<8x1024xf32, #tpu.memory_space<vmem>>)
    %add3A_931 = arith.constant 1008 : i32
    %add3A_932 = arith.addi %mul3A_2, %add3A_931 : i32
    %dma_start3A_933 = arith.constant 6 : i32
    %dma_start3A_934 = arith.constant 6 : i32
    %dma_start3A_935 = arith.constant 0 : i32
    %dma_start3A_936 = arith.constant 0 : i32
    %dma_start3A_937 = tpu.memref_slice %arg6[%dma_start3A_933, %dma_start3A_935, %dma_start3A_936] : memref<8x8x1024xf32, #tpu.memory_space<vmem>> -> memref<1x8x1024xf32, #tpu.memory_space<vmem>>
    %dma_start3A_938 = tpu.memref_squeeze %dma_start3A_937 : memref<1x8x1024xf32, #tpu.memory_space<vmem>> -> memref<8x1024xf32, #tpu.memory_space<vmem>>
    %dma_start3A_939 = arith.constant 0 : i32
    %dma_start3A_940 = tpu.memref_slice %arg4[%add3A_932, %dma_start3A_939] : memref<32768x1024xf32, #tpu.memory_space<hbm>> -> memref<8x1024xf32, #tpu.memory_space<hbm>>
    %dma_start3A_941 = tpu.memref_slice %arg8[%dma_start3A_934] : memref<8x!tpu.dma_semaphore, #tpu.memory_space<semaphore_mem>> -> memref<1x!tpu.dma_semaphore, #tpu.memory_space<semaphore_mem>>
    %dma_start3A_942 = tpu.memref_squeeze %dma_start3A_941 : memref<1x!tpu.dma_semaphore, #tpu.memory_space<semaphore_mem>> -> memref<!tpu.dma_semaphore, #tpu.memory_space<semaphore_mem>>
    %dma_start3A_943 = arith.constant 0 : i32
    %dma_start3A_944 = tpu.memref_slice %arg4[%add3A_932, %dma_start3A_943] : memref<32768x1024xf32, #tpu.memory_space<hbm>> -> memref<8x1024xf32, #tpu.memory_space<hbm>>
    %dma_start3A_945 = arith.constant 0 : i32
    %dma_start3A_946 = arith.constant 0 : i32
    %dma_start3A_947 = tpu.memref_slice %arg6[%dma_start3A_933, %dma_start3A_945, %dma_start3A_946] : memref<8x8x1024xf32, #tpu.memory_space<vmem>> -> memref<1x8x1024xf32, #tpu.memory_space<vmem>>
    %dma_start3A_948 = tpu.memref_squeeze %dma_start3A_947 : memref<1x8x1024xf32, #tpu.memory_space<vmem>> -> memref<8x1024xf32, #tpu.memory_space<vmem>>
    tpu.enqueue_dma source(%dma_start3A_948 : memref<8x1024xf32, #tpu.memory_space<vmem>>) target(%dma_start3A_944 : memref<8x1024xf32, #tpu.memory_space<hbm>>) target_semaphore(%dma_start3A_942 : memref<!tpu.dma_semaphore, #tpu.memory_space<semaphore_mem>>)
    %dma_wait3A_949 = arith.constant 5 : i32
    %dma_wait3A_950 = arith.constant 5 : i32
    %dma_wait3A_951 = arith.constant 0 : i32
    %dma_wait3A_952 = arith.constant 0 : i32
    %dma_wait3A_953 = tpu.memref_slice %arg6[%dma_wait3A_949, %dma_wait3A_951, %dma_wait3A_952] : memref<8x8x1024xf32, #tpu.memory_space<vmem>> -> memref<1x8x1024xf32, #tpu.memory_space<vmem>>
    %dma_wait3A_954 = tpu.memref_squeeze %dma_wait3A_953 : memref<1x8x1024xf32, #tpu.memory_space<vmem>> -> memref<8x1024xf32, #tpu.memory_space<vmem>>
    %dma_wait3A_955 = arith.constant 0 : i32
    %dma_wait3A_956 = tpu.memref_slice %arg4[%mul3A_2, %dma_wait3A_955] : memref<32768x1024xf32, #tpu.memory_space<hbm>> -> memref<8x1024xf32, #tpu.memory_space<hbm>>
    %dma_wait3A_957 = tpu.memref_slice %arg8[%dma_wait3A_950] : memref<8x!tpu.dma_semaphore, #tpu.memory_space<semaphore_mem>> -> memref<1x!tpu.dma_semaphore, #tpu.memory_space<semaphore_mem>>
    %dma_wait3A_958 = tpu.memref_squeeze %dma_wait3A_957 : memref<1x!tpu.dma_semaphore, #tpu.memory_space<semaphore_mem>> -> memref<!tpu.dma_semaphore, #tpu.memory_space<semaphore_mem>>
    %dma_wait3A_959 = arith.constant 0 : i32
    %dma_wait3A_960 = tpu.memref_slice %arg4[%mul3A_2, %dma_wait3A_959] : memref<32768x1024xf32, #tpu.memory_space<hbm>> -> memref<8x1024xf32, #tpu.memory_space<hbm>>
    %dma_wait3A_961 = arith.constant 0 : i32
    %dma_wait3A_962 = arith.constant 0 : i32
    %dma_wait3A_963 = tpu.memref_slice %arg6[%dma_wait3A_949, %dma_wait3A_961, %dma_wait3A_962] : memref<8x8x1024xf32, #tpu.memory_space<vmem>> -> memref<1x8x1024xf32, #tpu.memory_space<vmem>>
    %dma_wait3A_964 = tpu.memref_squeeze %dma_wait3A_963 : memref<1x8x1024xf32, #tpu.memory_space<vmem>> -> memref<8x1024xf32, #tpu.memory_space<vmem>>
    tpu.wait_dma2 semaphore(%dma_wait3A_958 : memref<!tpu.dma_semaphore, #tpu.memory_space<semaphore_mem>>) src(%dma_wait3A_964 : memref<8x1024xf32, #tpu.memory_space<vmem>>) dst(%dma_wait3A_960 : memref<8x1024xf32, #tpu.memory_space<hbm>>)
    %dma_wait3A_965 = arith.constant 0 : i32
    %dma_wait3A_966 = arith.constant 7 : i32
    %dma_wait3A_967 = arith.constant 7 : i32
    %dma_wait3A_968 = arith.constant 0 : i32
    %dma_wait3A_969 = arith.constant 0 : i32
    %dma_wait3A_970 = tpu.memref_slice %arg6[%dma_wait3A_966, %dma_wait3A_968, %dma_wait3A_969] : memref<8x8x1024xf32, #tpu.memory_space<vmem>> -> memref<1x8x1024xf32, #tpu.memory_space<vmem>>
    %dma_wait3A_971 = tpu.memref_squeeze %dma_wait3A_970 : memref<1x8x1024xf32, #tpu.memory_space<vmem>> -> memref<8x1024xf32, #tpu.memory_space<vmem>>
    %dma_wait3A_972 = arith.constant 0 : i32
    %dma_wait3A_973 = tpu.memref_slice %arg5[%dma_wait3A_965, %dma_wait3A_972] : memref<128x8xi32, #tpu.memory_space<vmem>> -> memref<1x8xi32, #tpu.memory_space<vmem>>
    %dma_wait3A_974 = tpu.memref_squeeze %dma_wait3A_973 : memref<1x8xi32, #tpu.memory_space<vmem>> -> memref<8xi32, #tpu.memory_space<vmem>>
    %dma_wait3A_975 = arith.constant 0 : i32
    %dma_wait3A_976 = arith.constant 0 : i32
    %dma_wait3A_977 = tpu.memref_slice %arg3[%dma_wait3A_975, %dma_wait3A_976] : memref<32768x1024xf32, #tpu.memory_space<hbm>> -> memref<32768x1024xf32, #tpu.memory_space<hbm>>
    %dma_wait3A_978 = tpu.memref_slice %arg7[%dma_wait3A_967] : memref<8x!tpu.dma_semaphore, #tpu.memory_space<semaphore_mem>> -> memref<1x!tpu.dma_semaphore, #tpu.memory_space<semaphore_mem>>
    %dma_wait3A_979 = tpu.memref_squeeze %dma_wait3A_978 : memref<1x!tpu.dma_semaphore, #tpu.memory_space<semaphore_mem>> -> memref<!tpu.dma_semaphore, #tpu.memory_space<semaphore_mem>>
    tpu.wait_indirect_dma semaphore(%dma_wait3A_979 : memref<!tpu.dma_semaphore, #tpu.memory_space<semaphore_mem>>) src(%dma_wait3A_977 : memref<32768x1024xf32, #tpu.memory_space<hbm>>) dst(%dma_wait3A_971 : memref<8x1024xf32, #tpu.memory_space<vmem>>)
    %add3A_980 = arith.constant 1016 : i32
    %add3A_981 = arith.addi %mul3A_2, %add3A_980 : i32
    %dma_start3A_982 = arith.constant 7 : i32
    %dma_start3A_983 = arith.constant 7 : i32
    %dma_start3A_984 = arith.constant 0 : i32
    %dma_start3A_985 = arith.constant 0 : i32
    %dma_start3A_986 = tpu.memref_slice %arg6[%dma_start3A_982, %dma_start3A_984, %dma_start3A_985] : memref<8x8x1024xf32, #tpu.memory_space<vmem>> -> memref<1x8x1024xf32, #tpu.memory_space<vmem>>
    %dma_start3A_987 = tpu.memref_squeeze %dma_start3A_986 : memref<1x8x1024xf32, #tpu.memory_space<vmem>> -> memref<8x1024xf32, #tpu.memory_space<vmem>>
    %dma_start3A_988 = arith.constant 0 : i32
    %dma_start3A_989 = tpu.memref_slice %arg4[%add3A_981, %dma_start3A_988] : memref<32768x1024xf32, #tpu.memory_space<hbm>> -> memref<8x1024xf32, #tpu.memory_space<hbm>>
    %dma_start3A_990 = tpu.memref_slice %arg8[%dma_start3A_983] : memref<8x!tpu.dma_semaphore, #tpu.memory_space<semaphore_mem>> -> memref<1x!tpu.dma_semaphore, #tpu.memory_space<semaphore_mem>>
    %dma_start3A_991 = tpu.memref_squeeze %dma_start3A_990 : memref<1x!tpu.dma_semaphore, #tpu.memory_space<semaphore_mem>> -> memref<!tpu.dma_semaphore, #tpu.memory_space<semaphore_mem>>
    %dma_start3A_992 = arith.constant 0 : i32
    %dma_start3A_993 = tpu.memref_slice %arg4[%add3A_981, %dma_start3A_992] : memref<32768x1024xf32, #tpu.memory_space<hbm>> -> memref<8x1024xf32, #tpu.memory_space<hbm>>
    %dma_start3A_994 = arith.constant 0 : i32
    %dma_start3A_995 = arith.constant 0 : i32
    %dma_start3A_996 = tpu.memref_slice %arg6[%dma_start3A_982, %dma_start3A_994, %dma_start3A_995] : memref<8x8x1024xf32, #tpu.memory_space<vmem>> -> memref<1x8x1024xf32, #tpu.memory_space<vmem>>
    %dma_start3A_997 = tpu.memref_squeeze %dma_start3A_996 : memref<1x8x1024xf32, #tpu.memory_space<vmem>> -> memref<8x1024xf32, #tpu.memory_space<vmem>>
    tpu.enqueue_dma source(%dma_start3A_997 : memref<8x1024xf32, #tpu.memory_space<vmem>>) target(%dma_start3A_993 : memref<8x1024xf32, #tpu.memory_space<hbm>>) target_semaphore(%dma_start3A_991 : memref<!tpu.dma_semaphore, #tpu.memory_space<semaphore_mem>>)
    %dma_wait3A_998 = arith.constant 6 : i32
    %dma_wait3A_999 = arith.constant 6 : i32
    %dma_wait3A_1000 = arith.constant 0 : i32
    %dma_wait3A_1001 = arith.constant 0 : i32
    %dma_wait3A_1002 = tpu.memref_slice %arg6[%dma_wait3A_998, %dma_wait3A_1000, %dma_wait3A_1001] : memref<8x8x1024xf32, #tpu.memory_space<vmem>> -> memref<1x8x1024xf32, #tpu.memory_space<vmem>>
    %dma_wait3A_1003 = tpu.memref_squeeze %dma_wait3A_1002 : memref<1x8x1024xf32, #tpu.memory_space<vmem>> -> memref<8x1024xf32, #tpu.memory_space<vmem>>
    %dma_wait3A_1004 = arith.constant 0 : i32
    %dma_wait3A_1005 = tpu.memref_slice %arg4[%mul3A_2, %dma_wait3A_1004] : memref<32768x1024xf32, #tpu.memory_space<hbm>> -> memref<8x1024xf32, #tpu.memory_space<hbm>>
    %dma_wait3A_1006 = tpu.memref_slice %arg8[%dma_wait3A_999] : memref<8x!tpu.dma_semaphore, #tpu.memory_space<semaphore_mem>> -> memref<1x!tpu.dma_semaphore, #tpu.memory_space<semaphore_mem>>
    %dma_wait3A_1007 = tpu.memref_squeeze %dma_wait3A_1006 : memref<1x!tpu.dma_semaphore, #tpu.memory_space<semaphore_mem>> -> memref<!tpu.dma_semaphore, #tpu.memory_space<semaphore_mem>>
    %dma_wait3A_1008 = arith.constant 0 : i32
    %dma_wait3A_1009 = tpu.memref_slice %arg4[%mul3A_2, %dma_wait3A_1008] : memref<32768x1024xf32, #tpu.memory_space<hbm>> -> memref<8x1024xf32, #tpu.memory_space<hbm>>
    %dma_wait3A_1010 = arith.constant 0 : i32
    %dma_wait3A_1011 = arith.constant 0 : i32
    %dma_wait3A_1012 = tpu.memref_slice %arg6[%dma_wait3A_998, %dma_wait3A_1010, %dma_wait3A_1011] : memref<8x8x1024xf32, #tpu.memory_space<vmem>> -> memref<1x8x1024xf32, #tpu.memory_space<vmem>>
    %dma_wait3A_1013 = tpu.memref_squeeze %dma_wait3A_1012 : memref<1x8x1024xf32, #tpu.memory_space<vmem>> -> memref<8x1024xf32, #tpu.memory_space<vmem>>
    tpu.wait_dma2 semaphore(%dma_wait3A_1007 : memref<!tpu.dma_semaphore, #tpu.memory_space<semaphore_mem>>) src(%dma_wait3A_1013 : memref<8x1024xf32, #tpu.memory_space<vmem>>) dst(%dma_wait3A_1009 : memref<8x1024xf32, #tpu.memory_space<hbm>>)
    %dma_wait3A_1014 = arith.constant 7 : i32
    %dma_wait3A_1015 = arith.constant 7 : i32
    %dma_wait3A_1016 = arith.constant 0 : i32
    %dma_wait3A_1017 = arith.constant 0 : i32
    %dma_wait3A_1018 = tpu.memref_slice %arg6[%dma_wait3A_1014, %dma_wait3A_1016, %dma_wait3A_1017] : memref<8x8x1024xf32, #tpu.memory_space<vmem>> -> memref<1x8x1024xf32, #tpu.memory_space<vmem>>
    %dma_wait3A_1019 = tpu.memref_squeeze %dma_wait3A_1018 : memref<1x8x1024xf32, #tpu.memory_space<vmem>> -> memref<8x1024xf32, #tpu.memory_space<vmem>>
    %dma_wait3A_1020 = arith.constant 0 : i32
    %dma_wait3A_1021 = tpu.memref_slice %arg4[%mul3A_2, %dma_wait3A_1020] : memref<32768x1024xf32, #tpu.memory_space<hbm>> -> memref<8x1024xf32, #tpu.memory_space<hbm>>
    %dma_wait3A_1022 = tpu.memref_slice %arg8[%dma_wait3A_1015] : memref<8x!tpu.dma_semaphore, #tpu.memory_space<semaphore_mem>> -> memref<1x!tpu.dma_semaphore, #tpu.memory_space<semaphore_mem>>
    %dma_wait3A_1023 = tpu.memref_squeeze %dma_wait3A_1022 : memref<1x!tpu.dma_semaphore, #tpu.memory_space<semaphore_mem>> -> memref<!tpu.dma_semaphore, #tpu.memory_space<semaphore_mem>>
    %dma_wait3A_1024 = arith.constant 0 : i32
    %dma_wait3A_1025 = tpu.memref_slice %arg4[%mul3A_2, %dma_wait3A_1024] : memref<32768x1024xf32, #tpu.memory_space<hbm>> -> memref<8x1024xf32, #tpu.memory_space<hbm>>
    %dma_wait3A_1026 = arith.constant 0 : i32
    %dma_wait3A_1027 = arith.constant 0 : i32
    %dma_wait3A_1028 = tpu.memref_slice %arg6[%dma_wait3A_1014, %dma_wait3A_1026, %dma_wait3A_1027] : memref<8x8x1024xf32, #tpu.memory_space<vmem>> -> memref<1x8x1024xf32, #tpu.memory_space<vmem>>
    %dma_wait3A_1029 = tpu.memref_squeeze %dma_wait3A_1028 : memref<1x8x1024xf32, #tpu.memory_space<vmem>> -> memref<8x1024xf32, #tpu.memory_space<vmem>>
    tpu.wait_dma2 semaphore(%dma_wait3A_1023 : memref<!tpu.dma_semaphore, #tpu.memory_space<semaphore_mem>>) src(%dma_wait3A_1029 : memref<8x1024xf32, #tpu.memory_space<vmem>>) dst(%dma_wait3A_1025 : memref<8x1024xf32, #tpu.memory_space<hbm>>)
    return
  }
}

</mosaic_0001>

<sc_bundles>
// kernel: kernel.3.cloned.1.call-start
scs
__scs_entry_jumppad:
0x0: {  	(pc) =	sbr.rel $0x88, $3  }
0x1: {  	(tag) =	ssettag $0x0;
	lr =	simm.s32 $0x1  }
0x2: {  	[smem:$0x3F9F] =	sst lr;
	_ =	strace $0xD0000000  }
0x3: {  	_ = 	snop  }
0x4: {  	_ = 	snop  }
0x5: {  	_ = 	snop  }
0x6: {  	_ = 	snop  }
0x7: {  	_ = 	snop  }
__scs_overlays_trampoline_lowered:
0x8: {  	[smem:$0x3FAE] =	sst s0  }
0x9: {  	[smem:$0x3FAF] =	sst s1  }
0xa: {  	[smem:$0x3FB0] =	sst s2  }
0xb: {  	[smem:$0x3FB1] =	sst s3  }
0xc: {  	[smem:$0x3FB2] =	sst s4  }
0xd: {  	[smem:$0x3FB3] =	sst s5  }
0xe: {  	[smem:$0x3FB4] =	sst s6  }
0xf: {  	[smem:$0x3FB5] =	sst s7  }
0x10: {  	[smem:$0x3FB6] =	sst s8  }
0x11: {  	[smem:$0x3FB7] =	sst s9;
	s0 =	simm.s32 @!p0 $0x0  }
0x12: {  	s1 =	sld [smem:$0x3F9D];
	s0 =	simm.s32 @p0 $0x1  }
0x13: {  	[smem:$0x3FB8] =	sst s0;
	s0 =	simm.s32 @!p1 $0x0  }
0x14: {  	s2 =	sld [smem:$0x3F9C];
	s0 =	simm.s32 @p1 $0x1  }
0x15: {  	[smem:$0x3FB9] =	sst s0;
	s0 =	simm.s32 @!p2 $0x0  }
0x16: {  	s3 =	sld [smem:$0x3FDB];
	s0 =	simm.s32 @p2 $0x1  }
0x17: {  	s4 =	simm.s32 $0x1BF5;
	[smem:$0x3FBB] =	sst s0  }
0x18: {  	s0 =	sld [smem:$0x3F9E];
	_ =	swait.ge [sflag:s4], $0x0  }
0x19: {  	s7 =	sld [smem:$0x3F9F]  }
0x1a: {  	s8 =	sadd.s32 $0xFFFFE003, lr  }
0x1b: {  	s9 =	sadd.s32 $0xFFFFFEF7, lr;
	s5 =	simm.s32 $0xFFFFFFFF;
	p2 =	slt.u32 s8, $0xFFFFF086  }
0x1c: {  	p1 =	slt.u32 s9, $0xF7A;
	s5 =	simm.s32 @!p2 $0x0  }
0x1d: {  	s5 =	simm.s32 @p1 $0x1;
	p0 =	seq.s32 s7, s2  }
0x1e: {  	s7 =	smul.u32 @!p0 $0xF7A, s2;
	p2 =	seq.s32 @!p0 s5, $0x0  }
0x1f: {  	s9 =	smul.u32 $0xF7A, s1;
	s8 =	simm.s32 @!p0 $0x1BF5;
	p2 =	por !p2, p0  }
0x20: {  	[sflag:s8] =	ssyncset.s32 @!p0 $0xFFFFF086;
	s6 =	sadd.s32 @!p0 s3, s7;
	s7 =	simm.s32 @!p0 $0x108  }
0x21: {  	s3 =	sadd.s32 s3, s9;
	s6 =	sadd.s32 @!p0 $0x88, s6;
	s7 =	simm.s32 @p2 $0x1082  }
0x22: {  	[simem:s7], [sflag:s8] =	dma.local @!p0 [hbm:s6], $0xF7A  }
0x23: {  	s9 =	sor.u32 $0xD0000000, s2;
	s6 =	simm.s32 $0x108;
	_ =	swait.ge @!p0 [sflag:s8], $0x0  }
0x24: {  	s3 =	sadd.s32 $0x88, s3;
	s6 =	simm.s32 @!p1 $0x1082;
	[sflag:s4] =	ssyncset.s32 $0xFFFFF086  }
0x25: {  	[simem:s6], [sflag:s4] =	dma.local [hbm:s3], $0xF7A  }
0x26: {  	[smem:$0x3F9F] =	sst s1;
	(tag) =	ssettag s2;
	_ =	strace s9  }
0x27: {  	s1 =	sld [smem:$0x3FAF]  }
0x28: {  	s2 =	sld [smem:$0x3FB0]  }
0x29: {  	s4 =	sld [smem:$0x3FB2]  }
0x2a: {  	p0 =	seq.s32 s5, $0x0;
	s5 =	sld [smem:$0x3FB3]  }
0x2b: {  	s6 =	sld [smem:$0x3FB4]  }
0x2c: {  	s7 =	sld [smem:$0x3FB5]  }
0x2d: {  	s3 =	simm.s32 $0x108;
	s8 =	sld [smem:$0x3FB6]  }
0x2e: {  	s3 =	simm.s32 @!p0 $0x1082;
	s9 =	sld [smem:$0x3FB7]  }
0x2f: {  	lr =	sadd.s32 s0, s3;
	s0 =	sld [smem:$0x3FAE]  }
0x30: {  	s3 =	sld [smem:$0x3FB1]  }
0x31: {  	[smem:$0x3FBA] =	sst s10  }
0x32: {  	s10 =	sld [smem:$0x3FB8];
	_ =	sdelay $0x3  }
0x33: {  	p0 =	seq.s32 s10, $0x1;
	s10 =	sld [smem:$0x3FBA];
	_ =	sdelay $0x3  }
0x34: {  	[smem:$0x3FBA] =	sst s10  }
0x35: {  	s10 =	sld [smem:$0x3FB9];
	_ =	sdelay $0x3  }
0x36: {  	p1 =	seq.s32 s10, $0x1;
	s10 =	sld [smem:$0x3FBA];
	_ =	sdelay $0x3  }
0x37: {  	[smem:$0x3FBA] =	sst s10  }
0x38: {  	s10 =	sld [smem:$0x3FBB]  }
0x39: {  	_ = 	snop;
	(pc) =	sbr.ind lr, $3  }
0x3a: {  	_ = 	snop  }
0x3b: {  	_ = 	snop  }
0x3c: {  	p2 =	seq.s32 s10, $0x1;
	s10 =	sld [smem:$0x3FBA]  }
0x3d: {  	_ =	shalt  }
0x3e: {  	_ =	shalt  }
0x3f: {  	_ =	shalt  }
0x40: {  	_ =	shalt  }
0x41: {  	_ =	shalt  }
0x42: {  	_ =	shalt  }
0x43: {  	_ =	shalt  }
0x44: {  	_ =	shalt  }
0x45: {  	_ =	shalt  }
0x46: {  	_ =	shalt  }
0x47: {  	_ =	shalt  }
0x48: {  	_ =	shalt  }
0x49: {  	_ =	shalt  }
0x4a: {  	_ =	shalt  }
0x4b: {  	_ =	shalt  }
0x4c: {  	_ =	shalt  }
0x4d: {  	_ =	shalt  }
0x4e: {  	_ =	shalt  }
0x4f: {  	_ =	shalt  }
0x50: {  	_ =	shalt  }
0x51: {  	_ =	shalt  }
0x52: {  	_ =	shalt  }
0x53: {  	_ =	shalt  }
0x54: {  	_ =	shalt  }
0x55: {  	_ =	shalt  }
0x56: {  	_ =	shalt  }
0x57: {  	_ =	shalt  }
0x58: {  	_ =	shalt  }
0x59: {  	_ =	shalt  }
0x5a: {  	_ =	shalt  }
0x5b: {  	_ =	shalt  }
0x5c: {  	_ =	shalt  }
0x5d: {  	_ =	shalt  }
0x5e: {  	_ =	shalt  }
0x5f: {  	_ =	shalt  }
0x60: {  	_ =	shalt  }
0x61: {  	_ =	shalt  }
0x62: {  	_ =	shalt  }
0x63: {  	_ =	shalt  }
0x64: {  	_ =	shalt  }
0x65: {  	_ =	shalt  }
0x66: {  	_ =	shalt  }
0x67: {  	_ =	shalt  }
0x68: {  	_ =	shalt  }
0x69: {  	_ =	shalt  }
0x6a: {  	_ =	shalt  }
0x6b: {  	_ =	shalt  }
0x6c: {  	_ =	shalt  }
0x6d: {  	_ =	shalt  }
0x6e: {  	_ =	shalt  }
0x6f: {  	_ =	shalt  }
0x70: {  	_ =	shalt  }
0x71: {  	_ =	shalt  }
0x72: {  	_ =	shalt  }
0x73: {  	_ =	shalt  }
0x74: {  	_ =	shalt  }
0x75: {  	_ =	shalt  }
0x76: {  	_ =	shalt  }
0x77: {  	_ =	shalt  }
0x78: {  	_ =	shalt  }
0x79: {  	_ =	shalt  }
0x7a: {  	_ =	shalt  }
0x7b: {  	_ =	shalt  }
0x7c: {  	_ =	shalt  }
0x7d: {  	_ =	shalt  }
0x7e: {  	_ =	shalt  }
0x7f: {  	_ =	shalt  }
0x80: {  	_ =	shalt  }
0x81: {  	_ =	shalt  }
0x82: {  	_ =	shalt  }
0x83: {  	_ =	shalt  }
0x84: {  	_ =	shalt  }
0x85: {  	_ =	shalt  }
0x86: {  	_ =	shalt  }
0x87: {  	_ =	shalt  }
.Lfunc_end0:
.L_simem_size_0:
called_computation_lowered:
.L_overlay_start_0:
0x88: {  	s2 =	sld [smem:$0x3FD9]  }
0x89: {  	s3 =	sld [smem:$0x3FFE];
	_ =	sdelay $0x1  }
0x8a: {  	s1 =	srdreg.scid  }
0x8b: {  	s0 =	sand.u32 $0x1, s1  }
0x8c: {  	s17 =	sshll.u32 s0, $0xA;
	s2 =	sadd.s32 s3, s2  }
0x8d: {  	s2 =	sadd.s32 s2, s17  }
0x8e: {  	[smem:$0x3FC6] =	sst s2  }
0x8f: {  	_ = 	snop  }
0x90: {  	s2 =	sld [smem:$0x3FC8]  }
0x91: {  	s18 =	sld [smem:$0x3FD0];
	(tm) =	ssettm $0x1  }
0x92: {  	s4 =	sld [smem:$0x3FFB];
	_ =	sdelay $0x3  }
0x93: {  	_ =	strace s4  }
0x94: {  	s4 =	sld [smem:$0x3FFC];
	_ =	sdelay $0x3  }
0x95: {  	_ =	strace s4  }
0x96: {  	s4 =	sld [smem:$0x3FFD];
	_ =	sdelay $0x3  }
0x97: {  	_ =	strace s4  }
0x98: {  	_ =	strace $0x8FFFFFFF  }
0x99: {  	s19 =	sld [smem:$0x3FDB];
	_ =	sdelay $0x1  }
0x9a: {  	s5 =	simm.s32 $_scs_section_size  }
0x9b: {  	s6 =	simm.s32 $_size__tile_overlayer_lowered;
	s7 =	simm.s32 $_tile_overlayer_lowered  }
0x9c: {  	s22 =	simm.s32 $0x1BFF;
	s21 =	sshll.u32 s7, $0x1;
	s4 =	sadd.s32 s5, s19  }
0x9d: {  	s8 =	simm.s32 $0x0;
	s20 =	sshll.u32 s6, $0x1;
	s6 =	sadd.s32 s21, s4  }
0x9e: {  	[timem:s8], [sflag:s22] =	dma.local [hbm:s6], s20  }
0x9f: {  	_ =	swait.ge [sflag:s22], s20  }
0xa0: {  	s5 =	ssub.s32 $0x0, s20;
	[sflag:s22] =	ssyncset.done $0x0  }
0xa1: {  	[sflag:s22] =	ssyncadd.s32 s5;
	_ =	sdelay $0x1  }
0xa2: {  	s23 =	simm.s32 $0x1B8B  }
0xa3: {  	_ =	swait.ge [sflag:s23], $0x1  }
0xa4: {  	[sflag:s23] =	ssyncset.done $0x0  }
0xa5: {  	s25 =	simm.s32 $0x1B8E;
	s24 =	sld [smem:$0x3FFE];
	[sflag:s23] =	ssyncadd.s32 $0xFFFFFFFF  }
0xa6: {  	s26 =	simm.s32 $execute0_lowered;
	[smem:$0x3FD2] =	sst s25  }
0xa7: {  	s6 =	sshll.u32 s26, $0x1;
	_ =	strace $0x80000046;
	[dreg:$0x1] =	wrdreg $0xFFFFFFFF  }
0xa8: {  	s28 =	simm.s32 $_size_execute0_lowered;
	s4 =	sadd.s32 s4, s6;
	[dreg:$0x0] =	wrdreg $0x0  }
0xa9: {  	s6 =	sshll.u32 s28, $0x1;
	[dreg:$0x2] =	wrdreg s4  }
0xaa: {  	[dreg:$0x3] =	wrdreg s6  }
0xab: {  	[dreg:$0x4] =	wrdreg $0xC0  }
0xac: {  	_ =	task [dreg:s8], $0x5FFFF  }
0xad: {  	[dreg:$0x1] =	wrdreg $0xFFFFFFFF  }
0xae: {  	[dreg:$0x0] =	wrdreg $0x60  }
0xaf: {  	[dreg:$0x2] =	wrdreg s24  }
0xb0: {  	[dreg:$0x3] =	wrdreg s2  }
0xb1: {  	[dreg:$0x4] =	wrdreg s18  }
0xb2: {  	[dreg:$0x5] =	wrdreg $0x9  }
0xb3: {  	_ =	task.clear_ibuf [dreg:s8], $0x6FFFF;
	_ =	strace $0x90000046  }
0xb4: {  	s29 =	simm.s32 $0x9;
	_ =	strace $0x80000048  }
0xb5: {  	_ =	swait.ge [sflag:s29], $0x1  }
0xb6: {  	[sflag:s29] =	ssyncadd.s32 $0xFFFFFFFF  }
0xb7: {  	_ =	strace $0x90000048  }
0xb8: {  	_ =	sfence  }
0xb9: {  	s30 =	sld [smem:$0x0];
	_ =	sdelay $0x2  }
0xba: {  	s31 =	sshll.u32 s1, $0xD;
	s1 =	sshrl.u32 s1, $0x2  }
0xbb: {  	s3 =	sand.u32 $0x4000, s31;
	s1 =	sadd.s32 s1, s30  }
0xbc: {  	s0 =	sor.u32 s3, s0;
	s1 =	sshll.u32 s1, $0x11  }
0xbd: {  	s0 =	sor.u32 s1, s0  }
0xbe: {  	s0 =	sadd.s32 $0x8F2B, s0  }
0xbf: {  	[sflag:s0] =	ssyncadd.remote.s32 $0x1  }
0xc0: {  	_ =	sfence.sel $0xFFFF  }
0xc1: {  	[dreg:$0x0] =	wrdreg $0xFFFFFFFF;
	(pc) =	sbr.abs _section_cstart, $3  }
0xc2: {  	[dreg:$0x1] =	wrdreg $0xFFFFFFFF  }
0xc3: {  	_ =	task.clear_ibuf [dreg:s8], $0x2FFFF;
	_ =	strace $0x9FFFFFFF  }
0xc4: {  	(tm) =	ssettm $0x7FFFFFFF  }
0xc5: {  	_ =	shalt  }
tec
execute0_lowered:
.L_overlay_start_1:
0x0: {  	(tag) =	ssettag $0x1  }
0x1: {  	s0 =	rddreg [dreg:$0x0]  }
0x2: {  	s2 =	rddreg [dreg:$0x1];
	s1 =	srdreg.scid  }
0x3: {  	s9 =	stileid.u32;
	s4 =	rddreg [dreg:$0x2]  }
0x4: {  	s3 =	simm.s32 $0x0;
	s1 =	sand.u32 $0x1, s1;
	s5 =	sshll.u32 s9, $0x1  }
0x5: {  	[smem:$0x7FF] =	sst s3;
	s5 =	sor.u32 s1, s5;
	s7 =	ssub.s32 $0x2, s1  }
0x6: {  	s6 =	sshll.u32 s5, $0xB;
	s10 =	sshrl.u32 s7, $0x1;
	s11 =	sshll.u32 s5, $0x11  }
0x7: {  	s0 =	sadd.s32 s6, s0;
	s7 =	ssub.s32 s7, s10;
	s10 =	sadd.s32 s4, s11  }
0x8: {  	_ =	strace $0x80000047;
	s0 =	sadd.s32 $0x400, s0;
	[dreg:$0x6] =	wrdreg s10  }
0x9: {  	s12 =	sadd.s32 $0x800, s10;
	[dreg:$0x5] =	wrdreg s0  }
0xa: {  	s13 =	sadd.s32 $0xC00, s10;
	[dreg:$0x8] =	wrdreg s12  }
0xb: {  	s14 =	sadd.s32 $0x1000, s10;
	[dreg:$0x9] =	wrdreg s13  }
0xc: {  	s15 =	sadd.s32 $0x1400, s10;
	[dreg:$0xa] =	wrdreg s14  }
0xd: {  	s30 =	simm.s32 $0xA800;
	s16 =	sadd.s32 $0x1800, s10;
	[dreg:$0xb] =	wrdreg s15  }
0xe: {  	s28 =	simm.s32 $0x8;
	s17 =	sadd.s32 $0x1C00, s10;
	[dreg:$0xc] =	wrdreg s16  }
0xf: {  	s29 =	simm.s32 $0xF;
	s18 =	sadd.s32 $0x1E000, s10;
	[dreg:$0xd] =	wrdreg s17  }
0x10: {  	s8 =	sadd.s32 $0x300, s2;
	s19 =	sadd.s32 $0x1E400, s10;
	[dreg:$0xe] =	wrdreg s18  }
0x11: {  	s24 =	sshll.u32 s9, $0x12;
	s20 =	sadd.s32 $0x1E800, s10;
	[dreg:$0xf] =	wrdreg s19  }
0x12: {  	s1 =	sshll.u32 s1, $0x11;
	s21 =	sadd.s32 $0x1EC00, s10;
	[dreg:$0x10] =	wrdreg s20  }
0x13: {  	s5 =	sadd.s32 $0x100, s2;
	s22 =	sadd.s32 $0x1F000, s10;
	[dreg:$0x11] =	wrdreg s21  }
0x14: {  	s6 =	sadd.s32 $0x200, s2;
	s23 =	sadd.s32 $0x1F400, s10;
	[dreg:$0x12] =	wrdreg s22  }
0x15: {  	s11 =	simm.s32 $0xD000;
	s25 =	sadd.s32 $0x1F800, s10;
	[dreg:$0x13] =	wrdreg s23  }
0x16: {  	s26 =	sadd.s32 $0x1FC00, s10;
	s31 =	smax.u32 s7, $0x1;
	[dreg:$0x14] =	wrdreg s25  }
0x17: {  	s7 =	simm.s32 $0x0;
	s0 =	sadd.s32 $0x400, s10;
	[dreg:$0x15] =	wrdreg s26  }
0x18: {  	[dreg:$0x16] =	wrdreg s31;
	s13 =	simm.s32 $0x4800;
	s10 =	simm.s32 $0x5000  }
0x19: {  	s17 =	simm.s32 $0x5800;
	s21 =	simm.s32 $0x7000;
	s26 =	simm.s32 $0x7800  }
0x1a: {  	s12 =	simm.s32 $0xC800;
	s14 =	simm.s32 $0xE800;
	s15 =	simm.s32 $0x10800  }
0x1b: {  	s19 =	simm.s32 $0x5;
	s20 =	simm.s32 $0xC;
	s22 =	simm.s32 $0x6  }
0x1c: {  	v0 =	vlaneseq.u32;
	s23 =	simm.s32 $0xD;
	[dreg:$0x7] =	wrdreg s0;
	s0 =	sadd.s32 s24, s4  }
0x1d: {  	v1 =	vshrl.u32 v0, $0x3;
	s25 =	simm.s32 $0xE;
	s24 =	simm.s32 $0x7;
	s0 =	sadd.s32 s1, s0  }
0x1e: {  	vm0 =	vmmov $0xffff;
	v0 =	vand.u32 $0x7, v0;
	v1 =	vmul.u32 $0x8, v1;
	s1 =	simm.s32 $0x6800;
	[dreg:$0x4] =	wrdreg s0;
	s0 =	simm.s32 $0x10  }
.LBB2_1:
0x1f: {  	[dreg:$0x17] =	wrdreg s7  }
0x20: {  	s4 =	rddreg [dreg:$0x5];
	s16 =	simm.s32 $0x11  }
0x21: {  	[tilespmem:s3], [sflag:$0x11] =	stream.linear.gather [hbm4b:s4+s3], $0x4000, $0x38;
	[tilespmem:$0x14000] =	vst v63  }
0x22: {  	_ =	swait.ge [sflag:s16], $0x4000  }
0x23: {  	[sflag:s16] =	ssyncset.done $0x0  }
0x24: {  	[sflag:s16] =	ssyncadd.s32 $0xFFFFC000  }
0x25: {  	v2 =	vld.msk [tilespmem:$0x0], $0xff;
	_ =	sdelay $0x4  }
0x26: {  	v3 =	vshll.u32 v2, $0x3  }
0x27: {  	v2 =	vand.u32 $0x7, v2;
	v3 =	vand.u32 $0xFFFFFFC0, v3  }
0x28: {  	v2 =	vor.u32 v2, v3  }
0x29: {  	v2 =	vperm.xlane v2, v0;
	_ =	sdelay $0x1  }
0x2a: {  	v2 =	vadd.s32 v1, v2;
	_ =	sdelay $0x3  }
0x2b: {  	s9 =	simm.s32 $0x4000  }
0x2c: {  	[tilespmem:s9], [sflag:$0x1] =	stream.indirect_vreg.gather [hbm4b:s2+s3], $0x80, v2, vm0, $0xb8;
	[tilespmem:$0x14000] =	vst v63  }
0x2d: {  	_ = 	snop  }
0x2e: {  	[tilespmem:s13], [sflag:$0x1] =	stream.indirect_vreg.gather [hbm4b:s5+s3], $0x80, v2, vm0, $0xb8;
	[tilespmem:$0x14000] =	vst v63  }
0x2f: {  	_ = 	snop  }
0x30: {  	[tilespmem:s10], [sflag:$0x1] =	stream.indirect_vreg.gather [hbm4b:s6+s3], $0x80, v2, vm0, $0xb8;
	[tilespmem:$0x14000] =	vst v63  }
0x31: {  	_ = 	snop  }
0x32: {  	[tilespmem:s17], [sflag:$0x1] =	stream.indirect_vreg.gather [hbm4b:s8+s3], $0x80, v2, vm0, $0xb8;
	[tilespmem:$0x14000] =	vst v63  }
0x33: {  	v2 =	vld.msk [tilespmem:$0x80], $0xff;
	_ =	sdelay $0x4  }
0x34: {  	v3 =	vshll.u32 v2, $0x3  }
0x35: {  	v2 =	vand.u32 $0x7, v2;
	v3 =	vand.u32 $0xFFFFFFC0, v3  }
0x36: {  	v2 =	vor.u32 v2, v3  }
0x37: {  	v2 =	vperm.xlane v2, v0;
	_ =	sdelay $0x1  }
0x38: {  	v2 =	vadd.s32 v1, v2;
	_ =	sdelay $0x3  }
0x39: {  	s7 =	simm.s32 $0x6000  }
0x3a: {  	[tilespmem:s7], [sflag:$0x2] =	stream.indirect_vreg.gather [hbm4b:s2+s3], $0x80, v2, vm0, $0xb8;
	[tilespmem:$0x14000] =	vst v63  }
0x3b: {  	_ = 	snop  }
0x3c: {  	[tilespmem:s1], [sflag:$0x2] =	stream.indirect_vreg.gather [hbm4b:s5+s3], $0x80, v2, vm0, $0xb8;
	[tilespmem:$0x14000] =	vst v63  }
0x3d: {  	_ = 	snop  }
0x3e: {  	[tilespmem:s21], [sflag:$0x2] =	stream.indirect_vreg.gather [hbm4b:s6+s3], $0x80, v2, vm0, $0xb8;
	[tilespmem:$0x14000] =	vst v63  }
0x3f: {  	_ = 	snop  }
0x40: {  	[tilespmem:s26], [sflag:$0x2] =	stream.indirect_vreg.gather [hbm4b:s8+s3], $0x80, v2, vm0, $0xb8;
	[tilespmem:$0x14000] =	vst v63  }
0x41: {  	v2 =	vld.msk [tilespmem:$0x100], $0xff;
	_ =	sdelay $0x4  }
0x42: {  	v3 =	vshll.u32 v2, $0x3  }
0x43: {  	v2 =	vand.u32 $0x7, v2;
	v3 =	vand.u32 $0xFFFFFFC0, v3  }
0x44: {  	v2 =	vor.u32 v2, v3  }
0x45: {  	v2 =	vperm.xlane v2, v0;
	_ =	sdelay $0x1  }
0x46: {  	v2 =	vadd.s32 v1, v2;
	_ =	sdelay $0x3  }
0x47: {  	s31 =	simm.s32 $0x8000  }
0x48: {  	[tilespmem:s31], [sflag:$0x3] =	stream.indirect_vreg.gather [hbm4b:s2+s3], $0x80, v2, vm0, $0xb8;
	[tilespmem:$0x14000] =	vst v63  }
0x49: {  	s16 =	simm.s32 $0x8800  }
0x4a: {  	[tilespmem:s16], [sflag:$0x3] =	stream.indirect_vreg.gather [hbm4b:s5+s3], $0x80, v2, vm0, $0xb8;
	[tilespmem:$0x14000] =	vst v63  }
0x4b: {  	s18 =	simm.s32 $0x9000  }
0x4c: {  	[tilespmem:s18], [sflag:$0x3] =	stream.indirect_vreg.gather [hbm4b:s6+s3], $0x80, v2, vm0, $0xb8;
	[tilespmem:$0x14000] =	vst v63  }
0x4d: {  	s18 =	simm.s32 $0x9800  }
0x4e: {  	[tilespmem:s18], [sflag:$0x3] =	stream.indirect_vreg.gather [hbm4b:s8+s3], $0x80, v2, vm0, $0xb8;
	[tilespmem:$0x14000] =	vst v63  }
0x4f: {  	v2 =	vld.msk [tilespmem:$0x180], $0xff;
	_ =	sdelay $0x4  }
0x50: {  	v3 =	vshll.u32 v2, $0x3  }
0x51: {  	v2 =	vand.u32 $0x7, v2;
	v3 =	vand.u32 $0xFFFFFFC0, v3  }
0x52: {  	v2 =	vor.u32 v2, v3  }
0x53: {  	v2 =	vperm.xlane v2, v0;
	_ =	sdelay $0x1  }
0x54: {  	v2 =	vadd.s32 v1, v2;
	_ =	sdelay $0x3  }
0x55: {  	s18 =	simm.s32 $0xA000  }
0x56: {  	[tilespmem:s18], [sflag:$0x4] =	stream.indirect_vreg.gather [hbm4b:s2+s3], $0x80, v2, vm0, $0xb8;
	[tilespmem:$0x14000] =	vst v63  }
0x57: {  	_ = 	snop  }
0x58: {  	[tilespmem:s30], [sflag:$0x4] =	stream.indirect_vreg.gather [hbm4b:s5+s3], $0x80, v2, vm0, $0xb8;
	[tilespmem:$0x14000] =	vst v63  }
0x59: {  	s4 =	simm.s32 $0xB000  }
0x5a: {  	[tilespmem:s4], [sflag:$0x4] =	stream.indirect_vreg.gather [hbm4b:s6+s3], $0x80, v2, vm0, $0xb8;
	[tilespmem:$0x14000] =	vst v63  }
0x5b: {  	s4 =	simm.s32 $0xB800  }
0x5c: {  	[tilespmem:s4], [sflag:$0x4] =	stream.indirect_vreg.gather [hbm4b:s8+s3], $0x80, v2, vm0, $0xb8;
	[tilespmem:$0x14000] =	vst v63  }
0x5d: {  	v2 =	vld.msk [tilespmem:$0x200], $0xff;
	_ =	sdelay $0x4  }
0x5e: {  	v3 =	vshll.u32 v2, $0x3  }
0x5f: {  	v2 =	vand.u32 $0x7, v2;
	v3 =	vand.u32 $0xFFFFFFC0, v3  }
0x60: {  	v2 =	vor.u32 v2, v3  }
0x61: {  	v2 =	vperm.xlane v2, v0;
	_ =	sdelay $0x1  }
0x62: {  	v2 =	vadd.s32 v1, v2;
	_ =	sdelay $0x3  }
0x63: {  	s4 =	simm.s32 $0xC000  }
0x64: {  	[tilespmem:s4], [sflag:$0x5] =	stream.indirect_vreg.gather [hbm4b:s2+s3], $0x80, v2, vm0, $0xb8;
	[tilespmem:$0x14000] =	vst v63  }
0x65: {  	_ = 	snop  }
0x66: {  	[tilespmem:s12], [sflag:$0x5] =	stream.indirect_vreg.gather [hbm4b:s5+s3], $0x80, v2, vm0, $0xb8;
	[tilespmem:$0x14000] =	vst v63  }
0x67: {  	_ = 	snop  }
0x68: {  	[tilespmem:s11], [sflag:$0x5] =	stream.indirect_vreg.gather [hbm4b:s6+s3], $0x80, v2, vm0, $0xb8;
	[tilespmem:$0x14000] =	vst v63  }
0x69: {  	s4 =	simm.s32 $0xD800  }
0x6a: {  	[tilespmem:s4], [sflag:$0x5] =	stream.indirect_vreg.gather [hbm4b:s8+s3], $0x80, v2, vm0, $0xb8;
	[tilespmem:$0x14000] =	vst v63  }
0x6b: {  	v2 =	vld.msk [tilespmem:$0x280], $0xff;
	_ =	sdelay $0x4  }
0x6c: {  	v3 =	vshll.u32 v2, $0x3  }
0x6d: {  	v2 =	vand.u32 $0x7, v2;
	v3 =	vand.u32 $0xFFFFFFC0, v3  }
0x6e: {  	v2 =	vor.u32 v2, v3  }
0x6f: {  	v2 =	vperm.xlane v2, v0;
	_ =	sdelay $0x1  }
0x70: {  	v2 =	vadd.s32 v1, v2;
	_ =	sdelay $0x3  }
0x71: {  	s4 =	simm.s32 $0xE000  }
0x72: {  	[tilespmem:s4], [sflag:$0x6] =	stream.indirect_vreg.gather [hbm4b:s2+s3], $0x80, v2, vm0, $0xb8;
	[tilespmem:$0x14000] =	vst v63  }
0x73: {  	_ = 	snop  }
0x74: {  	[tilespmem:s14], [sflag:$0x6] =	stream.indirect_vreg.gather [hbm4b:s5+s3], $0x80, v2, vm0, $0xb8;
	[tilespmem:$0x14000] =	vst v63  }
0x75: {  	s4 =	simm.s32 $0xF000  }
0x76: {  	[tilespmem:s4], [sflag:$0x6] =	stream.indirect_vreg.gather [hbm4b:s6+s3], $0x80, v2, vm0, $0xb8;
	[tilespmem:$0x14000] =	vst v63  }
0x77: {  	s4 =	simm.s32 $0xF800  }
0x78: {  	[tilespmem:s4], [sflag:$0x6] =	stream.indirect_vreg.gather [hbm4b:s8+s3], $0x80, v2, vm0, $0xb8;
	[tilespmem:$0x14000] =	vst v63  }
0x79: {  	v2 =	vld.msk [tilespmem:$0x300], $0xff;
	_ =	sdelay $0x4  }
0x7a: {  	v3 =	vshll.u32 v2, $0x3  }
0x7b: {  	v2 =	vand.u32 $0x7, v2;
	v3 =	vand.u32 $0xFFFFFFC0, v3  }
0x7c: {  	v2 =	vor.u32 v2, v3  }
0x7d: {  	v2 =	vperm.xlane v2, v0;
	_ =	sdelay $0x1  }
0x7e: {  	v2 =	vadd.s32 v1, v2;
	_ =	sdelay $0x3  }
0x7f: {  	s4 =	simm.s32 $0x10000  }
0x80: {  	[tilespmem:s4], [sflag:$0x7] =	stream.indirect_vreg.gather [hbm4b:s2+s3], $0x80, v2, vm0, $0xb8;
	[tilespmem:$0x14000] =	vst v63  }
0x81: {  	_ = 	snop  }
0x82: {  	[tilespmem:s15], [sflag:$0x7] =	stream.indirect_vreg.gather [hbm4b:s5+s3], $0x80, v2, vm0, $0xb8;
	[tilespmem:$0x14000] =	vst v63  }
0x83: {  	s4 =	simm.s32 $0x11000  }
0x84: {  	[tilespmem:s4], [sflag:$0x7] =	stream.indirect_vreg.gather [hbm4b:s6+s3], $0x80, v2, vm0, $0xb8;
	[tilespmem:$0x14000] =	vst v63  }
0x85: {  	s4 =	simm.s32 $0x11800  }
0x86: {  	[tilespmem:s4], [sflag:$0x7] =	stream.indirect_vreg.gather [hbm4b:s8+s3], $0x80, v2, vm0, $0xb8;
	[tilespmem:$0x14000] =	vst v63  }
0x87: {  	s4 =	simm.s32 $0x1  }
0x88: {  	_ =	swait.ge [sflag:s4], $0x2000  }
0x89: {  	[sflag:s4] =	ssyncset.done $0x0  }
0x8a: {  	[sflag:s4] =	ssyncadd.s32 $0xFFFFE000;
	s4 =	rddreg [dreg:$0x6]  }
0x8b: {  	[hbm4b:s4+s3] =	stream.linear.scatter [tilespmem:s9], [sflag:$0x9], $0x2000, $0x38;
	[tilespmem:$0x14000] =	vst v63  }
0x8c: {  	v2 =	vld.msk [tilespmem:$0x380], $0xff;
	_ =	sdelay $0x4  }
0x8d: {  	v3 =	vshll.u32 v2, $0x3  }
0x8e: {  	v2 =	vand.u32 $0x7, v2;
	v3 =	vand.u32 $0xFFFFFFC0, v3  }
0x8f: {  	v2 =	vor.u32 v2, v3  }
0x90: {  	v2 =	vperm.xlane v2, v0;
	_ =	sdelay $0x1  }
0x91: {  	v2 =	vadd.s32 v1, v2;
	_ =	sdelay $0x3  }
0x92: {  	s4 =	simm.s32 $0x12000  }
0x93: {  	[tilespmem:s4], [sflag:$0x8] =	stream.indirect_vreg.gather [hbm4b:s2+s3], $0x80, v2, vm0, $0xb8;
	[tilespmem:$0x14000] =	vst v63  }
0x94: {  	s4 =	simm.s32 $0x12800  }
0x95: {  	[tilespmem:s4], [sflag:$0x8] =	stream.indirect_vreg.gather [hbm4b:s5+s3], $0x80, v2, vm0, $0xb8;
	[tilespmem:$0x14000] =	vst v63  }
0x96: {  	s4 =	simm.s32 $0x13000  }
0x97: {  	[tilespmem:s4], [sflag:$0x8] =	stream.indirect_vreg.gather [hbm4b:s6+s3], $0x80, v2, vm0, $0xb8;
	[tilespmem:$0x14000] =	vst v63  }
0x98: {  	s4 =	simm.s32 $0x13800  }
0x99: {  	[tilespmem:s4], [sflag:$0x8] =	stream.indirect_vreg.gather [hbm4b:s8+s3], $0x80, v2, vm0, $0xb8;
	[tilespmem:$0x14000] =	vst v63  }
0x9a: {  	s4 =	simm.s32 $0x2  }
0x9b: {  	_ =	swait.ge [sflag:s4], $0x2000  }
0x9c: {  	[sflag:s4] =	ssyncset.done $0x0  }
0x9d: {  	[sflag:s4] =	ssyncadd.s32 $0xFFFFE000;
	s4 =	rddreg [dreg:$0x7]  }
0x9e: {  	[hbm4b:s4+s3] =	stream.linear.scatter [tilespmem:s7], [sflag:$0xA], $0x2000, $0x38;
	[tilespmem:$0x14000] =	vst v63  }
0x9f: {  	s4 =	simm.s32 $0x9  }
0xa0: {  	_ =	swait.ge [sflag:s4], $0x2000  }
0xa1: {  	[sflag:s4] =	ssyncset.done $0x0  }
0xa2: {  	[sflag:s4] =	ssyncadd.s32 $0xFFFFE000  }
0xa3: {  	v2 =	vld.msk [tilespmem:$0x400], $0xff;
	_ =	sdelay $0x4  }
0xa4: {  	v3 =	vshll.u32 v2, $0x3  }
0xa5: {  	v2 =	vand.u32 $0x7, v2;
	v3 =	vand.u32 $0xFFFFFFC0, v3  }
0xa6: {  	v2 =	vor.u32 v2, v3  }
0xa7: {  	v2 =	vperm.xlane v2, v0;
	_ =	sdelay $0x1  }
0xa8: {  	v2 =	vadd.s32 v1, v2;
	_ =	sdelay $0x4  }
0xa9: {  	[tilespmem:s9], [sflag:$0x1] =	stream.indirect_vreg.gather [hbm4b:s2+s3], $0x80, v2, vm0, $0xb8;
	[tilespmem:$0x14000] =	vst v63  }
0xaa: {  	_ = 	snop  }
0xab: {  	[tilespmem:s13], [sflag:$0x1] =	stream.indirect_vreg.gather [hbm4b:s5+s3], $0x80, v2, vm0, $0xb8;
	[tilespmem:$0x14000] =	vst v63  }
0xac: {  	_ = 	snop  }
0xad: {  	[tilespmem:s10], [sflag:$0x1] =	stream.indirect_vreg.gather [hbm4b:s6+s3], $0x80, v2, vm0, $0xb8;
	[tilespmem:$0x14000] =	vst v63  }
0xae: {  	s10 =	simm.s32 $0x3  }
0xaf: {  	[tilespmem:s17], [sflag:$0x1] =	stream.indirect_vreg.gather [hbm4b:s8+s3], $0x80, v2, vm0, $0xb8;
	[tilespmem:$0x14000] =	vst v63  }
0xb0: {  	_ =	swait.ge [sflag:s10], $0x2000  }
0xb1: {  	[sflag:s10] =	ssyncset.done $0x0  }
0xb2: {  	s17 =	simm.s32 $0xA;
	s13 =	rddreg [dreg:$0x8];
	[sflag:s10] =	ssyncadd.s32 $0xFFFFE000  }
0xb3: {  	[hbm4b:s13+s3] =	stream.linear.scatter [tilespmem:s31], [sflag:$0xB], $0x2000, $0x38;
	[tilespmem:$0x14000] =	vst v63  }
0xb4: {  	_ =	swait.ge [sflag:s17], $0x2000  }
0xb5: {  	[sflag:s17] =	ssyncset.done $0x0  }
0xb6: {  	[sflag:s17] =	ssyncadd.s32 $0xFFFFE000  }
0xb7: {  	v2 =	vld.msk [tilespmem:$0x480], $0xff;
	_ =	sdelay $0x4  }
0xb8: {  	v3 =	vshll.u32 v2, $0x3  }
0xb9: {  	v2 =	vand.u32 $0x7, v2;
	v3 =	vand.u32 $0xFFFFFFC0, v3  }
0xba: {  	v2 =	vor.u32 v2, v3  }
0xbb: {  	v2 =	vperm.xlane v2, v0;
	_ =	sdelay $0x1  }
0xbc: {  	v2 =	vadd.s32 v1, v2;
	_ =	sdelay $0x4  }
0xbd: {  	[tilespmem:s7], [sflag:$0x2] =	stream.indirect_vreg.gather [hbm4b:s2+s3], $0x80, v2, vm0, $0xb8;
	[tilespmem:$0x14000] =	vst v63  }
0xbe: {  	_ = 	snop  }
0xbf: {  	[tilespmem:s1], [sflag:$0x2] =	stream.indirect_vreg.gather [hbm4b:s5+s3], $0x80, v2, vm0, $0xb8;
	[tilespmem:$0x14000] =	vst v63  }
0xc0: {  	_ = 	snop  }
0xc1: {  	[tilespmem:s21], [sflag:$0x2] =	stream.indirect_vreg.gather [hbm4b:s6+s3], $0x80, v2, vm0, $0xb8;
	[tilespmem:$0x14000] =	vst v63  }
0xc2: {  	s9 =	simm.s32 $0x4  }
0xc3: {  	[tilespmem:s26], [sflag:$0x2] =	stream.indirect_vreg.gather [hbm4b:s8+s3], $0x80, v2, vm0, $0xb8;
	[tilespmem:$0x14000] =	vst v63  }
0xc4: {  	_ =	swait.ge [sflag:s9], $0x2000  }
0xc5: {  	s18 =	simm.s32 $0xA000;
	[sflag:s9] =	ssyncset.done $0x0  }
0xc6: {  	s13 =	simm.s32 $0xB;
	s10 =	rddreg [dreg:$0x9];
	[sflag:s9] =	ssyncadd.s32 $0xFFFFE000  }
0xc7: {  	[hbm4b:s10+s3] =	stream.linear.scatter [tilespmem:s18], [sflag:$0xC], $0x2000, $0x38;
	[tilespmem:$0x14000] =	vst v63  }
0xc8: {  	_ =	swait.ge [sflag:s13], $0x2000  }
0xc9: {  	[sflag:s13] =	ssyncset.done $0x0  }
0xca: {  	[sflag:s13] =	ssyncadd.s32 $0xFFFFE000  }
0xcb: {  	v2 =	vld.msk [tilespmem:$0x500], $0xff;
	_ =	sdelay $0x4  }
0xcc: {  	v3 =	vshll.u32 v2, $0x3  }
0xcd: {  	v2 =	vand.u32 $0x7, v2;
	v3 =	vand.u32 $0xFFFFFFC0, v3  }
0xce: {  	v2 =	vor.u32 v2, v3  }
0xcf: {  	v2 =	vperm.xlane v2, v0;
	_ =	sdelay $0x1  }
0xd0: {  	v2 =	vadd.s32 v1, v2;
	_ =	sdelay $0x4  }
0xd1: {  	[tilespmem:s31], [sflag:$0x3] =	stream.indirect_vreg.gather [hbm4b:s2+s3], $0x80, v2, vm0, $0xb8;
	[tilespmem:$0x14000] =	vst v63  }
0xd2: {  	_ = 	snop  }
0xd3: {  	[tilespmem:s16], [sflag:$0x3] =	stream.indirect_vreg.gather [hbm4b:s5+s3], $0x80, v2, vm0, $0xb8;
	[tilespmem:$0x14000] =	vst v63  }
0xd4: {  	s16 =	simm.s32 $0x9000  }
0xd5: {  	[tilespmem:s16], [sflag:$0x3] =	stream.indirect_vreg.gather [hbm4b:s6+s3], $0x80, v2, vm0, $0xb8;
	[tilespmem:$0x14000] =	vst v63  }
0xd6: {  	s17 =	simm.s32 $0x9800  }
0xd7: {  	[tilespmem:s17], [sflag:$0x3] =	stream.indirect_vreg.gather [hbm4b:s8+s3], $0x80, v2, vm0, $0xb8;
	[tilespmem:$0x14000] =	vst v63  }
0xd8: {  	_ =	swait.ge [sflag:s19], $0x2000  }
0xd9: {  	[sflag:s19] =	ssyncset.done $0x0  }
0xda: {  	s26 =	simm.s32 $0xC000;
	s21 =	rddreg [dreg:$0xa];
	[sflag:s19] =	ssyncadd.s32 $0xFFFFE000  }
0xdb: {  	[hbm4b:s21+s3] =	stream.linear.scatter [tilespmem:s26], [sflag:$0xD], $0x2000, $0x38;
	[tilespmem:$0x14000] =	vst v63  }
0xdc: {  	_ =	swait.ge [sflag:s20], $0x2000  }
0xdd: {  	[sflag:s20] =	ssyncset.done $0x0  }
0xde: {  	[sflag:s20] =	ssyncadd.s32 $0xFFFFE000  }
0xdf: {  	v2 =	vld.msk [tilespmem:$0x580], $0xff;
	_ =	sdelay $0x4  }
0xe0: {  	v3 =	vshll.u32 v2, $0x3  }
0xe1: {  	v2 =	vand.u32 $0x7, v2;
	v3 =	vand.u32 $0xFFFFFFC0, v3  }
0xe2: {  	v2 =	vor.u32 v2, v3  }
0xe3: {  	v2 =	vperm.xlane v2, v0;
	_ =	sdelay $0x1  }
0xe4: {  	v2 =	vadd.s32 v1, v2;
	_ =	sdelay $0x4  }
0xe5: {  	[tilespmem:s18], [sflag:$0x4] =	stream.indirect_vreg.gather [hbm4b:s2+s3], $0x80, v2, vm0, $0xb8;
	[tilespmem:$0x14000] =	vst v63  }
0xe6: {  	_ = 	snop  }
0xe7: {  	[tilespmem:s30], [sflag:$0x4] =	stream.indirect_vreg.gather [hbm4b:s5+s3], $0x80, v2, vm0, $0xb8;
	[tilespmem:$0x14000] =	vst v63  }
0xe8: {  	s31 =	simm.s32 $0xB000  }
0xe9: {  	[tilespmem:s31], [sflag:$0x4] =	stream.indirect_vreg.gather [hbm4b:s6+s3], $0x80, v2, vm0, $0xb8;
	[tilespmem:$0x14000] =	vst v63  }
0xea: {  	s7 =	simm.s32 $0xB800  }
0xeb: {  	[tilespmem:s7], [sflag:$0x4] =	stream.indirect_vreg.gather [hbm4b:s8+s3], $0x80, v2, vm0, $0xb8;
	[tilespmem:$0x14000] =	vst v63  }
0xec: {  	_ =	swait.ge [sflag:s22], $0x2000  }
0xed: {  	[sflag:s22] =	ssyncset.done $0x0  }
0xee: {  	s10 =	simm.s32 $0xE000;
	s9 =	rddreg [dreg:$0xb];
	[sflag:s22] =	ssyncadd.s32 $0xFFFFE000  }
0xef: {  	[hbm4b:s9+s3] =	stream.linear.scatter [tilespmem:s10], [sflag:$0xE], $0x2000, $0x38;
	[tilespmem:$0x14000] =	vst v63  }
0xf0: {  	_ =	swait.ge [sflag:s23], $0x2000  }
0xf1: {  	[sflag:s23] =	ssyncset.done $0x0  }
0xf2: {  	[sflag:s23] =	ssyncadd.s32 $0xFFFFE000  }
0xf3: {  	v2 =	vld.msk [tilespmem:$0x600], $0xff;
	_ =	sdelay $0x4  }
0xf4: {  	v3 =	vshll.u32 v2, $0x3  }
0xf5: {  	v2 =	vand.u32 $0x7, v2;
	v3 =	vand.u32 $0xFFFFFFC0, v3  }
0xf6: {  	v2 =	vor.u32 v2, v3  }
0xf7: {  	v2 =	vperm.xlane v2, v0;
	_ =	sdelay $0x1  }
0xf8: {  	v2 =	vadd.s32 v1, v2;
	_ =	sdelay $0x4  }
0xf9: {  	[tilespmem:s26], [sflag:$0x5] =	stream.indirect_vreg.gather [hbm4b:s2+s3], $0x80, v2, vm0, $0xb8;
	[tilespmem:$0x14000] =	vst v63  }
0xfa: {  	_ = 	snop  }
0xfb: {  	[tilespmem:s12], [sflag:$0x5] =	stream.indirect_vreg.gather [hbm4b:s5+s3], $0x80, v2, vm0, $0xb8;
	[tilespmem:$0x14000] =	vst v63  }
0xfc: {  	_ = 	snop  }
0xfd: {  	[tilespmem:s11], [sflag:$0x5] =	stream.indirect_vreg.gather [hbm4b:s6+s3], $0x80, v2, vm0, $0xb8;
	[tilespmem:$0x14000] =	vst v63  }
0xfe: {  	s12 =	simm.s32 $0xD800  }
0xff: {  	[tilespmem:s12], [sflag:$0x5] =	stream.indirect_vreg.gather [hbm4b:s8+s3], $0x80, v2, vm0, $0xb8;
	[tilespmem:$0x14000] =	vst v63  }
0x100: {  	_ =	swait.ge [sflag:s24], $0x2000  }
0x101: {  	[sflag:s24] =	ssyncset.done $0x0  }
0x102: {  	s16 =	simm.s32 $0x10000;
	s13 =	rddreg [dreg:$0xc];
	[sflag:s24] =	ssyncadd.s32 $0xFFFFE000  }
0x103: {  	[hbm4b:s13+s3] =	stream.linear.scatter [tilespmem:s16], [sflag:$0xF], $0x2000, $0x38;
	[tilespmem:$0x14000] =	vst v63  }
0x104: {  	_ =	swait.ge [sflag:s25], $0x2000  }
0x105: {  	[sflag:s25] =	ssyncset.done $0x0  }
0x106: {  	[sflag:s25] =	ssyncadd.s32 $0xFFFFE000  }
0x107: {  	v2 =	vld.msk [tilespmem:$0x680], $0xff;
	_ =	sdelay $0x4  }
0x108: {  	v3 =	vshll.u32 v2, $0x3  }
0x109: {  	v2 =	vand.u32 $0x7, v2;
	v3 =	vand.u32 $0xFFFFFFC0, v3  }
0x10a: {  	v2 =	vor.u32 v2, v3  }
0x10b: {  	v2 =	vperm.xlane v2, v0;
	_ =	sdelay $0x1  }
0x10c: {  	v2 =	vadd.s32 v1, v2;
	_ =	sdelay $0x4  }
0x10d: {  	[tilespmem:s10], [sflag:$0x6] =	stream.indirect_vreg.gather [hbm4b:s2+s3], $0x80, v2, vm0, $0xb8;
	[tilespmem:$0x14000] =	vst v63  }
0x10e: {  	_ = 	snop  }
0x10f: {  	[tilespmem:s14], [sflag:$0x6] =	stream.indirect_vreg.gather [hbm4b:s5+s3], $0x80, v2, vm0, $0xb8;
	[tilespmem:$0x14000] =	vst v63  }
0x110: {  	s17 =	simm.s32 $0xF000  }
0x111: {  	[tilespmem:s17], [sflag:$0x6] =	stream.indirect_vreg.gather [hbm4b:s6+s3], $0x80, v2, vm0, $0xb8;
	[tilespmem:$0x14000] =	vst v63  }
0x112: {  	s18 =	simm.s32 $0xF800  }
0x113: {  	[tilespmem:s18], [sflag:$0x6] =	stream.indirect_vreg.gather [hbm4b:s8+s3], $0x80, v2, vm0, $0xb8;
	[tilespmem:$0x14000] =	vst v63  }
0x114: {  	_ =	swait.ge [sflag:s28], $0x2000  }
0x115: {  	[sflag:s28] =	ssyncset.done $0x0  }
0x116: {  	s26 =	simm.s32 $0x12000;
	s21 =	rddreg [dreg:$0xd];
	[sflag:s28] =	ssyncadd.s32 $0xFFFFE000  }
0x117: {  	[hbm4b:s21+s3] =	stream.linear.scatter [tilespmem:s26], [sflag:$0x10], $0x2000, $0x38;
	[tilespmem:$0x14000] =	vst v63  }
0x118: {  	_ =	swait.ge [sflag:s29], $0x2000  }
0x119: {  	[sflag:s29] =	ssyncset.done $0x0  }
0x11a: {  	[sflag:s29] =	ssyncadd.s32 $0xFFFFE000  }
0x11b: {  	v2 =	vld.msk [tilespmem:$0x700], $0xff;
	_ =	sdelay $0x4  }
0x11c: {  	v3 =	vshll.u32 v2, $0x3  }
0x11d: {  	v2 =	vand.u32 $0x7, v2;
	v3 =	vand.u32 $0xFFFFFFC0, v3  }
0x11e: {  	v2 =	vor.u32 v2, v3  }
0x11f: {  	v2 =	vperm.xlane v2, v0;
	_ =	sdelay $0x1  }
0x120: {  	v2 =	vadd.s32 v1, v2;
	_ =	sdelay $0x4  }
0x121: {  	[tilespmem:s16], [sflag:$0x7] =	stream.indirect_vreg.gather [hbm4b:s2+s3], $0x80, v2, vm0, $0xb8;
	[tilespmem:$0x14000] =	vst v63  }
0x122: {  	_ = 	snop  }
0x123: {  	[tilespmem:s15], [sflag:$0x7] =	stream.indirect_vreg.gather [hbm4b:s5+s3], $0x80, v2, vm0, $0xb8;
	[tilespmem:$0x14000] =	vst v63  }
0x124: {  	s30 =	simm.s32 $0x11000  }
0x125: {  	[tilespmem:s30], [sflag:$0x7] =	stream.indirect_vreg.gather [hbm4b:s6+s3], $0x80, v2, vm0, $0xb8;
	[tilespmem:$0x14000] =	vst v63  }
0x126: {  	s4 =	simm.s32 $0xB00;
	s31 =	simm.s32 $0x11800;
	s10 =	simm.s32 $0x0  }
0x127: {  	[tilespmem:s31], [sflag:$0x7] =	stream.indirect_vreg.gather [hbm4b:s8+s3], $0x80, v2, vm0, $0xb8;
	[tilespmem:$0x14000] =	vst v63  }
.LBB2_2:
0x128: {  	s1 =	simm.s32 $0x1  }
0x129: {  	_ =	swait.ge [sflag:s1], $0x2000  }
0x12a: {  	s26 =	rddreg [dreg:$0x4]  }
0x12b: {  	[sflag:s1] =	ssyncset.done $0x0;
	s26 =	sadd.s32 s10, s26  }
0x12c: {  	s13 =	simm.s32 $0x4000;
	[sflag:s1] =	ssyncadd.s32 $0xFFFFE000;
	s31 =	sadd.s32 $0x2000, s26  }
0x12d: {  	[hbm4b:s31+s3] =	stream.linear.scatter [tilespmem:s13], [sflag:$0x9], $0x2000, $0x38;
	[tilespmem:$0x14000] =	vst v63  }
0x12e: {  	_ =	swait.ge [sflag:s0], $0x2000  }
0x12f: {  	[sflag:s0] =	ssyncset.done $0x0  }
0x130: {  	[sflag:s0] =	ssyncadd.s32 $0xFFFFE000  }
0x131: {  	v2 =	vld.msk [tilespmem:s4+$0xFFFFFC80], $0xff;
	_ =	sdelay $0x4  }
0x132: {  	v3 =	vshll.u32 v2, $0x3  }
0x133: {  	v2 =	vand.u32 $0x7, v2;
	v3 =	vand.u32 $0xFFFFFFC0, v3  }
0x134: {  	v2 =	vor.u32 v2, v3  }
0x135: {  	v2 =	vperm.xlane v2, v0;
	_ =	sdelay $0x1  }
0x136: {  	v2 =	vadd.s32 v1, v2;
	_ =	sdelay $0x3  }
0x137: {  	s16 =	simm.s32 $0x12000  }
0x138: {  	[tilespmem:s16], [sflag:$0x8] =	stream.indirect_vreg.gather [hbm4b:s2+s3], $0x80, v2, vm0, $0xb8;
	[tilespmem:$0x14000] =	vst v63  }
0x139: {  	s9 =	simm.s32 $0x12800  }
0x13a: {  	[tilespmem:s9], [sflag:$0x8] =	stream.indirect_vreg.gather [hbm4b:s5+s3], $0x80, v2, vm0, $0xb8;
	[tilespmem:$0x14000] =	vst v63  }
0x13b: {  	s11 =	simm.s32 $0x13000  }
0x13c: {  	[tilespmem:s11], [sflag:$0x8] =	stream.indirect_vreg.gather [hbm4b:s6+s3], $0x80, v2, vm0, $0xb8;
	[tilespmem:$0x14000] =	vst v63  }
0x13d: {  	s12 =	simm.s32 $0x13800;
	s14 =	simm.s32 $0x2  }
0x13e: {  	[tilespmem:s12], [sflag:$0x8] =	stream.indirect_vreg.gather [hbm4b:s8+s3], $0x80, v2, vm0, $0xb8;
	[tilespmem:$0x14000] =	vst v63  }
0x13f: {  	_ =	swait.ge [sflag:s14], $0x2000  }
0x140: {  	s15 =	simm.s32 $0x6000;
	[sflag:s14] =	ssyncset.done $0x0  }
0x141: {  	s7 =	simm.s32 $0x9;
	s31 =	sadd.s32 $0x2400, s26;
	[sflag:s14] =	ssyncadd.s32 $0xFFFFE000  }
0x142: {  	[hbm4b:s31+s3] =	stream.linear.scatter [tilespmem:s15], [sflag:$0xA], $0x2000, $0x38;
	[tilespmem:$0x14000] =	vst v63  }
0x143: {  	_ =	swait.ge [sflag:s7], $0x2000  }
0x144: {  	[sflag:s7] =	ssyncset.done $0x0  }
0x145: {  	[sflag:s7] =	ssyncadd.s32 $0xFFFFE000  }
0x146: {  	v2 =	vld.msk [tilespmem:s4+$0xFFFFFD00], $0xff;
	_ =	sdelay $0x4  }
0x147: {  	v3 =	vshll.u32 v2, $0x3  }
0x148: {  	v2 =	vand.u32 $0x7, v2;
	v3 =	vand.u32 $0xFFFFFFC0, v3  }
0x149: {  	v2 =	vor.u32 v2, v3  }
0x14a: {  	v2 =	vperm.xlane v2, v0;
	_ =	sdelay $0x1  }
0x14b: {  	v2 =	vadd.s32 v1, v2;
	_ =	sdelay $0x4  }
0x14c: {  	[tilespmem:s13], [sflag:$0x1] =	stream.indirect_vreg.gather [hbm4b:s2+s3], $0x80, v2, vm0, $0xb8;
	[tilespmem:$0x14000] =	vst v63  }
0x14d: {  	s13 =	simm.s32 $0x4800  }
0x14e: {  	[tilespmem:s13], [sflag:$0x1] =	stream.indirect_vreg.gather [hbm4b:s5+s3], $0x80, v2, vm0, $0xb8;
	[tilespmem:$0x14000] =	vst v63  }
0x14f: {  	s17 =	simm.s32 $0x5000  }
0x150: {  	[tilespmem:s17], [sflag:$0x1] =	stream.indirect_vreg.gather [hbm4b:s6+s3], $0x80, v2, vm0, $0xb8;
	[tilespmem:$0x14000] =	vst v63  }
0x151: {  	s18 =	simm.s32 $0x5800;
	s21 =	simm.s32 $0x3  }
0x152: {  	[tilespmem:s18], [sflag:$0x1] =	stream.indirect_vreg.gather [hbm4b:s8+s3], $0x80, v2, vm0, $0xb8;
	[tilespmem:$0x14000] =	vst v63  }
0x153: {  	_ =	swait.ge [sflag:s21], $0x2000  }
0x154: {  	s11 =	simm.s32 $0xA;
	[sflag:s21] =	ssyncset.done $0x0  }
0x155: {  	s31 =	sadd.s32 $0x2800, s26;
	s17 =	simm.s32 $0x8000;
	[sflag:s21] =	ssyncadd.s32 $0xFFFFE000  }
0x156: {  	[hbm4b:s31+s3] =	stream.linear.scatter [tilespmem:s17], [sflag:$0xB], $0x2000, $0x38;
	[tilespmem:$0x14000] =	vst v63  }
0x157: {  	_ =	swait.ge [sflag:s11], $0x2000  }
0x158: {  	[sflag:s11] =	ssyncset.done $0x0  }
0x159: {  	[sflag:s11] =	ssyncadd.s32 $0xFFFFE000  }
0x15a: {  	v2 =	vld.msk [tilespmem:s4+$0xFFFFFD80], $0xff;
	_ =	sdelay $0x4  }
0x15b: {  	v3 =	vshll.u32 v2, $0x3  }
0x15c: {  	v2 =	vand.u32 $0x7, v2;
	v3 =	vand.u32 $0xFFFFFFC0, v3  }
0x15d: {  	v2 =	vor.u32 v2, v3  }
0x15e: {  	v2 =	vperm.xlane v2, v0;
	_ =	sdelay $0x1  }
0x15f: {  	v2 =	vadd.s32 v1, v2;
	_ =	sdelay $0x4  }
0x160: {  	[tilespmem:s15], [sflag:$0x2] =	stream.indirect_vreg.gather [hbm4b:s2+s3], $0x80, v2, vm0, $0xb8;
	[tilespmem:$0x14000] =	vst v63  }
0x161: {  	s1 =	simm.s32 $0x6800  }
0x162: {  	[tilespmem:s1], [sflag:$0x2] =	stream.indirect_vreg.gather [hbm4b:s5+s3], $0x80, v2, vm0, $0xb8;
	[tilespmem:$0x14000] =	vst v63  }
0x163: {  	s11 =	simm.s32 $0x7000  }
0x164: {  	[tilespmem:s11], [sflag:$0x2] =	stream.indirect_vreg.gather [hbm4b:s6+s3], $0x80, v2, vm0, $0xb8;
	[tilespmem:$0x14000] =	vst v63  }
0x165: {  	s12 =	simm.s32 $0x7800;
	s14 =	simm.s32 $0x4  }
0x166: {  	[tilespmem:s12], [sflag:$0x2] =	stream.indirect_vreg.gather [hbm4b:s8+s3], $0x80, v2, vm0, $0xb8;
	[tilespmem:$0x14000] =	vst v63  }
0x167: {  	_ =	swait.ge [sflag:s14], $0x2000  }
0x168: {  	s30 =	simm.s32 $0xA000;
	[sflag:s14] =	ssyncset.done $0x0  }
0x169: {  	s31 =	sadd.s32 $0x2C00, s26;
	s15 =	simm.s32 $0xB;
	[sflag:s14] =	ssyncadd.s32 $0xFFFFE000  }
0x16a: {  	[hbm4b:s31+s3] =	stream.linear.scatter [tilespmem:s30], [sflag:$0xC], $0x2000, $0x38;
	[tilespmem:$0x14000] =	vst v63  }
0x16b: {  	_ =	swait.ge [sflag:s15], $0x2000  }
0x16c: {  	[sflag:s15] =	ssyncset.done $0x0  }
0x16d: {  	[sflag:s15] =	ssyncadd.s32 $0xFFFFE000  }
0x16e: {  	v2 =	vld.msk [tilespmem:s4+$0xFFFFFE00], $0xff;
	_ =	sdelay $0x4  }
0x16f: {  	v3 =	vshll.u32 v2, $0x3  }
0x170: {  	v2 =	vand.u32 $0x7, v2;
	v3 =	vand.u32 $0xFFFFFFC0, v3  }
0x171: {  	v2 =	vor.u32 v2, v3  }
0x172: {  	v2 =	vperm.xlane v2, v0;
	_ =	sdelay $0x1  }
0x173: {  	v2 =	vadd.s32 v1, v2;
	_ =	sdelay $0x4  }
0x174: {  	[tilespmem:s17], [sflag:$0x3] =	stream.indirect_vreg.gather [hbm4b:s2+s3], $0x80, v2, vm0, $0xb8;
	[tilespmem:$0x14000] =	vst v63  }
0x175: {  	s17 =	simm.s32 $0x8800  }
0x176: {  	[tilespmem:s17], [sflag:$0x3] =	stream.indirect_vreg.gather [hbm4b:s5+s3], $0x80, v2, vm0, $0xb8;
	[tilespmem:$0x14000] =	vst v63  }
0x177: {  	s18 =	simm.s32 $0x9000  }
0x178: {  	[tilespmem:s18], [sflag:$0x3] =	stream.indirect_vreg.gather [hbm4b:s6+s3], $0x80, v2, vm0, $0xb8;
	[tilespmem:$0x14000] =	vst v63  }
0x179: {  	s12 =	simm.s32 $0x9800  }
0x17a: {  	[tilespmem:s12], [sflag:$0x3] =	stream.indirect_vreg.gather [hbm4b:s8+s3], $0x80, v2, vm0, $0xb8;
	[tilespmem:$0x14000] =	vst v63  }
0x17b: {  	_ =	swait.ge [sflag:s19], $0x2000  }
0x17c: {  	[sflag:s19] =	ssyncset.done $0x0  }
0x17d: {  	s31 =	sadd.s32 $0x3000, s26;
	s12 =	simm.s32 $0xC000;
	[sflag:s19] =	ssyncadd.s32 $0xFFFFE000  }
0x17e: {  	[hbm4b:s31+s3] =	stream.linear.scatter [tilespmem:s12], [sflag:$0xD], $0x2000, $0x38;
	[tilespmem:$0x14000] =	vst v63  }
0x17f: {  	_ =	swait.ge [sflag:s20], $0x2000  }
0x180: {  	[sflag:s20] =	ssyncset.done $0x0  }
0x181: {  	[sflag:s20] =	ssyncadd.s32 $0xFFFFE000  }
0x182: {  	v2 =	vld.msk [tilespmem:s4+$0xFFFFFE80], $0xff;
	_ =	sdelay $0x4  }
0x183: {  	v3 =	vshll.u32 v2, $0x3  }
0x184: {  	v2 =	vand.u32 $0x7, v2;
	v3 =	vand.u32 $0xFFFFFFC0, v3  }
0x185: {  	v2 =	vor.u32 v2, v3  }
0x186: {  	v2 =	vperm.xlane v2, v0;
	_ =	sdelay $0x1  }
0x187: {  	v2 =	vadd.s32 v1, v2;
	_ =	sdelay $0x4  }
0x188: {  	[tilespmem:s30], [sflag:$0x4] =	stream.indirect_vreg.gather [hbm4b:s2+s3], $0x80, v2, vm0, $0xb8;
	[tilespmem:$0x14000] =	vst v63  }
0x189: {  	s30 =	simm.s32 $0xA800  }
0x18a: {  	[tilespmem:s30], [sflag:$0x4] =	stream.indirect_vreg.gather [hbm4b:s5+s3], $0x80, v2, vm0, $0xb8;
	[tilespmem:$0x14000] =	vst v63  }
0x18b: {  	s14 =	simm.s32 $0xB000  }
0x18c: {  	[tilespmem:s14], [sflag:$0x4] =	stream.indirect_vreg.gather [hbm4b:s6+s3], $0x80, v2, vm0, $0xb8;
	[tilespmem:$0x14000] =	vst v63  }
0x18d: {  	s15 =	simm.s32 $0xB800  }
0x18e: {  	[tilespmem:s15], [sflag:$0x4] =	stream.indirect_vreg.gather [hbm4b:s8+s3], $0x80, v2, vm0, $0xb8;
	[tilespmem:$0x14000] =	vst v63  }
0x18f: {  	_ =	swait.ge [sflag:s22], $0x2000  }
0x190: {  	[sflag:s22] =	ssyncset.done $0x0  }
0x191: {  	s31 =	sadd.s32 $0x3400, s26;
	s14 =	simm.s32 $0xE000;
	[sflag:s22] =	ssyncadd.s32 $0xFFFFE000  }
0x192: {  	[hbm4b:s31+s3] =	stream.linear.scatter [tilespmem:s14], [sflag:$0xE], $0x2000, $0x38;
	[tilespmem:$0x14000] =	vst v63  }
0x193: {  	_ =	swait.ge [sflag:s23], $0x2000  }
0x194: {  	[sflag:s23] =	ssyncset.done $0x0  }
0x195: {  	[sflag:s23] =	ssyncadd.s32 $0xFFFFE000  }
0x196: {  	v2 =	vld.msk [tilespmem:s4+$0xFFFFFF00], $0xff;
	_ =	sdelay $0x4  }
0x197: {  	v3 =	vshll.u32 v2, $0x3  }
0x198: {  	v2 =	vand.u32 $0x7, v2;
	v3 =	vand.u32 $0xFFFFFFC0, v3  }
0x199: {  	v2 =	vor.u32 v2, v3  }
0x19a: {  	v2 =	vperm.xlane v2, v0;
	_ =	sdelay $0x1  }
0x19b: {  	v2 =	vadd.s32 v1, v2;
	_ =	sdelay $0x4  }
0x19c: {  	[tilespmem:s12], [sflag:$0x5] =	stream.indirect_vreg.gather [hbm4b:s2+s3], $0x80, v2, vm0, $0xb8;
	[tilespmem:$0x14000] =	vst v63  }
0x19d: {  	s12 =	simm.s32 $0xC800  }
0x19e: {  	[tilespmem:s12], [sflag:$0x5] =	stream.indirect_vreg.gather [hbm4b:s5+s3], $0x80, v2, vm0, $0xb8;
	[tilespmem:$0x14000] =	vst v63  }
0x19f: {  	s15 =	simm.s32 $0xD000  }
0x1a0: {  	[tilespmem:s15], [sflag:$0x5] =	stream.indirect_vreg.gather [hbm4b:s6+s3], $0x80, v2, vm0, $0xb8;
	[tilespmem:$0x14000] =	vst v63  }
0x1a1: {  	s18 =	simm.s32 $0xD800  }
0x1a2: {  	[tilespmem:s18], [sflag:$0x5] =	stream.indirect_vreg.gather [hbm4b:s8+s3], $0x80, v2, vm0, $0xb8;
	[tilespmem:$0x14000] =	vst v63  }
0x1a3: {  	_ =	swait.ge [sflag:s24], $0x2000  }
0x1a4: {  	[sflag:s24] =	ssyncset.done $0x0  }
0x1a5: {  	s31 =	sadd.s32 $0x3800, s26;
	s15 =	simm.s32 $0x10000;
	[sflag:s24] =	ssyncadd.s32 $0xFFFFE000  }
0x1a6: {  	[hbm4b:s31+s3] =	stream.linear.scatter [tilespmem:s15], [sflag:$0xF], $0x2000, $0x38;
	[tilespmem:$0x14000] =	vst v63  }
0x1a7: {  	_ =	swait.ge [sflag:s25], $0x2000  }
0x1a8: {  	[sflag:s25] =	ssyncset.done $0x0  }
0x1a9: {  	[sflag:s25] =	ssyncadd.s32 $0xFFFFE000  }
0x1aa: {  	v2 =	vld.msk [tilespmem:s4+$0xFFFFFF80], $0xff;
	_ =	sdelay $0x4  }
0x1ab: {  	v3 =	vshll.u32 v2, $0x3  }
0x1ac: {  	v2 =	vand.u32 $0x7, v2;
	v3 =	vand.u32 $0xFFFFFFC0, v3  }
0x1ad: {  	v2 =	vor.u32 v2, v3  }
0x1ae: {  	v2 =	vperm.xlane v2, v0;
	_ =	sdelay $0x1  }
0x1af: {  	v2 =	vadd.s32 v1, v2;
	_ =	sdelay $0x4  }
0x1b0: {  	[tilespmem:s14], [sflag:$0x6] =	stream.indirect_vreg.gather [hbm4b:s2+s3], $0x80, v2, vm0, $0xb8;
	[tilespmem:$0x14000] =	vst v63  }
0x1b1: {  	s14 =	simm.s32 $0xE800  }
0x1b2: {  	[tilespmem:s14], [sflag:$0x6] =	stream.indirect_vreg.gather [hbm4b:s5+s3], $0x80, v2, vm0, $0xb8;
	[tilespmem:$0x14000] =	vst v63  }
0x1b3: {  	s18 =	simm.s32 $0xF000  }
0x1b4: {  	[tilespmem:s18], [sflag:$0x6] =	stream.indirect_vreg.gather [hbm4b:s6+s3], $0x80, v2, vm0, $0xb8;
	[tilespmem:$0x14000] =	vst v63  }
0x1b5: {  	s18 =	simm.s32 $0xF800  }
0x1b6: {  	[tilespmem:s18], [sflag:$0x6] =	stream.indirect_vreg.gather [hbm4b:s8+s3], $0x80, v2, vm0, $0xb8;
	[tilespmem:$0x14000] =	vst v63  }
0x1b7: {  	_ =	swait.ge [sflag:s28], $0x2000  }
0x1b8: {  	[sflag:s28] =	ssyncset.done $0x0  }
0x1b9: {  	s26 =	sadd.s32 $0x3C00, s26;
	[sflag:s28] =	ssyncadd.s32 $0xFFFFE000  }
0x1ba: {  	[hbm4b:s26+s3] =	stream.linear.scatter [tilespmem:s16], [sflag:$0x10], $0x2000, $0x38;
	[tilespmem:$0x14000] =	vst v63  }
0x1bb: {  	_ =	swait.ge [sflag:s29], $0x2000  }
0x1bc: {  	[sflag:s29] =	ssyncset.done $0x0  }
0x1bd: {  	[sflag:s29] =	ssyncadd.s32 $0xFFFFE000  }
0x1be: {  	v2 =	vld.msk [tilespmem:s4+$0x0], $0xff;
	_ =	sdelay $0x4  }
0x1bf: {  	v3 =	vshll.u32 v2, $0x3  }
0x1c0: {  	v2 =	vand.u32 $0x7, v2;
	v3 =	vand.u32 $0xFFFFFFC0, v3  }
0x1c1: {  	v2 =	vor.u32 v2, v3  }
0x1c2: {  	v2 =	vperm.xlane v2, v0;
	_ =	sdelay $0x1  }
0x1c3: {  	v2 =	vadd.s32 v1, v2;
	_ =	sdelay $0x3  }
0x1c4: {  	p0 =	sne.s32 s10, $0x1A000;
	s10 =	sadd.s32 $0x2000, s10  }
0x1c5: {  	[tilespmem:s15], [sflag:$0x7] =	stream.indirect_vreg.gather [hbm4b:s2+s3], $0x80, v2, vm0, $0xb8;
	[tilespmem:$0x14000] =	vst v63  }
0x1c6: {  	s9 =	simm.s32 $0x4000;
	s7 =	simm.s32 $0x6000;
	s15 =	simm.s32 $0x10800  }
0x1c7: {  	[tilespmem:s15], [sflag:$0x7] =	stream.indirect_vreg.gather [hbm4b:s5+s3], $0x80, v2, vm0, $0xb8;
	[tilespmem:$0x14000] =	vst v63  }
.Ltmp0:
0x1c8: {  	s21 =	simm.s32 $0x8000;
	s11 =	simm.s32 $0xC000;
	(pc) =	sbr.rel @p0 .LBB2_2-.Ltmp0, $4  }
0x1c9: {  	s17 =	simm.s32 $0xA000;
	s31 =	simm.s32 $0xE000;
	s18 =	simm.s32 $0x11000  }
0x1ca: {  	[tilespmem:s18], [sflag:$0x7] =	stream.indirect_vreg.gather [hbm4b:s6+s3], $0x80, v2, vm0, $0xb8;
	[tilespmem:$0x14000] =	vst v63  }
0x1cb: {  	s26 =	simm.s32 $0x10000;
	s4 =	sadd.s32 $0x400, s4;
	s18 =	simm.s32 $0x11800  }
0x1cc: {  	[tilespmem:s18], [sflag:$0x7] =	stream.indirect_vreg.gather [hbm4b:s8+s3], $0x80, v2, vm0, $0xb8;
	[tilespmem:$0x14000] =	vst v63  }
0x1cd: {  	s4 =	simm.s32 $0x1  }
0x1ce: {  	_ =	swait.ge [sflag:s4], $0x2000  }
0x1cf: {  	[sflag:s4] =	ssyncset.done $0x0  }
0x1d0: {  	s10 =	rddreg [dreg:$0xe];
	[sflag:s4] =	ssyncadd.s32 $0xFFFFE000  }
0x1d1: {  	[hbm4b:s10+s3] =	stream.linear.scatter [tilespmem:s9], [sflag:$0x9], $0x2000, $0x38;
	[tilespmem:$0x14000] =	vst v63  }
0x1d2: {  	_ =	swait.ge [sflag:s0], $0x2000  }
0x1d3: {  	[sflag:s0] =	ssyncset.done $0x0  }
0x1d4: {  	[sflag:s0] =	ssyncadd.s32 $0xFFFFE000  }
0x1d5: {  	v2 =	vld.msk [tilespmem:$0x3F80], $0xff;
	_ =	sdelay $0x4  }
0x1d6: {  	v3 =	vshll.u32 v2, $0x3  }
0x1d7: {  	v2 =	vand.u32 $0x7, v2;
	v3 =	vand.u32 $0xFFFFFFC0, v3  }
0x1d8: {  	v2 =	vor.u32 v2, v3  }
0x1d9: {  	v2 =	vperm.xlane v2, v0;
	_ =	sdelay $0x1  }
0x1da: {  	v2 =	vadd.s32 v1, v2;
	_ =	sdelay $0x3  }
0x1db: {  	s9 =	simm.s32 $0x12000  }
0x1dc: {  	[tilespmem:s9], [sflag:$0x8] =	stream.indirect_vreg.gather [hbm4b:s2+s3], $0x80, v2, vm0, $0xb8;
	[tilespmem:$0x14000] =	vst v63  }
0x1dd: {  	s16 =	simm.s32 $0x12800  }
0x1de: {  	[tilespmem:s16], [sflag:$0x8] =	stream.indirect_vreg.gather [hbm4b:s5+s3], $0x80, v2, vm0, $0xb8;
	[tilespmem:$0x14000] =	vst v63  }
0x1df: {  	s18 =	simm.s32 $0x13000  }
0x1e0: {  	[tilespmem:s18], [sflag:$0x8] =	stream.indirect_vreg.gather [hbm4b:s6+s3], $0x80, v2, vm0, $0xb8;
	[tilespmem:$0x14000] =	vst v63  }
0x1e1: {  	s10 =	simm.s32 $0x13800;
	s16 =	simm.s32 $0x2  }
0x1e2: {  	[tilespmem:s10], [sflag:$0x8] =	stream.indirect_vreg.gather [hbm4b:s8+s3], $0x80, v2, vm0, $0xb8;
	[tilespmem:$0x14000] =	vst v63  }
0x1e3: {  	_ =	swait.ge [sflag:s16], $0x2000  }
0x1e4: {  	[sflag:s16] =	ssyncset.done $0x0  }
0x1e5: {  	s18 =	rddreg [dreg:$0xf];
	[sflag:s16] =	ssyncadd.s32 $0xFFFFE000  }
0x1e6: {  	[hbm4b:s18+s3] =	stream.linear.scatter [tilespmem:s7], [sflag:$0xA], $0x2000, $0x38;
	[tilespmem:$0x14000] =	vst v63  }
0x1e7: {  	s7 =	simm.s32 $0x9  }
0x1e8: {  	_ =	swait.ge [sflag:s7], $0x2000  }
0x1e9: {  	[sflag:s7] =	ssyncset.done $0x0  }
0x1ea: {  	s10 =	simm.s32 $0x3;
	[sflag:s7] =	ssyncadd.s32 $0xFFFFE000  }
0x1eb: {  	_ =	swait.ge [sflag:s10], $0x2000  }
0x1ec: {  	[sflag:s10] =	ssyncset.done $0x0  }
0x1ed: {  	s18 =	simm.s32 $0xA;
	s16 =	rddreg [dreg:$0x10];
	[sflag:s10] =	ssyncadd.s32 $0xFFFFE000  }
0x1ee: {  	[hbm4b:s16+s3] =	stream.linear.scatter [tilespmem:s21], [sflag:$0xB], $0x2000, $0x38;
	[tilespmem:$0x14000] =	vst v63  }
0x1ef: {  	_ =	swait.ge [sflag:s18], $0x2000  }
0x1f0: {  	[sflag:s18] =	ssyncset.done $0x0  }
0x1f1: {  	s21 =	simm.s32 $0x4;
	[sflag:s18] =	ssyncadd.s32 $0xFFFFE000  }
0x1f2: {  	_ =	swait.ge [sflag:s21], $0x2000  }
0x1f3: {  	[sflag:s21] =	ssyncset.done $0x0  }
0x1f4: {  	s10 =	simm.s32 $0xB;
	s7 =	rddreg [dreg:$0x11];
	[sflag:s21] =	ssyncadd.s32 $0xFFFFE000  }
0x1f5: {  	[hbm4b:s7+s3] =	stream.linear.scatter [tilespmem:s17], [sflag:$0xC], $0x2000, $0x38;
	[tilespmem:$0x14000] =	vst v63  }
0x1f6: {  	_ =	swait.ge [sflag:s10], $0x2000  }
0x1f7: {  	[sflag:s10] =	ssyncset.done $0x0  }
0x1f8: {  	[sflag:s10] =	ssyncadd.s32 $0xFFFFE000  }
0x1f9: {  	_ =	swait.ge [sflag:s19], $0x2000  }
0x1fa: {  	[sflag:s19] =	ssyncset.done $0x0  }
0x1fb: {  	s16 =	rddreg [dreg:$0x12];
	[sflag:s19] =	ssyncadd.s32 $0xFFFFE000  }
0x1fc: {  	[hbm4b:s16+s3] =	stream.linear.scatter [tilespmem:s11], [sflag:$0xD], $0x2000, $0x38;
	[tilespmem:$0x14000] =	vst v63  }
0x1fd: {  	_ =	swait.ge [sflag:s20], $0x2000  }
0x1fe: {  	[sflag:s20] =	ssyncset.done $0x0  }
0x1ff: {  	[sflag:s20] =	ssyncadd.s32 $0xFFFFE000  }
0x200: {  	_ =	swait.ge [sflag:s22], $0x2000  }
0x201: {  	[sflag:s22] =	ssyncset.done $0x0  }
0x202: {  	s17 =	rddreg [dreg:$0x13];
	[sflag:s22] =	ssyncadd.s32 $0xFFFFE000  }
0x203: {  	[hbm4b:s17+s3] =	stream.linear.scatter [tilespmem:s31], [sflag:$0xE], $0x2000, $0x38;
	[tilespmem:$0x14000] =	vst v63  }
0x204: {  	_ =	swait.ge [sflag:s23], $0x2000  }
0x205: {  	[sflag:s23] =	ssyncset.done $0x0  }
0x206: {  	[sflag:s23] =	ssyncadd.s32 $0xFFFFE000  }
0x207: {  	_ =	swait.ge [sflag:s24], $0x2000  }
0x208: {  	[sflag:s24] =	ssyncset.done $0x0  }
0x209: {  	s18 =	rddreg [dreg:$0x14];
	[sflag:s24] =	ssyncadd.s32 $0xFFFFE000  }
0x20a: {  	[hbm4b:s18+s3] =	stream.linear.scatter [tilespmem:s26], [sflag:$0xF], $0x2000, $0x38;
	[tilespmem:$0x14000] =	vst v63  }
0x20b: {  	_ =	swait.ge [sflag:s25], $0x2000  }
0x20c: {  	[sflag:s25] =	ssyncset.done $0x0  }
0x20d: {  	[sflag:s25] =	ssyncadd.s32 $0xFFFFE000  }
0x20e: {  	_ =	swait.ge [sflag:s28], $0x2000  }
0x20f: {  	[sflag:s28] =	ssyncset.done $0x0  }
0x210: {  	s21 =	rddreg [dreg:$0x15];
	[sflag:s28] =	ssyncadd.s32 $0xFFFFE000  }
0x211: {  	[hbm4b:s21+s3] =	stream.linear.scatter [tilespmem:s9], [sflag:$0x10], $0x2000, $0x38;
	[tilespmem:$0x14000] =	vst v63  }
0x212: {  	_ =	swait.ge [sflag:s29], $0x2000  }
0x213: {  	[sflag:s29] =	ssyncset.done $0x0  }
0x214: {  	[sflag:s29] =	ssyncadd.s32 $0xFFFFE000  }
0x215: {  	_ =	swait.ge [sflag:s0], $0x2000  }
0x216: {  	s26 =	rddreg [dreg:$0x17]  }
0x217: {  	s31 =	rddreg [dreg:$0x16];
	s7 =	sadd.s32 $0x1, s26  }
0x218: {  	p0 =	sne.s32 s7, s31  }
.Ltmp1:
0x219: {  	_ = 	snop;
	(pc) =	sbr.rel @p0 .LBB2_1-.Ltmp1, $4  }
0x21a: {  	_ = 	snop  }
0x21b: {  	s10 =	simm.s32 $0x5000  }
0x21c: {  	s11 =	simm.s32 $0xD000;
	s17 =	simm.s32 $0x5800;
	[sflag:s0] =	ssyncset.done $0x0  }
0x21d: {  	s21 =	simm.s32 $0x7000;
	[sflag:s0] =	ssyncadd.s32 $0xFFFFE000;
	s26 =	simm.s32 $0x7800  }
0x21e: {  	_ =	sfence.sel $0x180000  }
0x21f: {  	[bflag:$0x0] =	sbarrier.arrive $0xFFFF  }
0x220: {  	_ =	strace $0x90000047  }
0x221: {  	s0 =	stileid.u32;
	[bflag:$0x2] =	sbarrier.arrive $0xFFFF  }
0x222: {  	p0 =	sne.s32 s0, $0x0;
	s0 =	rddreg [dreg:$0x3]  }
0x223: {  	s0 =	sadd.s32 @!p0 $0x100000, s0  }
0x224: {  	[sflag:s0] =	ssyncadd.tile.s32 @!p0 $0x1;
	_ =	shalt  }
.Lfunc_end2:
_tile_overlayer_lowered:
.L_overlay_start_2:
0x225: {  	(tag) =	ssettag $0x2  }
0x226: {  	s0 =	rddreg [dreg:$0x0];
	s2 =	stileid.u32  }
0x227: {  	s1 =	rddreg [dreg:$0x1];
	p0 =	sne.s32 s2, $0x0  }
0x228: {  	s3 =	rddreg [dreg:$0x2];
	[bflag:$0x3] =	sbarrier.arrive $0xFFFF;
	s2 =	simm.s32 @!p0 $0x1C11  }
0x229: {  	[timem:s3], [sflag:s2] =	dma.local @!p0 [hbm:s0], s1  }
0x22a: {  	s0 =	simm.s32 @!p0 $0x11  }
0x22b: {  	_ =	swait.ge @!p0 [sflag:s0], s1  }
0x22c: {  	s1 =	ssub.s32 @!p0 $0x0, s1;
	[sflag:s0] =	ssyncset.done @!p0 $0x0  }
0x22d: {  	[sflag:s0] =	ssyncadd.s32 @!p0 s1  }
0x22e: {  	[bflag:$0x3] =	sbarrier.arrive $0xFFFF  }
0x22f: {  	_ =	shalt  }

</sc_bundles>
